<compile_context>
chip_gen: v7x
topology: tpu7x:2x2x1
jax: 0.10.2.dev20260603
libtpu: 0.0.44.dev20260713+nightly
codegen_flags: <defaults>
</compile_context>

<pallas_src>
import functools

import jax
import jax.numpy as jnp
from jax import lax
from jax.experimental import pallas as pl
from jax.experimental.pallas import tpu as pltpu
from jax.experimental.pallas import tpu_sc as plsc

_NC = 2
_NS = 16
_NW = _NC * _NS
_BLK = 128
_S = 512


def _sc_body(feat_hbm, ids_hbm, out_hbm, ids_v, bufs, zbuf, acc,
             sem0, sem1, sem2, sem3,
             *, total_blocks, qsb, extra_sb, rem, nb, d):
    c = lax.axis_index("c")
    s = lax.axis_index("s")
    wid = s * _NC + c
    nblk = 8 * (qsb + (wid < extra_sb).astype(jnp.int32)) \
        + (wid == _NW - 1).astype(jnp.int32) * rem
    start = 8 * (wid * qsb + jnp.minimum(wid, extra_sb))

    def _blk_slice(i):
        bi = jnp.minimum(start + i, total_blocks - 1)
        return feat_hbm.at[pl.ds(bi * _BLK, _BLK)]

    sems = (sem0, sem1, sem2, sem3)
    pltpu.async_copy(_blk_slice(0), bufs.at[0], sems[0])
    pltpu.async_copy(_blk_slice(1), bufs.at[1], sems[1])
    pltpu.async_copy(_blk_slice(2), bufs.at[2], sems[2])

    zero = jnp.zeros((16,), jnp.float32)
    for r in range(_S // _NS):
        for k8 in range(d // 16):
            zbuf[r, pl.ds(k8 * 16, 16)] = zero
    pltpu.sync_copy(zbuf, acc.at[pl.ds(s * (_S // _NS), _S // _NS)])

    pltpu.sync_copy(ids_hbm.at[pl.ds(start, nb)], ids_v)

    plsc.subcore_barrier()

    def _outer(g, carry):
        for b in range(4):
            i = 4 * g + b

            @pl.when(i < nblk)
            def _step():
                pltpu.make_async_copy(_blk_slice(0), bufs.at[b], sems[b]).wait()

                @pl.when(i + 3 < nblk)
                def _refill():
                    b2 = (b + 3) % 4
                    pltpu.async_copy(_blk_slice(i + 3), bufs.at[b2], sems[b2])

                pltpu.sync_copy(bufs.at[b], acc.at[ids_v.at[i]], add=True)
        return carry

    lax.fori_loop(0, nb // 4, _outer, 0)

    plsc.subcore_barrier()
    rows = _S // _NS
    pltpu.sync_copy(acc.at[pl.ds(s * rows, rows)],
                    out_hbm.at[pl.ds(c * _S + s * rows, rows)])


def _combine_body(p_ref, o_ref):
    o_ref[...] = p_ref[:_S, :] + p_ref[_S:, :]


def kernel(feat, segment_ids, num_segments):
    e, d = feat.shape
    total_blocks = e // _BLK
    total_sb = total_blocks // 8
    rem = total_blocks - 8 * total_sb
    qsb = total_sb // _NW
    extra_sb = total_sb - qsb * _NW
    max_blk = max(8 * (qsb + (1 if extra_sb else 0)), 8 * qsb + rem)
    nb = ((max_blk + 3) // 4) * 4

    ids = (segment_ids + (num_segments - _S)).astype(jnp.int32)
    pad_rows = total_blocks + nb
    ids2d = jnp.pad(ids, (0, pad_rows * _BLK - e)).reshape(pad_rows, _BLK)

    mesh = plsc.VectorSubcoreMesh(core_axis_name="c", subcore_axis_name="s",
                                  num_cores=_NC, num_subcores=_NS)
    body = functools.partial(_sc_body, total_blocks=total_blocks, qsb=qsb,
                             extra_sb=extra_sb, rem=rem, nb=nb, d=d)
    partials = pl.kernel(
        body,
        jax.ShapeDtypeStruct((_NC * _S, d), jnp.float32),
        mesh=mesh,
        scratch_types=[
            pltpu.VMEM((nb, _BLK), jnp.int32),
            pltpu.VMEM((4, _BLK, d), jnp.float32),
            pltpu.VMEM((_S // _NS, d), jnp.float32),
            pltpu.VMEM_SHARED((_S, d), jnp.float32),
            pltpu.SemaphoreType.DMA,
            pltpu.SemaphoreType.DMA,
            pltpu.SemaphoreType.DMA,
            pltpu.SemaphoreType.DMA,
        ],
    )(feat, ids2d)

    return pl.pallas_call(
        _combine_body,
        out_shape=jax.ShapeDtypeStruct((_S, d), jnp.float32),
    )(partials)

# --- scband reference (transcript-rebuilt; emitter-appended) ---
"""Pipeline reference for scband-sum-pooling-edges-33586644255162 (READ-ONLY COPY).

The authoritative reference and input builder live on the scoring server;
editing this copy changes nothing except your own understanding.
"""

import jax, jax.numpy as jnp
import numpy as np

E = 320000
D = 128
NUM_SEGMENTS = 512


def setup_inputs(seed: int = 0) -> dict:
    key = jax.random.key(seed)
    k1, k2 = jax.random.split(key)
    feat = jax.random.normal(k1, (E, D), dtype=jnp.float32)
    segment_ids = jnp.sort(jax.random.randint(k2, (E,), 0, NUM_SEGMENTS, dtype=jnp.int64))
    return {"feat": feat, "segment_ids": segment_ids, "num_segments": NUM_SEGMENTS}


def reference(feat, segment_ids, num_segments):
    # dgl.sum_edges(graph, 'e'): per-graph sum of edge features in a batched graph.
    # Equivalent to a segment-sum of edge features keyed by the edge's graph id.
    shift = num_segments - NUM_SEGMENTS
    readout = jax.ops.segment_sum(feat, segment_ids + shift, num_segments=NUM_SEGMENTS)
    return readout

if __name__ == "__main__":
    import jax
    _d = setup_inputs()
    print(jax.jit(kernel)(*tuple(_d.values())))

</pallas_src>

<mosaic_0001>
#map = affine_map<(d0, d1) -> (0, 0)>
module attributes {stable_mosaic.version = 14 : i64} {
  func.func @_sc_body(%arg0: i32, %arg1: i32, %arg2: memref<320000x128xf32, #tpu.memory_space<hbm>>, %arg3: memref<2580x128xi32, #tpu.memory_space<hbm>>, %arg4: memref<1024x128xf32, #tpu.memory_space<hbm>>, %arg5: memref<80x128xi32, #tpu.memory_space<vmem>>, %arg6: memref<4x128x128xf32, #tpu.memory_space<vmem>>, %arg7: memref<32x128xf32, #tpu.memory_space<vmem>>, %arg8: memref<512x128xf32, #tpu.memory_space<vmem_shared>>, %arg9: memref<!tpu.dma_semaphore, #tpu.memory_space<semaphore_mem>>, %arg10: memref<!tpu.dma_semaphore, #tpu.memory_space<semaphore_mem>>, %arg11: memref<!tpu.dma_semaphore, #tpu.memory_space<semaphore_mem>>, %arg12: memref<!tpu.dma_semaphore, #tpu.memory_space<semaphore_mem>>) attributes {dimension_semantics = [#tpu.dimension_semantics<core_parallel>, #tpu.dimension_semantics<subcore_parallel>], iteration_bounds = array<i64: 2, 16>, scalar_prefetch = 0 : i64, scratch_operands = 8 : i64, tpu.core_type = #tpu.core_type<sc_vector_subcore>, window_params = [{transform_indices = #map}, {transform_indices = #map}, {transform_indices = #map}]} {
    %mul3A = arith.constant 2 : i32
    %mul3A_0 = arith.muli %arg1, %mul3A : i32
    %add3A = arith.addi %mul3A_0, %arg0 : i32
    %lt3A = arith.constant 24 : i32
    %lt3A_1 = arith.cmpi slt, %add3A, %lt3A : i32
    %convert_element_type3A = arith.extui %lt3A_1 : i1 to i32
    %add3A_2 = arith.constant 9 : i32
    %add3A_3 = arith.addi %add3A_2, %convert_element_type3A : i32
    %mul3A_4 = arith.constant 8 : i32
    %mul3A_5 = arith.muli %mul3A_4, %add3A_3 : i32
    %eq3A = arith.constant 31 : i32
    %eq3A_6 = arith.cmpi eq, %add3A, %eq3A : i32
    %convert_element_type3A_7 = arith.extui %eq3A_6 : i1 to i32
    %mul3A_8 = arith.constant 4 : i32
    %mul3A_9 = arith.muli %convert_element_type3A_7, %mul3A_8 : i32
    %add3A_10 = arith.addi %mul3A_5, %mul3A_9 : i32
    %mul3A_11 = arith.constant 9 : i32
    %mul3A_12 = arith.muli %add3A, %mul3A_11 : i32
    %min3A = arith.constant 24 : i32
    %min3A_13 = arith.minsi %add3A, %min3A : i32
    %add3A_14 = arith.addi %mul3A_12, %min3A_13 : i32
    %mul3A_15 = arith.constant 8 : i32
    %mul3A_16 = arith.muli %mul3A_15, %add3A_14 : i32
    %add3A_17 = arith.constant 0 : i32
    %add3A_18 = arith.addi %mul3A_16, %add3A_17 : i32
    %min3A_19 = arith.constant 2499 : i32
    %min3A_20 = arith.minsi %add3A_18, %min3A_19 : i32
    %mul3A_21 = arith.constant 128 : i32
    %mul3A_22 = arith.muli %min3A_20, %mul3A_21 : i32
    %dma_start3A = arith.constant 0 : i32
    %dma_start3A_23 = arith.constant 0 : i32
    %dma_start3A_24 = arith.constant 0 : i32
    %dma_start3A_25 = tpu.memref_slice %arg6[%dma_start3A, %dma_start3A_23, %dma_start3A_24] : memref<4x128x128xf32, #tpu.memory_space<vmem>> -> memref<1x128x128xf32, #tpu.memory_space<vmem>>
    %dma_start3A_26 = tpu.memref_squeeze %dma_start3A_25 : memref<1x128x128xf32, #tpu.memory_space<vmem>> -> memref<128x128xf32, #tpu.memory_space<vmem>>
    %dma_start3A_27 = arith.constant 0 : i32
    %dma_start3A_28 = tpu.memref_slice %arg2[%mul3A_22, %dma_start3A_27] : memref<320000x128xf32, #tpu.memory_space<hbm>> -> memref<128x128xf32, #tpu.memory_space<hbm>>
    %dma_start3A_29 = arith.constant 0 : i32
    %dma_start3A_30 = arith.constant 0 : i32
    %dma_start3A_31 = tpu.memref_slice %arg6[%dma_start3A, %dma_start3A_29, %dma_start3A_30] : memref<4x128x128xf32, #tpu.memory_space<vmem>> -> memref<1x128x128xf32, #tpu.memory_space<vmem>>
    %dma_start3A_32 = tpu.memref_squeeze %dma_start3A_31 : memref<1x128x128xf32, #tpu.memory_space<vmem>> -> memref<128x128xf32, #tpu.memory_space<vmem>>
    %dma_start3A_33 = arith.constant 0 : i32
    %dma_start3A_34 = tpu.memref_slice %arg2[%mul3A_22, %dma_start3A_33] : memref<320000x128xf32, #tpu.memory_space<hbm>> -> memref<128x128xf32, #tpu.memory_space<hbm>>
    tpu.enqueue_dma source(%dma_start3A_34 : memref<128x128xf32, #tpu.memory_space<hbm>>) target(%dma_start3A_32 : memref<128x128xf32, #tpu.memory_space<vmem>>) target_semaphore(%arg9 : memref<!tpu.dma_semaphore, #tpu.memory_space<semaphore_mem>>)
    %add3A_35 = arith.constant 1 : i32
    %add3A_36 = arith.addi %mul3A_16, %add3A_35 : i32
    %min3A_37 = arith.constant 2499 : i32
    %min3A_38 = arith.minsi %add3A_36, %min3A_37 : i32
    %mul3A_39 = arith.constant 128 : i32
    %mul3A_40 = arith.muli %min3A_38, %mul3A_39 : i32
    %dma_start3A_41 = arith.constant 1 : i32
    %dma_start3A_42 = arith.constant 0 : i32
    %dma_start3A_43 = arith.constant 0 : i32
    %dma_start3A_44 = tpu.memref_slice %arg6[%dma_start3A_41, %dma_start3A_42, %dma_start3A_43] : memref<4x128x128xf32, #tpu.memory_space<vmem>> -> memref<1x128x128xf32, #tpu.memory_space<vmem>>
    %dma_start3A_45 = tpu.memref_squeeze %dma_start3A_44 : memref<1x128x128xf32, #tpu.memory_space<vmem>> -> memref<128x128xf32, #tpu.memory_space<vmem>>
    %dma_start3A_46 = arith.constant 0 : i32
    %dma_start3A_47 = tpu.memref_slice %arg2[%mul3A_40, %dma_start3A_46] : memref<320000x128xf32, #tpu.memory_space<hbm>> -> memref<128x128xf32, #tpu.memory_space<hbm>>
    %dma_start3A_48 = arith.constant 0 : i32
    %dma_start3A_49 = arith.constant 0 : i32
    %dma_start3A_50 = tpu.memref_slice %arg6[%dma_start3A_41, %dma_start3A_48, %dma_start3A_49] : memref<4x128x128xf32, #tpu.memory_space<vmem>> -> memref<1x128x128xf32, #tpu.memory_space<vmem>>
    %dma_start3A_51 = tpu.memref_squeeze %dma_start3A_50 : memref<1x128x128xf32, #tpu.memory_space<vmem>> -> memref<128x128xf32, #tpu.memory_space<vmem>>
    %dma_start3A_52 = arith.constant 0 : i32
    %dma_start3A_53 = tpu.memref_slice %arg2[%mul3A_40, %dma_start3A_52] : memref<320000x128xf32, #tpu.memory_space<hbm>> -> memref<128x128xf32, #tpu.memory_space<hbm>>
    tpu.enqueue_dma source(%dma_start3A_53 : memref<128x128xf32, #tpu.memory_space<hbm>>) target(%dma_start3A_51 : memref<128x128xf32, #tpu.memory_space<vmem>>) target_semaphore(%arg10 : memref<!tpu.dma_semaphore, #tpu.memory_space<semaphore_mem>>)
    %add3A_54 = arith.constant 2 : i32
    %add3A_55 = arith.addi %mul3A_16, %add3A_54 : i32
    %min3A_56 = arith.constant 2499 : i32
    %min3A_57 = arith.minsi %add3A_55, %min3A_56 : i32
    %mul3A_58 = arith.constant 128 : i32
    %mul3A_59 = arith.muli %min3A_57, %mul3A_58 : i32
    %dma_start3A_60 = arith.constant 2 : i32
    %dma_start3A_61 = arith.constant 0 : i32
    %dma_start3A_62 = arith.constant 0 : i32
    %dma_start3A_63 = tpu.memref_slice %arg6[%dma_start3A_60, %dma_start3A_61, %dma_start3A_62] : memref<4x128x128xf32, #tpu.memory_space<vmem>> -> memref<1x128x128xf32, #tpu.memory_space<vmem>>
    %dma_start3A_64 = tpu.memref_squeeze %dma_start3A_63 : memref<1x128x128xf32, #tpu.memory_space<vmem>> -> memref<128x128xf32, #tpu.memory_space<vmem>>
    %dma_start3A_65 = arith.constant 0 : i32
    %dma_start3A_66 = tpu.memref_slice %arg2[%mul3A_59, %dma_start3A_65] : memref<320000x128xf32, #tpu.memory_space<hbm>> -> memref<128x128xf32, #tpu.memory_space<hbm>>
    %dma_start3A_67 = arith.constant 0 : i32
    %dma_start3A_68 = arith.constant 0 : i32
    %dma_start3A_69 = tpu.memref_slice %arg6[%dma_start3A_60, %dma_start3A_67, %dma_start3A_68] : memref<4x128x128xf32, #tpu.memory_space<vmem>> -> memref<1x128x128xf32, #tpu.memory_space<vmem>>
    %dma_start3A_70 = tpu.memref_squeeze %dma_start3A_69 : memref<1x128x128xf32, #tpu.memory_space<vmem>> -> memref<128x128xf32, #tpu.memory_space<vmem>>
    %dma_start3A_71 = arith.constant 0 : i32
    %dma_start3A_72 = tpu.memref_slice %arg2[%mul3A_59, %dma_start3A_71] : memref<320000x128xf32, #tpu.memory_space<hbm>> -> memref<128x128xf32, #tpu.memory_space<hbm>>
    tpu.enqueue_dma source(%dma_start3A_72 : memref<128x128xf32, #tpu.memory_space<hbm>>) target(%dma_start3A_70 : memref<128x128xf32, #tpu.memory_space<vmem>>) target_semaphore(%arg11 : memref<!tpu.dma_semaphore, #tpu.memory_space<semaphore_mem>>)
    %broadcast_in_dim3A = arith.constant 0.000000e+00 : f32
    %broadcast_in_dim3A_73 = vector.broadcast %broadcast_in_dim3A : f32 to vector<16xf32>
    %swap3A = arith.constant 0 : i32
    %swap3A_74 = arith.index_cast %swap3A : i32 to index
    %swap3A_75 = arith.constant 0 : index
    %swap3A_76 = tpu.vector_load %arg7[%swap3A_74, %swap3A_75] {strides = array<i32>} : memref<32x128xf32, #tpu.memory_space<vmem>>, vector<1x16xf32>,
    %swap3A_77 = vector.shape_cast %swap3A_76 : vector<1x16xf32> to vector<16xf32>
    %swap3A_78 = vector.shape_cast %broadcast_in_dim3A_73 : vector<16xf32> to vector<1x16xf32>
    tpu.vector_store %arg7[%swap3A_74, %swap3A_75], %swap3A_78 {strides = array<i32>} : memref<32x128xf32, #tpu.memory_space<vmem>>, vector<1x16xf32>,
    %swap3A_79 = arith.constant 0 : i32
    %swap3A_80 = arith.index_cast %swap3A_79 : i32 to index
    %swap3A_81 = arith.constant 16 : index
    %swap3A_82 = tpu.vector_load %arg7[%swap3A_80, %swap3A_81] {strides = array<i32>} : memref<32x128xf32, #tpu.memory_space<vmem>>, vector<1x16xf32>,
    %swap3A_83 = vector.shape_cast %swap3A_82 : vector<1x16xf32> to vector<16xf32>
    %swap3A_84 = vector.shape_cast %broadcast_in_dim3A_73 : vector<16xf32> to vector<1x16xf32>
    tpu.vector_store %arg7[%swap3A_80, %swap3A_81], %swap3A_84 {strides = array<i32>} : memref<32x128xf32, #tpu.memory_space<vmem>>, vector<1x16xf32>,
    %swap3A_85 = arith.constant 0 : i32
    %swap3A_86 = arith.index_cast %swap3A_85 : i32 to index
    %swap3A_87 = arith.constant 32 : index
    %swap3A_88 = tpu.vector_load %arg7[%swap3A_86, %swap3A_87] {strides = array<i32>} : memref<32x128xf32, #tpu.memory_space<vmem>>, vector<1x16xf32>,
    %swap3A_89 = vector.shape_cast %swap3A_88 : vector<1x16xf32> to vector<16xf32>
    %swap3A_90 = vector.shape_cast %broadcast_in_dim3A_73 : vector<16xf32> to vector<1x16xf32>
    tpu.vector_store %arg7[%swap3A_86, %swap3A_87], %swap3A_90 {strides = array<i32>} : memref<32x128xf32, #tpu.memory_space<vmem>>, vector<1x16xf32>,
    %swap3A_91 = arith.constant 0 : i32
    %swap3A_92 = arith.index_cast %swap3A_91 : i32 to index
    %swap3A_93 = arith.constant 48 : index
    %swap3A_94 = tpu.vector_load %arg7[%swap3A_92, %swap3A_93] {strides = array<i32>} : memref<32x128xf32, #tpu.memory_space<vmem>>, vector<1x16xf32>,
    %swap3A_95 = vector.shape_cast %swap3A_94 : vector<1x16xf32> to vector<16xf32>
    %swap3A_96 = vector.shape_cast %broadcast_in_dim3A_73 : vector<16xf32> to vector<1x16xf32>
    tpu.vector_store %arg7[%swap3A_92, %swap3A_93], %swap3A_96 {strides = array<i32>} : memref<32x128xf32, #tpu.memory_space<vmem>>, vector<1x16xf32>,
    %swap3A_97 = arith.constant 0 : i32
    %swap3A_98 = arith.index_cast %swap3A_97 : i32 to index
    %swap3A_99 = arith.constant 64 : index
    %swap3A_100 = tpu.vector_load %arg7[%swap3A_98, %swap3A_99] {strides = array<i32>} : memref<32x128xf32, #tpu.memory_space<vmem>>, vector<1x16xf32>,
    %swap3A_101 = vector.shape_cast %swap3A_100 : vector<1x16xf32> to vector<16xf32>
    %swap3A_102 = vector.shape_cast %broadcast_in_dim3A_73 : vector<16xf32> to vector<1x16xf32>
    tpu.vector_store %arg7[%swap3A_98, %swap3A_99], %swap3A_102 {strides = array<i32>} : memref<32x128xf32, #tpu.memory_space<vmem>>, vector<1x16xf32>,
    %swap3A_103 = arith.constant 0 : i32
    %swap3A_104 = arith.index_cast %swap3A_103 : i32 to index
    %swap3A_105 = arith.constant 80 : index
    %swap3A_106 = tpu.vector_load %arg7[%swap3A_104, %swap3A_105] {strides = array<i32>} : memref<32x128xf32, #tpu.memory_space<vmem>>, vector<1x16xf32>,
    %swap3A_107 = vector.shape_cast %swap3A_106 : vector<1x16xf32> to vector<16xf32>
    %swap3A_108 = vector.shape_cast %broadcast_in_dim3A_73 : vector<16xf32> to vector<1x16xf32>
    tpu.vector_store %arg7[%swap3A_104, %swap3A_105], %swap3A_108 {strides = array<i32>} : memref<32x128xf32, #tpu.memory_space<vmem>>, vector<1x16xf32>,
    %swap3A_109 = arith.constant 0 : i32
    %swap3A_110 = arith.index_cast %swap3A_109 : i32 to index
    %swap3A_111 = arith.constant 96 : index
    %swap3A_112 = tpu.vector_load %arg7[%swap3A_110, %swap3A_111] {strides = array<i32>} : memref<32x128xf32, #tpu.memory_space<vmem>>, vector<1x16xf32>,
    %swap3A_113 = vector.shape_cast %swap3A_112 : vector<1x16xf32> to vector<16xf32>
    %swap3A_114 = vector.shape_cast %broadcast_in_dim3A_73 : vector<16xf32> to vector<1x16xf32>
    tpu.vector_store %arg7[%swap3A_110, %swap3A_111], %swap3A_114 {strides = array<i32>} : memref<32x128xf32, #tpu.memory_space<vmem>>, vector<1x16xf32>,
    %swap3A_115 = arith.constant 0 : i32
    %swap3A_116 = arith.index_cast %swap3A_115 : i32 to index
    %swap3A_117 = arith.constant 112 : index
    %swap3A_118 = tpu.vector_load %arg7[%swap3A_116, %swap3A_117] {strides = array<i32>} : memref<32x128xf32, #tpu.memory_space<vmem>>, vector<1x16xf32>,
    %swap3A_119 = vector.shape_cast %swap3A_118 : vector<1x16xf32> to vector<16xf32>
    %swap3A_120 = vector.shape_cast %broadcast_in_dim3A_73 : vector<16xf32> to vector<1x16xf32>
    tpu.vector_store %arg7[%swap3A_116, %swap3A_117], %swap3A_120 {strides = array<i32>} : memref<32x128xf32, #tpu.memory_space<vmem>>, vector<1x16xf32>,
    %swap3A_121 = arith.constant 1 : i32
    %swap3A_122 = arith.index_cast %swap3A_121 : i32 to index
    %swap3A_123 = arith.constant 0 : index
    %swap3A_124 = tpu.vector_load %arg7[%swap3A_122, %swap3A_123] {strides = array<i32>} : memref<32x128xf32, #tpu.memory_space<vmem>>, vector<1x16xf32>,
    %swap3A_125 = vector.shape_cast %swap3A_124 : vector<1x16xf32> to vector<16xf32>
    %swap3A_126 = vector.shape_cast %broadcast_in_dim3A_73 : vector<16xf32> to vector<1x16xf32>
    tpu.vector_store %arg7[%swap3A_122, %swap3A_123], %swap3A_126 {strides = array<i32>} : memref<32x128xf32, #tpu.memory_space<vmem>>, vector<1x16xf32>,
    %swap3A_127 = arith.constant 1 : i32
    %swap3A_128 = arith.index_cast %swap3A_127 : i32 to index
    %swap3A_129 = arith.constant 16 : index
    %swap3A_130 = tpu.vector_load %arg7[%swap3A_128, %swap3A_129] {strides = array<i32>} : memref<32x128xf32, #tpu.memory_space<vmem>>, vector<1x16xf32>,
    %swap3A_131 = vector.shape_cast %swap3A_130 : vector<1x16xf32> to vector<16xf32>
    %swap3A_132 = vector.shape_cast %broadcast_in_dim3A_73 : vector<16xf32> to vector<1x16xf32>
    tpu.vector_store %arg7[%swap3A_128, %swap3A_129], %swap3A_132 {strides = array<i32>} : memref<32x128xf32, #tpu.memory_space<vmem>>, vector<1x16xf32>,
    %swap3A_133 = arith.constant 1 : i32
    %swap3A_134 = arith.index_cast %swap3A_133 : i32 to index
    %swap3A_135 = arith.constant 32 : index
    %swap3A_136 = tpu.vector_load %arg7[%swap3A_134, %swap3A_135] {strides = array<i32>} : memref<32x128xf32, #tpu.memory_space<vmem>>, vector<1x16xf32>,
    %swap3A_137 = vector.shape_cast %swap3A_136 : vector<1x16xf32> to vector<16xf32>
    %swap3A_138 = vector.shape_cast %broadcast_in_dim3A_73 : vector<16xf32> to vector<1x16xf32>
    tpu.vector_store %arg7[%swap3A_134, %swap3A_135], %swap3A_138 {strides = array<i32>} : memref<32x128xf32, #tpu.memory_space<vmem>>, vector<1x16xf32>,
    %swap3A_139 = arith.constant 1 : i32
    %swap3A_140 = arith.index_cast %swap3A_139 : i32 to index
    %swap3A_141 = arith.constant 48 : index
    %swap3A_142 = tpu.vector_load %arg7[%swap3A_140, %swap3A_141] {strides = array<i32>} : memref<32x128xf32, #tpu.memory_space<vmem>>, vector<1x16xf32>,
    %swap3A_143 = vector.shape_cast %swap3A_142 : vector<1x16xf32> to vector<16xf32>
    %swap3A_144 = vector.shape_cast %broadcast_in_dim3A_73 : vector<16xf32> to vector<1x16xf32>
    tpu.vector_store %arg7[%swap3A_140, %swap3A_141], %swap3A_144 {strides = array<i32>} : memref<32x128xf32, #tpu.memory_space<vmem>>, vector<1x16xf32>,
    %swap3A_145 = arith.constant 1 : i32
    %swap3A_146 = arith.index_cast %swap3A_145 : i32 to index
    %swap3A_147 = arith.constant 64 : index
    %swap3A_148 = tpu.vector_load %arg7[%swap3A_146, %swap3A_147] {strides = array<i32>} : memref<32x128xf32, #tpu.memory_space<vmem>>, vector<1x16xf32>,
    %swap3A_149 = vector.shape_cast %swap3A_148 : vector<1x16xf32> to vector<16xf32>
    %swap3A_150 = vector.shape_cast %broadcast_in_dim3A_73 : vector<16xf32> to vector<1x16xf32>
    tpu.vector_store %arg7[%swap3A_146, %swap3A_147], %swap3A_150 {strides = array<i32>} : memref<32x128xf32, #tpu.memory_space<vmem>>, vector<1x16xf32>,
    %swap3A_151 = arith.constant 1 : i32
    %swap3A_152 = arith.index_cast %swap3A_151 : i32 to index
    %swap3A_153 = arith.constant 80 : index
    %swap3A_154 = tpu.vector_load %arg7[%swap3A_152, %swap3A_153] {strides = array<i32>} : memref<32x128xf32, #tpu.memory_space<vmem>>, vector<1x16xf32>,
    %swap3A_155 = vector.shape_cast %swap3A_154 : vector<1x16xf32> to vector<16xf32>
    %swap3A_156 = vector.shape_cast %broadcast_in_dim3A_73 : vector<16xf32> to vector<1x16xf32>
    tpu.vector_store %arg7[%swap3A_152, %swap3A_153], %swap3A_156 {strides = array<i32>} : memref<32x128xf32, #tpu.memory_space<vmem>>, vector<1x16xf32>,
    %swap3A_157 = arith.constant 1 : i32
    %swap3A_158 = arith.index_cast %swap3A_157 : i32 to index
    %swap3A_159 = arith.constant 96 : index
    %swap3A_160 = tpu.vector_load %arg7[%swap3A_158, %swap3A_159] {strides = array<i32>} : memref<32x128xf32, #tpu.memory_space<vmem>>, vector<1x16xf32>,
    %swap3A_161 = vector.shape_cast %swap3A_160 : vector<1x16xf32> to vector<16xf32>
    %swap3A_162 = vector.shape_cast %broadcast_in_dim3A_73 : vector<16xf32> to vector<1x16xf32>
    tpu.vector_store %arg7[%swap3A_158, %swap3A_159], %swap3A_162 {strides = array<i32>} : memref<32x128xf32, #tpu.memory_space<vmem>>, vector<1x16xf32>,
    %swap3A_163 = arith.constant 1 : i32
    %swap3A_164 = arith.index_cast %swap3A_163 : i32 to index
    %swap3A_165 = arith.constant 112 : index
    %swap3A_166 = tpu.vector_load %arg7[%swap3A_164, %swap3A_165] {strides = array<i32>} : memref<32x128xf32, #tpu.memory_space<vmem>>, vector<1x16xf32>,
    %swap3A_167 = vector.shape_cast %swap3A_166 : vector<1x16xf32> to vector<16xf32>
    %swap3A_168 = vector.shape_cast %broadcast_in_dim3A_73 : vector<16xf32> to vector<1x16xf32>
    tpu.vector_store %arg7[%swap3A_164, %swap3A_165], %swap3A_168 {strides = array<i32>} : memref<32x128xf32, #tpu.memory_space<vmem>>, vector<1x16xf32>,
    %swap3A_169 = arith.constant 2 : i32
    %swap3A_170 = arith.index_cast %swap3A_169 : i32 to index
    %swap3A_171 = arith.constant 0 : index
    %swap3A_172 = tpu.vector_load %arg7[%swap3A_170, %swap3A_171] {strides = array<i32>} : memref<32x128xf32, #tpu.memory_space<vmem>>, vector<1x16xf32>,
    %swap3A_173 = vector.shape_cast %swap3A_172 : vector<1x16xf32> to vector<16xf32>
    %swap3A_174 = vector.shape_cast %broadcast_in_dim3A_73 : vector<16xf32> to vector<1x16xf32>
    tpu.vector_store %arg7[%swap3A_170, %swap3A_171], %swap3A_174 {strides = array<i32>} : memref<32x128xf32, #tpu.memory_space<vmem>>, vector<1x16xf32>,
    %swap3A_175 = arith.constant 2 : i32
    %swap3A_176 = arith.index_cast %swap3A_175 : i32 to index
    %swap3A_177 = arith.constant 16 : index
    %swap3A_178 = tpu.vector_load %arg7[%swap3A_176, %swap3A_177] {strides = array<i32>} : memref<32x128xf32, #tpu.memory_space<vmem>>, vector<1x16xf32>,
    %swap3A_179 = vector.shape_cast %swap3A_178 : vector<1x16xf32> to vector<16xf32>
    %swap3A_180 = vector.shape_cast %broadcast_in_dim3A_73 : vector<16xf32> to vector<1x16xf32>
    tpu.vector_store %arg7[%swap3A_176, %swap3A_177], %swap3A_180 {strides = array<i32>} : memref<32x128xf32, #tpu.memory_space<vmem>>, vector<1x16xf32>,
    %swap3A_181 = arith.constant 2 : i32
    %swap3A_182 = arith.index_cast %swap3A_181 : i32 to index
    %swap3A_183 = arith.constant 32 : index
    %swap3A_184 = tpu.vector_load %arg7[%swap3A_182, %swap3A_183] {strides = array<i32>} : memref<32x128xf32, #tpu.memory_space<vmem>>, vector<1x16xf32>,
    %swap3A_185 = vector.shape_cast %swap3A_184 : vector<1x16xf32> to vector<16xf32>
    %swap3A_186 = vector.shape_cast %broadcast_in_dim3A_73 : vector<16xf32> to vector<1x16xf32>
    tpu.vector_store %arg7[%swap3A_182, %swap3A_183], %swap3A_186 {strides = array<i32>} : memref<32x128xf32, #tpu.memory_space<vmem>>, vector<1x16xf32>,
    %swap3A_187 = arith.constant 2 : i32
    %swap3A_188 = arith.index_cast %swap3A_187 : i32 to index
    %swap3A_189 = arith.constant 48 : index
    %swap3A_190 = tpu.vector_load %arg7[%swap3A_188, %swap3A_189] {strides = array<i32>} : memref<32x128xf32, #tpu.memory_space<vmem>>, vector<1x16xf32>,
    %swap3A_191 = vector.shape_cast %swap3A_190 : vector<1x16xf32> to vector<16xf32>
    %swap3A_192 = vector.shape_cast %broadcast_in_dim3A_73 : vector<16xf32> to vector<1x16xf32>
    tpu.vector_store %arg7[%swap3A_188, %swap3A_189], %swap3A_192 {strides = array<i32>} : memref<32x128xf32, #tpu.memory_space<vmem>>, vector<1x16xf32>,
    %swap3A_193 = arith.constant 2 : i32
    %swap3A_194 = arith.index_cast %swap3A_193 : i32 to index
    %swap3A_195 = arith.constant 64 : index
    %swap3A_196 = tpu.vector_load %arg7[%swap3A_194, %swap3A_195] {strides = array<i32>} : memref<32x128xf32, #tpu.memory_space<vmem>>, vector<1x16xf32>,
    %swap3A_197 = vector.shape_cast %swap3A_196 : vector<1x16xf32> to vector<16xf32>
    %swap3A_198 = vector.shape_cast %broadcast_in_dim3A_73 : vector<16xf32> to vector<1x16xf32>
    tpu.vector_store %arg7[%swap3A_194, %swap3A_195], %swap3A_198 {strides = array<i32>} : memref<32x128xf32, #tpu.memory_space<vmem>>, vector<1x16xf32>,
    %swap3A_199 = arith.constant 2 : i32
    %swap3A_200 = arith.index_cast %swap3A_199 : i32 to index
    %swap3A_201 = arith.constant 80 : index
    %swap3A_202 = tpu.vector_load %arg7[%swap3A_200, %swap3A_201] {strides = array<i32>} : memref<32x128xf32, #tpu.memory_space<vmem>>, vector<1x16xf32>,
    %swap3A_203 = vector.shape_cast %swap3A_202 : vector<1x16xf32> to vector<16xf32>
    %swap3A_204 = vector.shape_cast %broadcast_in_dim3A_73 : vector<16xf32> to vector<1x16xf32>
    tpu.vector_store %arg7[%swap3A_200, %swap3A_201], %swap3A_204 {strides = array<i32>} : memref<32x128xf32, #tpu.memory_space<vmem>>, vector<1x16xf32>,
    %swap3A_205 = arith.constant 2 : i32
    %swap3A_206 = arith.index_cast %swap3A_205 : i32 to index
    %swap3A_207 = arith.constant 96 : index
    %swap3A_208 = tpu.vector_load %arg7[%swap3A_206, %swap3A_207] {strides = array<i32>} : memref<32x128xf32, #tpu.memory_space<vmem>>, vector<1x16xf32>,
    %swap3A_209 = vector.shape_cast %swap3A_208 : vector<1x16xf32> to vector<16xf32>
    %swap3A_210 = vector.shape_cast %broadcast_in_dim3A_73 : vector<16xf32> to vector<1x16xf32>
    tpu.vector_store %arg7[%swap3A_206, %swap3A_207], %swap3A_210 {strides = array<i32>} : memref<32x128xf32, #tpu.memory_space<vmem>>, vector<1x16xf32>,
    %swap3A_211 = arith.constant 2 : i32
    %swap3A_212 = arith.index_cast %swap3A_211 : i32 to index
    %swap3A_213 = arith.constant 112 : index
    %swap3A_214 = tpu.vector_load %arg7[%swap3A_212, %swap3A_213] {strides = array<i32>} : memref<32x128xf32, #tpu.memory_space<vmem>>, vector<1x16xf32>,
    %swap3A_215 = vector.shape_cast %swap3A_214 : vector<1x16xf32> to vector<16xf32>
    %swap3A_216 = vector.shape_cast %broadcast_in_dim3A_73 : vector<16xf32> to vector<1x16xf32>
    tpu.vector_store %arg7[%swap3A_212, %swap3A_213], %swap3A_216 {strides = array<i32>} : memref<32x128xf32, #tpu.memory_space<vmem>>, vector<1x16xf32>,
    %swap3A_217 = arith.constant 3 : i32
    %swap3A_218 = arith.index_cast %swap3A_217 : i32 to index
    %swap3A_219 = arith.constant 0 : index
    %swap3A_220 = tpu.vector_load %arg7[%swap3A_218, %swap3A_219] {strides = array<i32>} : memref<32x128xf32, #tpu.memory_space<vmem>>, vector<1x16xf32>,
    %swap3A_221 = vector.shape_cast %swap3A_220 : vector<1x16xf32> to vector<16xf32>
    %swap3A_222 = vector.shape_cast %broadcast_in_dim3A_73 : vector<16xf32> to vector<1x16xf32>
    tpu.vector_store %arg7[%swap3A_218, %swap3A_219], %swap3A_222 {strides = array<i32>} : memref<32x128xf32, #tpu.memory_space<vmem>>, vector<1x16xf32>,
    %swap3A_223 = arith.constant 3 : i32
    %swap3A_224 = arith.index_cast %swap3A_223 : i32 to index
    %swap3A_225 = arith.constant 16 : index
    %swap3A_226 = tpu.vector_load %arg7[%swap3A_224, %swap3A_225] {strides = array<i32>} : memref<32x128xf32, #tpu.memory_space<vmem>>, vector<1x16xf32>,
    %swap3A_227 = vector.shape_cast %swap3A_226 : vector<1x16xf32> to vector<16xf32>
    %swap3A_228 = vector.shape_cast %broadcast_in_dim3A_73 : vector<16xf32> to vector<1x16xf32>
    tpu.vector_store %arg7[%swap3A_224, %swap3A_225], %swap3A_228 {strides = array<i32>} : memref<32x128xf32, #tpu.memory_space<vmem>>, vector<1x16xf32>,
    %swap3A_229 = arith.constant 3 : i32
    %swap3A_230 = arith.index_cast %swap3A_229 : i32 to index
    %swap3A_231 = arith.constant 32 : index
    %swap3A_232 = tpu.vector_load %arg7[%swap3A_230, %swap3A_231] {strides = array<i32>} : memref<32x128xf32, #tpu.memory_space<vmem>>, vector<1x16xf32>,
    %swap3A_233 = vector.shape_cast %swap3A_232 : vector<1x16xf32> to vector<16xf32>
    %swap3A_234 = vector.shape_cast %broadcast_in_dim3A_73 : vector<16xf32> to vector<1x16xf32>
    tpu.vector_store %arg7[%swap3A_230, %swap3A_231], %swap3A_234 {strides = array<i32>} : memref<32x128xf32, #tpu.memory_space<vmem>>, vector<1x16xf32>,
    %swap3A_235 = arith.constant 3 : i32
    %swap3A_236 = arith.index_cast %swap3A_235 : i32 to index
    %swap3A_237 = arith.constant 48 : index
    %swap3A_238 = tpu.vector_load %arg7[%swap3A_236, %swap3A_237] {strides = array<i32>} : memref<32x128xf32, #tpu.memory_space<vmem>>, vector<1x16xf32>,
    %swap3A_239 = vector.shape_cast %swap3A_238 : vector<1x16xf32> to vector<16xf32>
    %swap3A_240 = vector.shape_cast %broadcast_in_dim3A_73 : vector<16xf32> to vector<1x16xf32>
    tpu.vector_store %arg7[%swap3A_236, %swap3A_237], %swap3A_240 {strides = array<i32>} : memref<32x128xf32, #tpu.memory_space<vmem>>, vector<1x16xf32>,
    %swap3A_241 = arith.constant 3 : i32
    %swap3A_242 = arith.index_cast %swap3A_241 : i32 to index
    %swap3A_243 = arith.constant 64 : index
    %swap3A_244 = tpu.vector_load %arg7[%swap3A_242, %swap3A_243] {strides = array<i32>} : memref<32x128xf32, #tpu.memory_space<vmem>>, vector<1x16xf32>,
    %swap3A_245 = vector.shape_cast %swap3A_244 : vector<1x16xf32> to vector<16xf32>
    %swap3A_246 = vector.shape_cast %broadcast_in_dim3A_73 : vector<16xf32> to vector<1x16xf32>
    tpu.vector_store %arg7[%swap3A_242, %swap3A_243], %swap3A_246 {strides = array<i32>} : memref<32x128xf32, #tpu.memory_space<vmem>>, vector<1x16xf32>,
    %swap3A_247 = arith.constant 3 : i32
    %swap3A_248 = arith.index_cast %swap3A_247 : i32 to index
    %swap3A_249 = arith.constant 80 : index
    %swap3A_250 = tpu.vector_load %arg7[%swap3A_248, %swap3A_249] {strides = array<i32>} : memref<32x128xf32, #tpu.memory_space<vmem>>, vector<1x16xf32>,
    %swap3A_251 = vector.shape_cast %swap3A_250 : vector<1x16xf32> to vector<16xf32>
    %swap3A_252 = vector.shape_cast %broadcast_in_dim3A_73 : vector<16xf32> to vector<1x16xf32>
    tpu.vector_store %arg7[%swap3A_248, %swap3A_249], %swap3A_252 {strides = array<i32>} : memref<32x128xf32, #tpu.memory_space<vmem>>, vector<1x16xf32>,
    %swap3A_253 = arith.constant 3 : i32
    %swap3A_254 = arith.index_cast %swap3A_253 : i32 to index
    %swap3A_255 = arith.constant 96 : index
    %swap3A_256 = tpu.vector_load %arg7[%swap3A_254, %swap3A_255] {strides = array<i32>} : memref<32x128xf32, #tpu.memory_space<vmem>>, vector<1x16xf32>,
    %swap3A_257 = vector.shape_cast %swap3A_256 : vector<1x16xf32> to vector<16xf32>
    %swap3A_258 = vector.shape_cast %broadcast_in_dim3A_73 : vector<16xf32> to vector<1x16xf32>
    tpu.vector_store %arg7[%swap3A_254, %swap3A_255], %swap3A_258 {strides = array<i32>} : memref<32x128xf32, #tpu.memory_space<vmem>>, vector<1x16xf32>,
    %swap3A_259 = arith.constant 3 : i32
    %swap3A_260 = arith.index_cast %swap3A_259 : i32 to index
    %swap3A_261 = arith.constant 112 : index
    %swap3A_262 = tpu.vector_load %arg7[%swap3A_260, %swap3A_261] {strides = array<i32>} : memref<32x128xf32, #tpu.memory_space<vmem>>, vector<1x16xf32>,
    %swap3A_263 = vector.shape_cast %swap3A_262 : vector<1x16xf32> to vector<16xf32>
    %swap3A_264 = vector.shape_cast %broadcast_in_dim3A_73 : vector<16xf32> to vector<1x16xf32>
    tpu.vector_store %arg7[%swap3A_260, %swap3A_261], %swap3A_264 {strides = array<i32>} : memref<32x128xf32, #tpu.memory_space<vmem>>, vector<1x16xf32>,
    %swap3A_265 = arith.constant 4 : i32
    %swap3A_266 = arith.index_cast %swap3A_265 : i32 to index
    %swap3A_267 = arith.constant 0 : index
    %swap3A_268 = tpu.vector_load %arg7[%swap3A_266, %swap3A_267] {strides = array<i32>} : memref<32x128xf32, #tpu.memory_space<vmem>>, vector<1x16xf32>,
    %swap3A_269 = vector.shape_cast %swap3A_268 : vector<1x16xf32> to vector<16xf32>
    %swap3A_270 = vector.shape_cast %broadcast_in_dim3A_73 : vector<16xf32> to vector<1x16xf32>
    tpu.vector_store %arg7[%swap3A_266, %swap3A_267], %swap3A_270 {strides = array<i32>} : memref<32x128xf32, #tpu.memory_space<vmem>>, vector<1x16xf32>,
    %swap3A_271 = arith.constant 4 : i32
    %swap3A_272 = arith.index_cast %swap3A_271 : i32 to index
    %swap3A_273 = arith.constant 16 : index
    %swap3A_274 = tpu.vector_load %arg7[%swap3A_272, %swap3A_273] {strides = array<i32>} : memref<32x128xf32, #tpu.memory_space<vmem>>, vector<1x16xf32>,
    %swap3A_275 = vector.shape_cast %swap3A_274 : vector<1x16xf32> to vector<16xf32>
    %swap3A_276 = vector.shape_cast %broadcast_in_dim3A_73 : vector<16xf32> to vector<1x16xf32>
    tpu.vector_store %arg7[%swap3A_272, %swap3A_273], %swap3A_276 {strides = array<i32>} : memref<32x128xf32, #tpu.memory_space<vmem>>, vector<1x16xf32>,
    %swap3A_277 = arith.constant 4 : i32
    %swap3A_278 = arith.index_cast %swap3A_277 : i32 to index
    %swap3A_279 = arith.constant 32 : index
    %swap3A_280 = tpu.vector_load %arg7[%swap3A_278, %swap3A_279] {strides = array<i32>} : memref<32x128xf32, #tpu.memory_space<vmem>>, vector<1x16xf32>,
    %swap3A_281 = vector.shape_cast %swap3A_280 : vector<1x16xf32> to vector<16xf32>
    %swap3A_282 = vector.shape_cast %broadcast_in_dim3A_73 : vector<16xf32> to vector<1x16xf32>
    tpu.vector_store %arg7[%swap3A_278, %swap3A_279], %swap3A_282 {strides = array<i32>} : memref<32x128xf32, #tpu.memory_space<vmem>>, vector<1x16xf32>,
    %swap3A_283 = arith.constant 4 : i32
    %swap3A_284 = arith.index_cast %swap3A_283 : i32 to index
    %swap3A_285 = arith.constant 48 : index
    %swap3A_286 = tpu.vector_load %arg7[%swap3A_284, %swap3A_285] {strides = array<i32>} : memref<32x128xf32, #tpu.memory_space<vmem>>, vector<1x16xf32>,
    %swap3A_287 = vector.shape_cast %swap3A_286 : vector<1x16xf32> to vector<16xf32>
    %swap3A_288 = vector.shape_cast %broadcast_in_dim3A_73 : vector<16xf32> to vector<1x16xf32>
    tpu.vector_store %arg7[%swap3A_284, %swap3A_285], %swap3A_288 {strides = array<i32>} : memref<32x128xf32, #tpu.memory_space<vmem>>, vector<1x16xf32>,
    %swap3A_289 = arith.constant 4 : i32
    %swap3A_290 = arith.index_cast %swap3A_289 : i32 to index
    %swap3A_291 = arith.constant 64 : index
    %swap3A_292 = tpu.vector_load %arg7[%swap3A_290, %swap3A_291] {strides = array<i32>} : memref<32x128xf32, #tpu.memory_space<vmem>>, vector<1x16xf32>,
    %swap3A_293 = vector.shape_cast %swap3A_292 : vector<1x16xf32> to vector<16xf32>
    %swap3A_294 = vector.shape_cast %broadcast_in_dim3A_73 : vector<16xf32> to vector<1x16xf32>
    tpu.vector_store %arg7[%swap3A_290, %swap3A_291], %swap3A_294 {strides = array<i32>} : memref<32x128xf32, #tpu.memory_space<vmem>>, vector<1x16xf32>,
    %swap3A_295 = arith.constant 4 : i32
    %swap3A_296 = arith.index_cast %swap3A_295 : i32 to index
    %swap3A_297 = arith.constant 80 : index
    %swap3A_298 = tpu.vector_load %arg7[%swap3A_296, %swap3A_297] {strides = array<i32>} : memref<32x128xf32, #tpu.memory_space<vmem>>, vector<1x16xf32>,
    %swap3A_299 = vector.shape_cast %swap3A_298 : vector<1x16xf32> to vector<16xf32>
    %swap3A_300 = vector.shape_cast %broadcast_in_dim3A_73 : vector<16xf32> to vector<1x16xf32>
    tpu.vector_store %arg7[%swap3A_296, %swap3A_297], %swap3A_300 {strides = array<i32>} : memref<32x128xf32, #tpu.memory_space<vmem>>, vector<1x16xf32>,
    %swap3A_301 = arith.constant 4 : i32
    %swap3A_302 = arith.index_cast %swap3A_301 : i32 to index
    %swap3A_303 = arith.constant 96 : index
    %swap3A_304 = tpu.vector_load %arg7[%swap3A_302, %swap3A_303] {strides = array<i32>} : memref<32x128xf32, #tpu.memory_space<vmem>>, vector<1x16xf32>,
    %swap3A_305 = vector.shape_cast %swap3A_304 : vector<1x16xf32> to vector<16xf32>
    %swap3A_306 = vector.shape_cast %broadcast_in_dim3A_73 : vector<16xf32> to vector<1x16xf32>
    tpu.vector_store %arg7[%swap3A_302, %swap3A_303], %swap3A_306 {strides = array<i32>} : memref<32x128xf32, #tpu.memory_space<vmem>>, vector<1x16xf32>,
    %swap3A_307 = arith.constant 4 : i32
    %swap3A_308 = arith.index_cast %swap3A_307 : i32 to index
    %swap3A_309 = arith.constant 112 : index
    %swap3A_310 = tpu.vector_load %arg7[%swap3A_308, %swap3A_309] {strides = array<i32>} : memref<32x128xf32, #tpu.memory_space<vmem>>, vector<1x16xf32>,
    %swap3A_311 = vector.shape_cast %swap3A_310 : vector<1x16xf32> to vector<16xf32>
    %swap3A_312 = vector.shape_cast %broadcast_in_dim3A_73 : vector<16xf32> to vector<1x16xf32>
    tpu.vector_store %arg7[%swap3A_308, %swap3A_309], %swap3A_312 {strides = array<i32>} : memref<32x128xf32, #tpu.memory_space<vmem>>, vector<1x16xf32>,
    %swap3A_313 = arith.constant 5 : i32
    %swap3A_314 = arith.index_cast %swap3A_313 : i32 to index
    %swap3A_315 = arith.constant 0 : index
    %swap3A_316 = tpu.vector_load %arg7[%swap3A_314, %swap3A_315] {strides = array<i32>} : memref<32x128xf32, #tpu.memory_space<vmem>>, vector<1x16xf32>,
    %swap3A_317 = vector.shape_cast %swap3A_316 : vector<1x16xf32> to vector<16xf32>
    %swap3A_318 = vector.shape_cast %broadcast_in_dim3A_73 : vector<16xf32> to vector<1x16xf32>
    tpu.vector_store %arg7[%swap3A_314, %swap3A_315], %swap3A_318 {strides = array<i32>} : memref<32x128xf32, #tpu.memory_space<vmem>>, vector<1x16xf32>,
    %swap3A_319 = arith.constant 5 : i32
    %swap3A_320 = arith.index_cast %swap3A_319 : i32 to index
    %swap3A_321 = arith.constant 16 : index
    %swap3A_322 = tpu.vector_load %arg7[%swap3A_320, %swap3A_321] {strides = array<i32>} : memref<32x128xf32, #tpu.memory_space<vmem>>, vector<1x16xf32>,
    %swap3A_323 = vector.shape_cast %swap3A_322 : vector<1x16xf32> to vector<16xf32>
    %swap3A_324 = vector.shape_cast %broadcast_in_dim3A_73 : vector<16xf32> to vector<1x16xf32>
    tpu.vector_store %arg7[%swap3A_320, %swap3A_321], %swap3A_324 {strides = array<i32>} : memref<32x128xf32, #tpu.memory_space<vmem>>, vector<1x16xf32>,
    %swap3A_325 = arith.constant 5 : i32
    %swap3A_326 = arith.index_cast %swap3A_325 : i32 to index
    %swap3A_327 = arith.constant 32 : index
    %swap3A_328 = tpu.vector_load %arg7[%swap3A_326, %swap3A_327] {strides = array<i32>} : memref<32x128xf32, #tpu.memory_space<vmem>>, vector<1x16xf32>,
    %swap3A_329 = vector.shape_cast %swap3A_328 : vector<1x16xf32> to vector<16xf32>
    %swap3A_330 = vector.shape_cast %broadcast_in_dim3A_73 : vector<16xf32> to vector<1x16xf32>
    tpu.vector_store %arg7[%swap3A_326, %swap3A_327], %swap3A_330 {strides = array<i32>} : memref<32x128xf32, #tpu.memory_space<vmem>>, vector<1x16xf32>,
    %swap3A_331 = arith.constant 5 : i32
    %swap3A_332 = arith.index_cast %swap3A_331 : i32 to index
    %swap3A_333 = arith.constant 48 : index
    %swap3A_334 = tpu.vector_load %arg7[%swap3A_332, %swap3A_333] {strides = array<i32>} : memref<32x128xf32, #tpu.memory_space<vmem>>, vector<1x16xf32>,
    %swap3A_335 = vector.shape_cast %swap3A_334 : vector<1x16xf32> to vector<16xf32>
    %swap3A_336 = vector.shape_cast %broadcast_in_dim3A_73 : vector<16xf32> to vector<1x16xf32>
    tpu.vector_store %arg7[%swap3A_332, %swap3A_333], %swap3A_336 {strides = array<i32>} : memref<32x128xf32, #tpu.memory_space<vmem>>, vector<1x16xf32>,
    %swap3A_337 = arith.constant 5 : i32
    %swap3A_338 = arith.index_cast %swap3A_337 : i32 to index
    %swap3A_339 = arith.constant 64 : index
    %swap3A_340 = tpu.vector_load %arg7[%swap3A_338, %swap3A_339] {strides = array<i32>} : memref<32x128xf32, #tpu.memory_space<vmem>>, vector<1x16xf32>,
    %swap3A_341 = vector.shape_cast %swap3A_340 : vector<1x16xf32> to vector<16xf32>
    %swap3A_342 = vector.shape_cast %broadcast_in_dim3A_73 : vector<16xf32> to vector<1x16xf32>
    tpu.vector_store %arg7[%swap3A_338, %swap3A_339], %swap3A_342 {strides = array<i32>} : memref<32x128xf32, #tpu.memory_space<vmem>>, vector<1x16xf32>,
    %swap3A_343 = arith.constant 5 : i32
    %swap3A_344 = arith.index_cast %swap3A_343 : i32 to index
    %swap3A_345 = arith.constant 80 : index
    %swap3A_346 = tpu.vector_load %arg7[%swap3A_344, %swap3A_345] {strides = array<i32>} : memref<32x128xf32, #tpu.memory_space<vmem>>, vector<1x16xf32>,
    %swap3A_347 = vector.shape_cast %swap3A_346 : vector<1x16xf32> to vector<16xf32>
    %swap3A_348 = vector.shape_cast %broadcast_in_dim3A_73 : vector<16xf32> to vector<1x16xf32>
    tpu.vector_store %arg7[%swap3A_344, %swap3A_345], %swap3A_348 {strides = array<i32>} : memref<32x128xf32, #tpu.memory_space<vmem>>, vector<1x16xf32>,
    %swap3A_349 = arith.constant 5 : i32
    %swap3A_350 = arith.index_cast %swap3A_349 : i32 to index
    %swap3A_351 = arith.constant 96 : index
    %swap3A_352 = tpu.vector_load %arg7[%swap3A_350, %swap3A_351] {strides = array<i32>} : memref<32x128xf32, #tpu.memory_space<vmem>>, vector<1x16xf32>,
    %swap3A_353 = vector.shape_cast %swap3A_352 : vector<1x16xf32> to vector<16xf32>
    %swap3A_354 = vector.shape_cast %broadcast_in_dim3A_73 : vector<16xf32> to vector<1x16xf32>
    tpu.vector_store %arg7[%swap3A_350, %swap3A_351], %swap3A_354 {strides = array<i32>} : memref<32x128xf32, #tpu.memory_space<vmem>>, vector<1x16xf32>,
    %swap3A_355 = arith.constant 5 : i32
    %swap3A_356 = arith.index_cast %swap3A_355 : i32 to index
    %swap3A_357 = arith.constant 112 : index
    %swap3A_358 = tpu.vector_load %arg7[%swap3A_356, %swap3A_357] {strides = array<i32>} : memref<32x128xf32, #tpu.memory_space<vmem>>, vector<1x16xf32>,
    %swap3A_359 = vector.shape_cast %swap3A_358 : vector<1x16xf32> to vector<16xf32>
    %swap3A_360 = vector.shape_cast %broadcast_in_dim3A_73 : vector<16xf32> to vector<1x16xf32>
    tpu.vector_store %arg7[%swap3A_356, %swap3A_357], %swap3A_360 {strides = array<i32>} : memref<32x128xf32, #tpu.memory_space<vmem>>, vector<1x16xf32>,
    %swap3A_361 = arith.constant 6 : i32
    %swap3A_362 = arith.index_cast %swap3A_361 : i32 to index
    %swap3A_363 = arith.constant 0 : index
    %swap3A_364 = tpu.vector_load %arg7[%swap3A_362, %swap3A_363] {strides = array<i32>} : memref<32x128xf32, #tpu.memory_space<vmem>>, vector<1x16xf32>,
    %swap3A_365 = vector.shape_cast %swap3A_364 : vector<1x16xf32> to vector<16xf32>
    %swap3A_366 = vector.shape_cast %broadcast_in_dim3A_73 : vector<16xf32> to vector<1x16xf32>
    tpu.vector_store %arg7[%swap3A_362, %swap3A_363], %swap3A_366 {strides = array<i32>} : memref<32x128xf32, #tpu.memory_space<vmem>>, vector<1x16xf32>,
    %swap3A_367 = arith.constant 6 : i32
    %swap3A_368 = arith.index_cast %swap3A_367 : i32 to index
    %swap3A_369 = arith.constant 16 : index
    %swap3A_370 = tpu.vector_load %arg7[%swap3A_368, %swap3A_369] {strides = array<i32>} : memref<32x128xf32, #tpu.memory_space<vmem>>, vector<1x16xf32>,
    %swap3A_371 = vector.shape_cast %swap3A_370 : vector<1x16xf32> to vector<16xf32>
    %swap3A_372 = vector.shape_cast %broadcast_in_dim3A_73 : vector<16xf32> to vector<1x16xf32>
    tpu.vector_store %arg7[%swap3A_368, %swap3A_369], %swap3A_372 {strides = array<i32>} : memref<32x128xf32, #tpu.memory_space<vmem>>, vector<1x16xf32>,
    %swap3A_373 = arith.constant 6 : i32
    %swap3A_374 = arith.index_cast %swap3A_373 : i32 to index
    %swap3A_375 = arith.constant 32 : index
    %swap3A_376 = tpu.vector_load %arg7[%swap3A_374, %swap3A_375] {strides = array<i32>} : memref<32x128xf32, #tpu.memory_space<vmem>>, vector<1x16xf32>,
    %swap3A_377 = vector.shape_cast %swap3A_376 : vector<1x16xf32> to vector<16xf32>
    %swap3A_378 = vector.shape_cast %broadcast_in_dim3A_73 : vector<16xf32> to vector<1x16xf32>
    tpu.vector_store %arg7[%swap3A_374, %swap3A_375], %swap3A_378 {strides = array<i32>} : memref<32x128xf32, #tpu.memory_space<vmem>>, vector<1x16xf32>,
    %swap3A_379 = arith.constant 6 : i32
    %swap3A_380 = arith.index_cast %swap3A_379 : i32 to index
    %swap3A_381 = arith.constant 48 : index
    %swap3A_382 = tpu.vector_load %arg7[%swap3A_380, %swap3A_381] {strides = array<i32>} : memref<32x128xf32, #tpu.memory_space<vmem>>, vector<1x16xf32>,
    %swap3A_383 = vector.shape_cast %swap3A_382 : vector<1x16xf32> to vector<16xf32>
    %swap3A_384 = vector.shape_cast %broadcast_in_dim3A_73 : vector<16xf32> to vector<1x16xf32>
    tpu.vector_store %arg7[%swap3A_380, %swap3A_381], %swap3A_384 {strides = array<i32>} : memref<32x128xf32, #tpu.memory_space<vmem>>, vector<1x16xf32>,
    %swap3A_385 = arith.constant 6 : i32
    %swap3A_386 = arith.index_cast %swap3A_385 : i32 to index
    %swap3A_387 = arith.constant 64 : index
    %swap3A_388 = tpu.vector_load %arg7[%swap3A_386, %swap3A_387] {strides = array<i32>} : memref<32x128xf32, #tpu.memory_space<vmem>>, vector<1x16xf32>,
    %swap3A_389 = vector.shape_cast %swap3A_388 : vector<1x16xf32> to vector<16xf32>
    %swap3A_390 = vector.shape_cast %broadcast_in_dim3A_73 : vector<16xf32> to vector<1x16xf32>
    tpu.vector_store %arg7[%swap3A_386, %swap3A_387], %swap3A_390 {strides = array<i32>} : memref<32x128xf32, #tpu.memory_space<vmem>>, vector<1x16xf32>,
    %swap3A_391 = arith.constant 6 : i32
    %swap3A_392 = arith.index_cast %swap3A_391 : i32 to index
    %swap3A_393 = arith.constant 80 : index
    %swap3A_394 = tpu.vector_load %arg7[%swap3A_392, %swap3A_393] {strides = array<i32>} : memref<32x128xf32, #tpu.memory_space<vmem>>, vector<1x16xf32>,
    %swap3A_395 = vector.shape_cast %swap3A_394 : vector<1x16xf32> to vector<16xf32>
    %swap3A_396 = vector.shape_cast %broadcast_in_dim3A_73 : vector<16xf32> to vector<1x16xf32>
    tpu.vector_store %arg7[%swap3A_392, %swap3A_393], %swap3A_396 {strides = array<i32>} : memref<32x128xf32, #tpu.memory_space<vmem>>, vector<1x16xf32>,
    %swap3A_397 = arith.constant 6 : i32
    %swap3A_398 = arith.index_cast %swap3A_397 : i32 to index
    %swap3A_399 = arith.constant 96 : index
    %swap3A_400 = tpu.vector_load %arg7[%swap3A_398, %swap3A_399] {strides = array<i32>} : memref<32x128xf32, #tpu.memory_space<vmem>>, vector<1x16xf32>,
    %swap3A_401 = vector.shape_cast %swap3A_400 : vector<1x16xf32> to vector<16xf32>
    %swap3A_402 = vector.shape_cast %broadcast_in_dim3A_73 : vector<16xf32> to vector<1x16xf32>
    tpu.vector_store %arg7[%swap3A_398, %swap3A_399], %swap3A_402 {strides = array<i32>} : memref<32x128xf32, #tpu.memory_space<vmem>>, vector<1x16xf32>,
    %swap3A_403 = arith.constant 6 : i32
    %swap3A_404 = arith.index_cast %swap3A_403 : i32 to index
    %swap3A_405 = arith.constant 112 : index
    %swap3A_406 = tpu.vector_load %arg7[%swap3A_404, %swap3A_405] {strides = array<i32>} : memref<32x128xf32, #tpu.memory_space<vmem>>, vector<1x16xf32>,
    %swap3A_407 = vector.shape_cast %swap3A_406 : vector<1x16xf32> to vector<16xf32>
    %swap3A_408 = vector.shape_cast %broadcast_in_dim3A_73 : vector<16xf32> to vector<1x16xf32>
    tpu.vector_store %arg7[%swap3A_404, %swap3A_405], %swap3A_408 {strides = array<i32>} : memref<32x128xf32, #tpu.memory_space<vmem>>, vector<1x16xf32>,
    %swap3A_409 = arith.constant 7 : i32
    %swap3A_410 = arith.index_cast %swap3A_409 : i32 to index
    %swap3A_411 = arith.constant 0 : index
    %swap3A_412 = tpu.vector_load %arg7[%swap3A_410, %swap3A_411] {strides = array<i32>} : memref<32x128xf32, #tpu.memory_space<vmem>>, vector<1x16xf32>,
    %swap3A_413 = vector.shape_cast %swap3A_412 : vector<1x16xf32> to vector<16xf32>
    %swap3A_414 = vector.shape_cast %broadcast_in_dim3A_73 : vector<16xf32> to vector<1x16xf32>
    tpu.vector_store %arg7[%swap3A_410, %swap3A_411], %swap3A_414 {strides = array<i32>} : memref<32x128xf32, #tpu.memory_space<vmem>>, vector<1x16xf32>,
    %swap3A_415 = arith.constant 7 : i32
    %swap3A_416 = arith.index_cast %swap3A_415 : i32 to index
    %swap3A_417 = arith.constant 16 : index
    %swap3A_418 = tpu.vector_load %arg7[%swap3A_416, %swap3A_417] {strides = array<i32>} : memref<32x128xf32, #tpu.memory_space<vmem>>, vector<1x16xf32>,
    %swap3A_419 = vector.shape_cast %swap3A_418 : vector<1x16xf32> to vector<16xf32>
    %swap3A_420 = vector.shape_cast %broadcast_in_dim3A_73 : vector<16xf32> to vector<1x16xf32>
    tpu.vector_store %arg7[%swap3A_416, %swap3A_417], %swap3A_420 {strides = array<i32>} : memref<32x128xf32, #tpu.memory_space<vmem>>, vector<1x16xf32>,
    %swap3A_421 = arith.constant 7 : i32
    %swap3A_422 = arith.index_cast %swap3A_421 : i32 to index
    %swap3A_423 = arith.constant 32 : index
    %swap3A_424 = tpu.vector_load %arg7[%swap3A_422, %swap3A_423] {strides = array<i32>} : memref<32x128xf32, #tpu.memory_space<vmem>>, vector<1x16xf32>,
    %swap3A_425 = vector.shape_cast %swap3A_424 : vector<1x16xf32> to vector<16xf32>
    %swap3A_426 = vector.shape_cast %broadcast_in_dim3A_73 : vector<16xf32> to vector<1x16xf32>
    tpu.vector_store %arg7[%swap3A_422, %swap3A_423], %swap3A_426 {strides = array<i32>} : memref<32x128xf32, #tpu.memory_space<vmem>>, vector<1x16xf32>,
    %swap3A_427 = arith.constant 7 : i32
    %swap3A_428 = arith.index_cast %swap3A_427 : i32 to index
    %swap3A_429 = arith.constant 48 : index
    %swap3A_430 = tpu.vector_load %arg7[%swap3A_428, %swap3A_429] {strides = array<i32>} : memref<32x128xf32, #tpu.memory_space<vmem>>, vector<1x16xf32>,
    %swap3A_431 = vector.shape_cast %swap3A_430 : vector<1x16xf32> to vector<16xf32>
    %swap3A_432 = vector.shape_cast %broadcast_in_dim3A_73 : vector<16xf32> to vector<1x16xf32>
    tpu.vector_store %arg7[%swap3A_428, %swap3A_429], %swap3A_432 {strides = array<i32>} : memref<32x128xf32, #tpu.memory_space<vmem>>, vector<1x16xf32>,
    %swap3A_433 = arith.constant 7 : i32
    %swap3A_434 = arith.index_cast %swap3A_433 : i32 to index
    %swap3A_435 = arith.constant 64 : index
    %swap3A_436 = tpu.vector_load %arg7[%swap3A_434, %swap3A_435] {strides = array<i32>} : memref<32x128xf32, #tpu.memory_space<vmem>>, vector<1x16xf32>,
    %swap3A_437 = vector.shape_cast %swap3A_436 : vector<1x16xf32> to vector<16xf32>
    %swap3A_438 = vector.shape_cast %broadcast_in_dim3A_73 : vector<16xf32> to vector<1x16xf32>
    tpu.vector_store %arg7[%swap3A_434, %swap3A_435], %swap3A_438 {strides = array<i32>} : memref<32x128xf32, #tpu.memory_space<vmem>>, vector<1x16xf32>,
    %swap3A_439 = arith.constant 7 : i32
    %swap3A_440 = arith.index_cast %swap3A_439 : i32 to index
    %swap3A_441 = arith.constant 80 : index
    %swap3A_442 = tpu.vector_load %arg7[%swap3A_440, %swap3A_441] {strides = array<i32>} : memref<32x128xf32, #tpu.memory_space<vmem>>, vector<1x16xf32>,
    %swap3A_443 = vector.shape_cast %swap3A_442 : vector<1x16xf32> to vector<16xf32>
    %swap3A_444 = vector.shape_cast %broadcast_in_dim3A_73 : vector<16xf32> to vector<1x16xf32>
    tpu.vector_store %arg7[%swap3A_440, %swap3A_441], %swap3A_444 {strides = array<i32>} : memref<32x128xf32, #tpu.memory_space<vmem>>, vector<1x16xf32>,
    %swap3A_445 = arith.constant 7 : i32
    %swap3A_446 = arith.index_cast %swap3A_445 : i32 to index
    %swap3A_447 = arith.constant 96 : index
    %swap3A_448 = tpu.vector_load %arg7[%swap3A_446, %swap3A_447] {strides = array<i32>} : memref<32x128xf32, #tpu.memory_space<vmem>>, vector<1x16xf32>,
    %swap3A_449 = vector.shape_cast %swap3A_448 : vector<1x16xf32> to vector<16xf32>
    %swap3A_450 = vector.shape_cast %broadcast_in_dim3A_73 : vector<16xf32> to vector<1x16xf32>
    tpu.vector_store %arg7[%swap3A_446, %swap3A_447], %swap3A_450 {strides = array<i32>} : memref<32x128xf32, #tpu.memory_space<vmem>>, vector<1x16xf32>,
    %swap3A_451 = arith.constant 7 : i32
    %swap3A_452 = arith.index_cast %swap3A_451 : i32 to index
    %swap3A_453 = arith.constant 112 : index
    %swap3A_454 = tpu.vector_load %arg7[%swap3A_452, %swap3A_453] {strides = array<i32>} : memref<32x128xf32, #tpu.memory_space<vmem>>, vector<1x16xf32>,
    %swap3A_455 = vector.shape_cast %swap3A_454 : vector<1x16xf32> to vector<16xf32>
    %swap3A_456 = vector.shape_cast %broadcast_in_dim3A_73 : vector<16xf32> to vector<1x16xf32>
    tpu.vector_store %arg7[%swap3A_452, %swap3A_453], %swap3A_456 {strides = array<i32>} : memref<32x128xf32, #tpu.memory_space<vmem>>, vector<1x16xf32>,
    %swap3A_457 = arith.constant 8 : i32
    %swap3A_458 = arith.index_cast %swap3A_457 : i32 to index
    %swap3A_459 = arith.constant 0 : index
    %swap3A_460 = tpu.vector_load %arg7[%swap3A_458, %swap3A_459] {strides = array<i32>} : memref<32x128xf32, #tpu.memory_space<vmem>>, vector<1x16xf32>,
    %swap3A_461 = vector.shape_cast %swap3A_460 : vector<1x16xf32> to vector<16xf32>
    %swap3A_462 = vector.shape_cast %broadcast_in_dim3A_73 : vector<16xf32> to vector<1x16xf32>
    tpu.vector_store %arg7[%swap3A_458, %swap3A_459], %swap3A_462 {strides = array<i32>} : memref<32x128xf32, #tpu.memory_space<vmem>>, vector<1x16xf32>,
    %swap3A_463 = arith.constant 8 : i32
    %swap3A_464 = arith.index_cast %swap3A_463 : i32 to index
    %swap3A_465 = arith.constant 16 : index
    %swap3A_466 = tpu.vector_load %arg7[%swap3A_464, %swap3A_465] {strides = array<i32>} : memref<32x128xf32, #tpu.memory_space<vmem>>, vector<1x16xf32>,
    %swap3A_467 = vector.shape_cast %swap3A_466 : vector<1x16xf32> to vector<16xf32>
    %swap3A_468 = vector.shape_cast %broadcast_in_dim3A_73 : vector<16xf32> to vector<1x16xf32>
    tpu.vector_store %arg7[%swap3A_464, %swap3A_465], %swap3A_468 {strides = array<i32>} : memref<32x128xf32, #tpu.memory_space<vmem>>, vector<1x16xf32>,
    %swap3A_469 = arith.constant 8 : i32
    %swap3A_470 = arith.index_cast %swap3A_469 : i32 to index
    %swap3A_471 = arith.constant 32 : index
    %swap3A_472 = tpu.vector_load %arg7[%swap3A_470, %swap3A_471] {strides = array<i32>} : memref<32x128xf32, #tpu.memory_space<vmem>>, vector<1x16xf32>,
    %swap3A_473 = vector.shape_cast %swap3A_472 : vector<1x16xf32> to vector<16xf32>
    %swap3A_474 = vector.shape_cast %broadcast_in_dim3A_73 : vector<16xf32> to vector<1x16xf32>
    tpu.vector_store %arg7[%swap3A_470, %swap3A_471], %swap3A_474 {strides = array<i32>} : memref<32x128xf32, #tpu.memory_space<vmem>>, vector<1x16xf32>,
    %swap3A_475 = arith.constant 8 : i32
    %swap3A_476 = arith.index_cast %swap3A_475 : i32 to index
    %swap3A_477 = arith.constant 48 : index
    %swap3A_478 = tpu.vector_load %arg7[%swap3A_476, %swap3A_477] {strides = array<i32>} : memref<32x128xf32, #tpu.memory_space<vmem>>, vector<1x16xf32>,
    %swap3A_479 = vector.shape_cast %swap3A_478 : vector<1x16xf32> to vector<16xf32>
    %swap3A_480 = vector.shape_cast %broadcast_in_dim3A_73 : vector<16xf32> to vector<1x16xf32>
    tpu.vector_store %arg7[%swap3A_476, %swap3A_477], %swap3A_480 {strides = array<i32>} : memref<32x128xf32, #tpu.memory_space<vmem>>, vector<1x16xf32>,
    %swap3A_481 = arith.constant 8 : i32
    %swap3A_482 = arith.index_cast %swap3A_481 : i32 to index
    %swap3A_483 = arith.constant 64 : index
    %swap3A_484 = tpu.vector_load %arg7[%swap3A_482, %swap3A_483] {strides = array<i32>} : memref<32x128xf32, #tpu.memory_space<vmem>>, vector<1x16xf32>,
    %swap3A_485 = vector.shape_cast %swap3A_484 : vector<1x16xf32> to vector<16xf32>
    %swap3A_486 = vector.shape_cast %broadcast_in_dim3A_73 : vector<16xf32> to vector<1x16xf32>
    tpu.vector_store %arg7[%swap3A_482, %swap3A_483], %swap3A_486 {strides = array<i32>} : memref<32x128xf32, #tpu.memory_space<vmem>>, vector<1x16xf32>,
    %swap3A_487 = arith.constant 8 : i32
    %swap3A_488 = arith.index_cast %swap3A_487 : i32 to index
    %swap3A_489 = arith.constant 80 : index
    %swap3A_490 = tpu.vector_load %arg7[%swap3A_488, %swap3A_489] {strides = array<i32>} : memref<32x128xf32, #tpu.memory_space<vmem>>, vector<1x16xf32>,
    %swap3A_491 = vector.shape_cast %swap3A_490 : vector<1x16xf32> to vector<16xf32>
    %swap3A_492 = vector.shape_cast %broadcast_in_dim3A_73 : vector<16xf32> to vector<1x16xf32>
    tpu.vector_store %arg7[%swap3A_488, %swap3A_489], %swap3A_492 {strides = array<i32>} : memref<32x128xf32, #tpu.memory_space<vmem>>, vector<1x16xf32>,
    %swap3A_493 = arith.constant 8 : i32
    %swap3A_494 = arith.index_cast %swap3A_493 : i32 to index
    %swap3A_495 = arith.constant 96 : index
    %swap3A_496 = tpu.vector_load %arg7[%swap3A_494, %swap3A_495] {strides = array<i32>} : memref<32x128xf32, #tpu.memory_space<vmem>>, vector<1x16xf32>,
    %swap3A_497 = vector.shape_cast %swap3A_496 : vector<1x16xf32> to vector<16xf32>
    %swap3A_498 = vector.shape_cast %broadcast_in_dim3A_73 : vector<16xf32> to vector<1x16xf32>
    tpu.vector_store %arg7[%swap3A_494, %swap3A_495], %swap3A_498 {strides = array<i32>} : memref<32x128xf32, #tpu.memory_space<vmem>>, vector<1x16xf32>,
    %swap3A_499 = arith.constant 8 : i32
    %swap3A_500 = arith.index_cast %swap3A_499 : i32 to index
    %swap3A_501 = arith.constant 112 : index
    %swap3A_502 = tpu.vector_load %arg7[%swap3A_500, %swap3A_501] {strides = array<i32>} : memref<32x128xf32, #tpu.memory_space<vmem>>, vector<1x16xf32>,
    %swap3A_503 = vector.shape_cast %swap3A_502 : vector<1x16xf32> to vector<16xf32>
    %swap3A_504 = vector.shape_cast %broadcast_in_dim3A_73 : vector<16xf32> to vector<1x16xf32>
    tpu.vector_store %arg7[%swap3A_500, %swap3A_501], %swap3A_504 {strides = array<i32>} : memref<32x128xf32, #tpu.memory_space<vmem>>, vector<1x16xf32>,
    %swap3A_505 = arith.constant 9 : i32
    %swap3A_506 = arith.index_cast %swap3A_505 : i32 to index
    %swap3A_507 = arith.constant 0 : index
    %swap3A_508 = tpu.vector_load %arg7[%swap3A_506, %swap3A_507] {strides = array<i32>} : memref<32x128xf32, #tpu.memory_space<vmem>>, vector<1x16xf32>,
    %swap3A_509 = vector.shape_cast %swap3A_508 : vector<1x16xf32> to vector<16xf32>
    %swap3A_510 = vector.shape_cast %broadcast_in_dim3A_73 : vector<16xf32> to vector<1x16xf32>
    tpu.vector_store %arg7[%swap3A_506, %swap3A_507], %swap3A_510 {strides = array<i32>} : memref<32x128xf32, #tpu.memory_space<vmem>>, vector<1x16xf32>,
    %swap3A_511 = arith.constant 9 : i32
    %swap3A_512 = arith.index_cast %swap3A_511 : i32 to index
    %swap3A_513 = arith.constant 16 : index
    %swap3A_514 = tpu.vector_load %arg7[%swap3A_512, %swap3A_513] {strides = array<i32>} : memref<32x128xf32, #tpu.memory_space<vmem>>, vector<1x16xf32>,
    %swap3A_515 = vector.shape_cast %swap3A_514 : vector<1x16xf32> to vector<16xf32>
    %swap3A_516 = vector.shape_cast %broadcast_in_dim3A_73 : vector<16xf32> to vector<1x16xf32>
    tpu.vector_store %arg7[%swap3A_512, %swap3A_513], %swap3A_516 {strides = array<i32>} : memref<32x128xf32, #tpu.memory_space<vmem>>, vector<1x16xf32>,
    %swap3A_517 = arith.constant 9 : i32
    %swap3A_518 = arith.index_cast %swap3A_517 : i32 to index
    %swap3A_519 = arith.constant 32 : index
    %swap3A_520 = tpu.vector_load %arg7[%swap3A_518, %swap3A_519] {strides = array<i32>} : memref<32x128xf32, #tpu.memory_space<vmem>>, vector<1x16xf32>,
    %swap3A_521 = vector.shape_cast %swap3A_520 : vector<1x16xf32> to vector<16xf32>
    %swap3A_522 = vector.shape_cast %broadcast_in_dim3A_73 : vector<16xf32> to vector<1x16xf32>
    tpu.vector_store %arg7[%swap3A_518, %swap3A_519], %swap3A_522 {strides = array<i32>} : memref<32x128xf32, #tpu.memory_space<vmem>>, vector<1x16xf32>,
    %swap3A_523 = arith.constant 9 : i32
    %swap3A_524 = arith.index_cast %swap3A_523 : i32 to index
    %swap3A_525 = arith.constant 48 : index
    %swap3A_526 = tpu.vector_load %arg7[%swap3A_524, %swap3A_525] {strides = array<i32>} : memref<32x128xf32, #tpu.memory_space<vmem>>, vector<1x16xf32>,
    %swap3A_527 = vector.shape_cast %swap3A_526 : vector<1x16xf32> to vector<16xf32>
    %swap3A_528 = vector.shape_cast %broadcast_in_dim3A_73 : vector<16xf32> to vector<1x16xf32>
    tpu.vector_store %arg7[%swap3A_524, %swap3A_525], %swap3A_528 {strides = array<i32>} : memref<32x128xf32, #tpu.memory_space<vmem>>, vector<1x16xf32>,
    %swap3A_529 = arith.constant 9 : i32
    %swap3A_530 = arith.index_cast %swap3A_529 : i32 to index
    %swap3A_531 = arith.constant 64 : index
    %swap3A_532 = tpu.vector_load %arg7[%swap3A_530, %swap3A_531] {strides = array<i32>} : memref<32x128xf32, #tpu.memory_space<vmem>>, vector<1x16xf32>,
    %swap3A_533 = vector.shape_cast %swap3A_532 : vector<1x16xf32> to vector<16xf32>
    %swap3A_534 = vector.shape_cast %broadcast_in_dim3A_73 : vector<16xf32> to vector<1x16xf32>
    tpu.vector_store %arg7[%swap3A_530, %swap3A_531], %swap3A_534 {strides = array<i32>} : memref<32x128xf32, #tpu.memory_space<vmem>>, vector<1x16xf32>,
    %swap3A_535 = arith.constant 9 : i32
    %swap3A_536 = arith.index_cast %swap3A_535 : i32 to index
    %swap3A_537 = arith.constant 80 : index
    %swap3A_538 = tpu.vector_load %arg7[%swap3A_536, %swap3A_537] {strides = array<i32>} : memref<32x128xf32, #tpu.memory_space<vmem>>, vector<1x16xf32>,
    %swap3A_539 = vector.shape_cast %swap3A_538 : vector<1x16xf32> to vector<16xf32>
    %swap3A_540 = vector.shape_cast %broadcast_in_dim3A_73 : vector<16xf32> to vector<1x16xf32>
    tpu.vector_store %arg7[%swap3A_536, %swap3A_537], %swap3A_540 {strides = array<i32>} : memref<32x128xf32, #tpu.memory_space<vmem>>, vector<1x16xf32>,
    %swap3A_541 = arith.constant 9 : i32
    %swap3A_542 = arith.index_cast %swap3A_541 : i32 to index
    %swap3A_543 = arith.constant 96 : index
    %swap3A_544 = tpu.vector_load %arg7[%swap3A_542, %swap3A_543] {strides = array<i32>} : memref<32x128xf32, #tpu.memory_space<vmem>>, vector<1x16xf32>,
    %swap3A_545 = vector.shape_cast %swap3A_544 : vector<1x16xf32> to vector<16xf32>
    %swap3A_546 = vector.shape_cast %broadcast_in_dim3A_73 : vector<16xf32> to vector<1x16xf32>
    tpu.vector_store %arg7[%swap3A_542, %swap3A_543], %swap3A_546 {strides = array<i32>} : memref<32x128xf32, #tpu.memory_space<vmem>>, vector<1x16xf32>,
    %swap3A_547 = arith.constant 9 : i32
    %swap3A_548 = arith.index_cast %swap3A_547 : i32 to index
    %swap3A_549 = arith.constant 112 : index
    %swap3A_550 = tpu.vector_load %arg7[%swap3A_548, %swap3A_549] {strides = array<i32>} : memref<32x128xf32, #tpu.memory_space<vmem>>, vector<1x16xf32>,
    %swap3A_551 = vector.shape_cast %swap3A_550 : vector<1x16xf32> to vector<16xf32>
    %swap3A_552 = vector.shape_cast %broadcast_in_dim3A_73 : vector<16xf32> to vector<1x16xf32>
    tpu.vector_store %arg7[%swap3A_548, %swap3A_549], %swap3A_552 {strides = array<i32>} : memref<32x128xf32, #tpu.memory_space<vmem>>, vector<1x16xf32>,
    %swap3A_553 = arith.constant 10 : i32
    %swap3A_554 = arith.index_cast %swap3A_553 : i32 to index
    %swap3A_555 = arith.constant 0 : index
    %swap3A_556 = tpu.vector_load %arg7[%swap3A_554, %swap3A_555] {strides = array<i32>} : memref<32x128xf32, #tpu.memory_space<vmem>>, vector<1x16xf32>,
    %swap3A_557 = vector.shape_cast %swap3A_556 : vector<1x16xf32> to vector<16xf32>
    %swap3A_558 = vector.shape_cast %broadcast_in_dim3A_73 : vector<16xf32> to vector<1x16xf32>
    tpu.vector_store %arg7[%swap3A_554, %swap3A_555], %swap3A_558 {strides = array<i32>} : memref<32x128xf32, #tpu.memory_space<vmem>>, vector<1x16xf32>,
    %swap3A_559 = arith.constant 10 : i32
    %swap3A_560 = arith.index_cast %swap3A_559 : i32 to index
    %swap3A_561 = arith.constant 16 : index
    %swap3A_562 = tpu.vector_load %arg7[%swap3A_560, %swap3A_561] {strides = array<i32>} : memref<32x128xf32, #tpu.memory_space<vmem>>, vector<1x16xf32>,
    %swap3A_563 = vector.shape_cast %swap3A_562 : vector<1x16xf32> to vector<16xf32>
    %swap3A_564 = vector.shape_cast %broadcast_in_dim3A_73 : vector<16xf32> to vector<1x16xf32>
    tpu.vector_store %arg7[%swap3A_560, %swap3A_561], %swap3A_564 {strides = array<i32>} : memref<32x128xf32, #tpu.memory_space<vmem>>, vector<1x16xf32>,
    %swap3A_565 = arith.constant 10 : i32
    %swap3A_566 = arith.index_cast %swap3A_565 : i32 to index
    %swap3A_567 = arith.constant 32 : index
    %swap3A_568 = tpu.vector_load %arg7[%swap3A_566, %swap3A_567] {strides = array<i32>} : memref<32x128xf32, #tpu.memory_space<vmem>>, vector<1x16xf32>,
    %swap3A_569 = vector.shape_cast %swap3A_568 : vector<1x16xf32> to vector<16xf32>
    %swap3A_570 = vector.shape_cast %broadcast_in_dim3A_73 : vector<16xf32> to vector<1x16xf32>
    tpu.vector_store %arg7[%swap3A_566, %swap3A_567], %swap3A_570 {strides = array<i32>} : memref<32x128xf32, #tpu.memory_space<vmem>>, vector<1x16xf32>,
    %swap3A_571 = arith.constant 10 : i32
    %swap3A_572 = arith.index_cast %swap3A_571 : i32 to index
    %swap3A_573 = arith.constant 48 : index
    %swap3A_574 = tpu.vector_load %arg7[%swap3A_572, %swap3A_573] {strides = array<i32>} : memref<32x128xf32, #tpu.memory_space<vmem>>, vector<1x16xf32>,
    %swap3A_575 = vector.shape_cast %swap3A_574 : vector<1x16xf32> to vector<16xf32>
    %swap3A_576 = vector.shape_cast %broadcast_in_dim3A_73 : vector<16xf32> to vector<1x16xf32>
    tpu.vector_store %arg7[%swap3A_572, %swap3A_573], %swap3A_576 {strides = array<i32>} : memref<32x128xf32, #tpu.memory_space<vmem>>, vector<1x16xf32>,
    %swap3A_577 = arith.constant 10 : i32
    %swap3A_578 = arith.index_cast %swap3A_577 : i32 to index
    %swap3A_579 = arith.constant 64 : index
    %swap3A_580 = tpu.vector_load %arg7[%swap3A_578, %swap3A_579] {strides = array<i32>} : memref<32x128xf32, #tpu.memory_space<vmem>>, vector<1x16xf32>,
    %swap3A_581 = vector.shape_cast %swap3A_580 : vector<1x16xf32> to vector<16xf32>
    %swap3A_582 = vector.shape_cast %broadcast_in_dim3A_73 : vector<16xf32> to vector<1x16xf32>
    tpu.vector_store %arg7[%swap3A_578, %swap3A_579], %swap3A_582 {strides = array<i32>} : memref<32x128xf32, #tpu.memory_space<vmem>>, vector<1x16xf32>,
    %swap3A_583 = arith.constant 10 : i32
    %swap3A_584 = arith.index_cast %swap3A_583 : i32 to index
    %swap3A_585 = arith.constant 80 : index
    %swap3A_586 = tpu.vector_load %arg7[%swap3A_584, %swap3A_585] {strides = array<i32>} : memref<32x128xf32, #tpu.memory_space<vmem>>, vector<1x16xf32>,
    %swap3A_587 = vector.shape_cast %swap3A_586 : vector<1x16xf32> to vector<16xf32>
    %swap3A_588 = vector.shape_cast %broadcast_in_dim3A_73 : vector<16xf32> to vector<1x16xf32>
    tpu.vector_store %arg7[%swap3A_584, %swap3A_585], %swap3A_588 {strides = array<i32>} : memref<32x128xf32, #tpu.memory_space<vmem>>, vector<1x16xf32>,
    %swap3A_589 = arith.constant 10 : i32
    %swap3A_590 = arith.index_cast %swap3A_589 : i32 to index
    %swap3A_591 = arith.constant 96 : index
    %swap3A_592 = tpu.vector_load %arg7[%swap3A_590, %swap3A_591] {strides = array<i32>} : memref<32x128xf32, #tpu.memory_space<vmem>>, vector<1x16xf32>,
    %swap3A_593 = vector.shape_cast %swap3A_592 : vector<1x16xf32> to vector<16xf32>
    %swap3A_594 = vector.shape_cast %broadcast_in_dim3A_73 : vector<16xf32> to vector<1x16xf32>
    tpu.vector_store %arg7[%swap3A_590, %swap3A_591], %swap3A_594 {strides = array<i32>} : memref<32x128xf32, #tpu.memory_space<vmem>>, vector<1x16xf32>,
    %swap3A_595 = arith.constant 10 : i32
    %swap3A_596 = arith.index_cast %swap3A_595 : i32 to index
    %swap3A_597 = arith.constant 112 : index
    %swap3A_598 = tpu.vector_load %arg7[%swap3A_596, %swap3A_597] {strides = array<i32>} : memref<32x128xf32, #tpu.memory_space<vmem>>, vector<1x16xf32>,
    %swap3A_599 = vector.shape_cast %swap3A_598 : vector<1x16xf32> to vector<16xf32>
    %swap3A_600 = vector.shape_cast %broadcast_in_dim3A_73 : vector<16xf32> to vector<1x16xf32>
    tpu.vector_store %arg7[%swap3A_596, %swap3A_597], %swap3A_600 {strides = array<i32>} : memref<32x128xf32, #tpu.memory_space<vmem>>, vector<1x16xf32>,
    %swap3A_601 = arith.constant 11 : i32
    %swap3A_602 = arith.index_cast %swap3A_601 : i32 to index
    %swap3A_603 = arith.constant 0 : index
    %swap3A_604 = tpu.vector_load %arg7[%swap3A_602, %swap3A_603] {strides = array<i32>} : memref<32x128xf32, #tpu.memory_space<vmem>>, vector<1x16xf32>,
    %swap3A_605 = vector.shape_cast %swap3A_604 : vector<1x16xf32> to vector<16xf32>
    %swap3A_606 = vector.shape_cast %broadcast_in_dim3A_73 : vector<16xf32> to vector<1x16xf32>
    tpu.vector_store %arg7[%swap3A_602, %swap3A_603], %swap3A_606 {strides = array<i32>} : memref<32x128xf32, #tpu.memory_space<vmem>>, vector<1x16xf32>,
    %swap3A_607 = arith.constant 11 : i32
    %swap3A_608 = arith.index_cast %swap3A_607 : i32 to index
    %swap3A_609 = arith.constant 16 : index
    %swap3A_610 = tpu.vector_load %arg7[%swap3A_608, %swap3A_609] {strides = array<i32>} : memref<32x128xf32, #tpu.memory_space<vmem>>, vector<1x16xf32>,
    %swap3A_611 = vector.shape_cast %swap3A_610 : vector<1x16xf32> to vector<16xf32>
    %swap3A_612 = vector.shape_cast %broadcast_in_dim3A_73 : vector<16xf32> to vector<1x16xf32>
    tpu.vector_store %arg7[%swap3A_608, %swap3A_609], %swap3A_612 {strides = array<i32>} : memref<32x128xf32, #tpu.memory_space<vmem>>, vector<1x16xf32>,
    %swap3A_613 = arith.constant 11 : i32
    %swap3A_614 = arith.index_cast %swap3A_613 : i32 to index
    %swap3A_615 = arith.constant 32 : index
    %swap3A_616 = tpu.vector_load %arg7[%swap3A_614, %swap3A_615] {strides = array<i32>} : memref<32x128xf32, #tpu.memory_space<vmem>>, vector<1x16xf32>,
    %swap3A_617 = vector.shape_cast %swap3A_616 : vector<1x16xf32> to vector<16xf32>
    %swap3A_618 = vector.shape_cast %broadcast_in_dim3A_73 : vector<16xf32> to vector<1x16xf32>
    tpu.vector_store %arg7[%swap3A_614, %swap3A_615], %swap3A_618 {strides = array<i32>} : memref<32x128xf32, #tpu.memory_space<vmem>>, vector<1x16xf32>,
    %swap3A_619 = arith.constant 11 : i32
    %swap3A_620 = arith.index_cast %swap3A_619 : i32 to index
    %swap3A_621 = arith.constant 48 : index
    %swap3A_622 = tpu.vector_load %arg7[%swap3A_620, %swap3A_621] {strides = array<i32>} : memref<32x128xf32, #tpu.memory_space<vmem>>, vector<1x16xf32>,
    %swap3A_623 = vector.shape_cast %swap3A_622 : vector<1x16xf32> to vector<16xf32>
    %swap3A_624 = vector.shape_cast %broadcast_in_dim3A_73 : vector<16xf32> to vector<1x16xf32>
    tpu.vector_store %arg7[%swap3A_620, %swap3A_621], %swap3A_624 {strides = array<i32>} : memref<32x128xf32, #tpu.memory_space<vmem>>, vector<1x16xf32>,
    %swap3A_625 = arith.constant 11 : i32
    %swap3A_626 = arith.index_cast %swap3A_625 : i32 to index
    %swap3A_627 = arith.constant 64 : index
    %swap3A_628 = tpu.vector_load %arg7[%swap3A_626, %swap3A_627] {strides = array<i32>} : memref<32x128xf32, #tpu.memory_space<vmem>>, vector<1x16xf32>,
    %swap3A_629 = vector.shape_cast %swap3A_628 : vector<1x16xf32> to vector<16xf32>
    %swap3A_630 = vector.shape_cast %broadcast_in_dim3A_73 : vector<16xf32> to vector<1x16xf32>
    tpu.vector_store %arg7[%swap3A_626, %swap3A_627], %swap3A_630 {strides = array<i32>} : memref<32x128xf32, #tpu.memory_space<vmem>>, vector<1x16xf32>,
    %swap3A_631 = arith.constant 11 : i32
    %swap3A_632 = arith.index_cast %swap3A_631 : i32 to index
    %swap3A_633 = arith.constant 80 : index
    %swap3A_634 = tpu.vector_load %arg7[%swap3A_632, %swap3A_633] {strides = array<i32>} : memref<32x128xf32, #tpu.memory_space<vmem>>, vector<1x16xf32>,
    %swap3A_635 = vector.shape_cast %swap3A_634 : vector<1x16xf32> to vector<16xf32>
    %swap3A_636 = vector.shape_cast %broadcast_in_dim3A_73 : vector<16xf32> to vector<1x16xf32>
    tpu.vector_store %arg7[%swap3A_632, %swap3A_633], %swap3A_636 {strides = array<i32>} : memref<32x128xf32, #tpu.memory_space<vmem>>, vector<1x16xf32>,
    %swap3A_637 = arith.constant 11 : i32
    %swap3A_638 = arith.index_cast %swap3A_637 : i32 to index
    %swap3A_639 = arith.constant 96 : index
    %swap3A_640 = tpu.vector_load %arg7[%swap3A_638, %swap3A_639] {strides = array<i32>} : memref<32x128xf32, #tpu.memory_space<vmem>>, vector<1x16xf32>,
    %swap3A_641 = vector.shape_cast %swap3A_640 : vector<1x16xf32> to vector<16xf32>
    %swap3A_642 = vector.shape_cast %broadcast_in_dim3A_73 : vector<16xf32> to vector<1x16xf32>
    tpu.vector_store %arg7[%swap3A_638, %swap3A_639], %swap3A_642 {strides = array<i32>} : memref<32x128xf32, #tpu.memory_space<vmem>>, vector<1x16xf32>,
    %swap3A_643 = arith.constant 11 : i32
    %swap3A_644 = arith.index_cast %swap3A_643 : i32 to index
    %swap3A_645 = arith.constant 112 : index
    %swap3A_646 = tpu.vector_load %arg7[%swap3A_644, %swap3A_645] {strides = array<i32>} : memref<32x128xf32, #tpu.memory_space<vmem>>, vector<1x16xf32>,
    %swap3A_647 = vector.shape_cast %swap3A_646 : vector<1x16xf32> to vector<16xf32>
    %swap3A_648 = vector.shape_cast %broadcast_in_dim3A_73 : vector<16xf32> to vector<1x16xf32>
    tpu.vector_store %arg7[%swap3A_644, %swap3A_645], %swap3A_648 {strides = array<i32>} : memref<32x128xf32, #tpu.memory_space<vmem>>, vector<1x16xf32>,
    %swap3A_649 = arith.constant 12 : i32
    %swap3A_650 = arith.index_cast %swap3A_649 : i32 to index
    %swap3A_651 = arith.constant 0 : index
    %swap3A_652 = tpu.vector_load %arg7[%swap3A_650, %swap3A_651] {strides = array<i32>} : memref<32x128xf32, #tpu.memory_space<vmem>>, vector<1x16xf32>,
    %swap3A_653 = vector.shape_cast %swap3A_652 : vector<1x16xf32> to vector<16xf32>
    %swap3A_654 = vector.shape_cast %broadcast_in_dim3A_73 : vector<16xf32> to vector<1x16xf32>
    tpu.vector_store %arg7[%swap3A_650, %swap3A_651], %swap3A_654 {strides = array<i32>} : memref<32x128xf32, #tpu.memory_space<vmem>>, vector<1x16xf32>,
    %swap3A_655 = arith.constant 12 : i32
    %swap3A_656 = arith.index_cast %swap3A_655 : i32 to index
    %swap3A_657 = arith.constant 16 : index
    %swap3A_658 = tpu.vector_load %arg7[%swap3A_656, %swap3A_657] {strides = array<i32>} : memref<32x128xf32, #tpu.memory_space<vmem>>, vector<1x16xf32>,
    %swap3A_659 = vector.shape_cast %swap3A_658 : vector<1x16xf32> to vector<16xf32>
    %swap3A_660 = vector.shape_cast %broadcast_in_dim3A_73 : vector<16xf32> to vector<1x16xf32>
    tpu.vector_store %arg7[%swap3A_656, %swap3A_657], %swap3A_660 {strides = array<i32>} : memref<32x128xf32, #tpu.memory_space<vmem>>, vector<1x16xf32>,
    %swap3A_661 = arith.constant 12 : i32
    %swap3A_662 = arith.index_cast %swap3A_661 : i32 to index
    %swap3A_663 = arith.constant 32 : index
    %swap3A_664 = tpu.vector_load %arg7[%swap3A_662, %swap3A_663] {strides = array<i32>} : memref<32x128xf32, #tpu.memory_space<vmem>>, vector<1x16xf32>,
    %swap3A_665 = vector.shape_cast %swap3A_664 : vector<1x16xf32> to vector<16xf32>
    %swap3A_666 = vector.shape_cast %broadcast_in_dim3A_73 : vector<16xf32> to vector<1x16xf32>
    tpu.vector_store %arg7[%swap3A_662, %swap3A_663], %swap3A_666 {strides = array<i32>} : memref<32x128xf32, #tpu.memory_space<vmem>>, vector<1x16xf32>,
    %swap3A_667 = arith.constant 12 : i32
    %swap3A_668 = arith.index_cast %swap3A_667 : i32 to index
    %swap3A_669 = arith.constant 48 : index
    %swap3A_670 = tpu.vector_load %arg7[%swap3A_668, %swap3A_669] {strides = array<i32>} : memref<32x128xf32, #tpu.memory_space<vmem>>, vector<1x16xf32>,
    %swap3A_671 = vector.shape_cast %swap3A_670 : vector<1x16xf32> to vector<16xf32>
    %swap3A_672 = vector.shape_cast %broadcast_in_dim3A_73 : vector<16xf32> to vector<1x16xf32>
    tpu.vector_store %arg7[%swap3A_668, %swap3A_669], %swap3A_672 {strides = array<i32>} : memref<32x128xf32, #tpu.memory_space<vmem>>, vector<1x16xf32>,
    %swap3A_673 = arith.constant 12 : i32
    %swap3A_674 = arith.index_cast %swap3A_673 : i32 to index
    %swap3A_675 = arith.constant 64 : index
    %swap3A_676 = tpu.vector_load %arg7[%swap3A_674, %swap3A_675] {strides = array<i32>} : memref<32x128xf32, #tpu.memory_space<vmem>>, vector<1x16xf32>,
    %swap3A_677 = vector.shape_cast %swap3A_676 : vector<1x16xf32> to vector<16xf32>
    %swap3A_678 = vector.shape_cast %broadcast_in_dim3A_73 : vector<16xf32> to vector<1x16xf32>
    tpu.vector_store %arg7[%swap3A_674, %swap3A_675], %swap3A_678 {strides = array<i32>} : memref<32x128xf32, #tpu.memory_space<vmem>>, vector<1x16xf32>,
    %swap3A_679 = arith.constant 12 : i32
    %swap3A_680 = arith.index_cast %swap3A_679 : i32 to index
    %swap3A_681 = arith.constant 80 : index
    %swap3A_682 = tpu.vector_load %arg7[%swap3A_680, %swap3A_681] {strides = array<i32>} : memref<32x128xf32, #tpu.memory_space<vmem>>, vector<1x16xf32>,
    %swap3A_683 = vector.shape_cast %swap3A_682 : vector<1x16xf32> to vector<16xf32>
    %swap3A_684 = vector.shape_cast %broadcast_in_dim3A_73 : vector<16xf32> to vector<1x16xf32>
    tpu.vector_store %arg7[%swap3A_680, %swap3A_681], %swap3A_684 {strides = array<i32>} : memref<32x128xf32, #tpu.memory_space<vmem>>, vector<1x16xf32>,
    %swap3A_685 = arith.constant 12 : i32
    %swap3A_686 = arith.index_cast %swap3A_685 : i32 to index
    %swap3A_687 = arith.constant 96 : index
    %swap3A_688 = tpu.vector_load %arg7[%swap3A_686, %swap3A_687] {strides = array<i32>} : memref<32x128xf32, #tpu.memory_space<vmem>>, vector<1x16xf32>,
    %swap3A_689 = vector.shape_cast %swap3A_688 : vector<1x16xf32> to vector<16xf32>
    %swap3A_690 = vector.shape_cast %broadcast_in_dim3A_73 : vector<16xf32> to vector<1x16xf32>
    tpu.vector_store %arg7[%swap3A_686, %swap3A_687], %swap3A_690 {strides = array<i32>} : memref<32x128xf32, #tpu.memory_space<vmem>>, vector<1x16xf32>,
    %swap3A_691 = arith.constant 12 : i32
    %swap3A_692 = arith.index_cast %swap3A_691 : i32 to index
    %swap3A_693 = arith.constant 112 : index
    %swap3A_694 = tpu.vector_load %arg7[%swap3A_692, %swap3A_693] {strides = array<i32>} : memref<32x128xf32, #tpu.memory_space<vmem>>, vector<1x16xf32>,
    %swap3A_695 = vector.shape_cast %swap3A_694 : vector<1x16xf32> to vector<16xf32>
    %swap3A_696 = vector.shape_cast %broadcast_in_dim3A_73 : vector<16xf32> to vector<1x16xf32>
    tpu.vector_store %arg7[%swap3A_692, %swap3A_693], %swap3A_696 {strides = array<i32>} : memref<32x128xf32, #tpu.memory_space<vmem>>, vector<1x16xf32>,
    %swap3A_697 = arith.constant 13 : i32
    %swap3A_698 = arith.index_cast %swap3A_697 : i32 to index
    %swap3A_699 = arith.constant 0 : index
    %swap3A_700 = tpu.vector_load %arg7[%swap3A_698, %swap3A_699] {strides = array<i32>} : memref<32x128xf32, #tpu.memory_space<vmem>>, vector<1x16xf32>,
    %swap3A_701 = vector.shape_cast %swap3A_700 : vector<1x16xf32> to vector<16xf32>
    %swap3A_702 = vector.shape_cast %broadcast_in_dim3A_73 : vector<16xf32> to vector<1x16xf32>
    tpu.vector_store %arg7[%swap3A_698, %swap3A_699], %swap3A_702 {strides = array<i32>} : memref<32x128xf32, #tpu.memory_space<vmem>>, vector<1x16xf32>,
    %swap3A_703 = arith.constant 13 : i32
    %swap3A_704 = arith.index_cast %swap3A_703 : i32 to index
    %swap3A_705 = arith.constant 16 : index
    %swap3A_706 = tpu.vector_load %arg7[%swap3A_704, %swap3A_705] {strides = array<i32>} : memref<32x128xf32, #tpu.memory_space<vmem>>, vector<1x16xf32>,
    %swap3A_707 = vector.shape_cast %swap3A_706 : vector<1x16xf32> to vector<16xf32>
    %swap3A_708 = vector.shape_cast %broadcast_in_dim3A_73 : vector<16xf32> to vector<1x16xf32>
    tpu.vector_store %arg7[%swap3A_704, %swap3A_705], %swap3A_708 {strides = array<i32>} : memref<32x128xf32, #tpu.memory_space<vmem>>, vector<1x16xf32>,
    %swap3A_709 = arith.constant 13 : i32
    %swap3A_710 = arith.index_cast %swap3A_709 : i32 to index
    %swap3A_711 = arith.constant 32 : index
    %swap3A_712 = tpu.vector_load %arg7[%swap3A_710, %swap3A_711] {strides = array<i32>} : memref<32x128xf32, #tpu.memory_space<vmem>>, vector<1x16xf32>,
    %swap3A_713 = vector.shape_cast %swap3A_712 : vector<1x16xf32> to vector<16xf32>
    %swap3A_714 = vector.shape_cast %broadcast_in_dim3A_73 : vector<16xf32> to vector<1x16xf32>
    tpu.vector_store %arg7[%swap3A_710, %swap3A_711], %swap3A_714 {strides = array<i32>} : memref<32x128xf32, #tpu.memory_space<vmem>>, vector<1x16xf32>,
    %swap3A_715 = arith.constant 13 : i32
    %swap3A_716 = arith.index_cast %swap3A_715 : i32 to index
    %swap3A_717 = arith.constant 48 : index
    %swap3A_718 = tpu.vector_load %arg7[%swap3A_716, %swap3A_717] {strides = array<i32>} : memref<32x128xf32, #tpu.memory_space<vmem>>, vector<1x16xf32>,
    %swap3A_719 = vector.shape_cast %swap3A_718 : vector<1x16xf32> to vector<16xf32>
    %swap3A_720 = vector.shape_cast %broadcast_in_dim3A_73 : vector<16xf32> to vector<1x16xf32>
    tpu.vector_store %arg7[%swap3A_716, %swap3A_717], %swap3A_720 {strides = array<i32>} : memref<32x128xf32, #tpu.memory_space<vmem>>, vector<1x16xf32>,
    %swap3A_721 = arith.constant 13 : i32
    %swap3A_722 = arith.index_cast %swap3A_721 : i32 to index
    %swap3A_723 = arith.constant 64 : index
    %swap3A_724 = tpu.vector_load %arg7[%swap3A_722, %swap3A_723] {strides = array<i32>} : memref<32x128xf32, #tpu.memory_space<vmem>>, vector<1x16xf32>,
    %swap3A_725 = vector.shape_cast %swap3A_724 : vector<1x16xf32> to vector<16xf32>
    %swap3A_726 = vector.shape_cast %broadcast_in_dim3A_73 : vector<16xf32> to vector<1x16xf32>
    tpu.vector_store %arg7[%swap3A_722, %swap3A_723], %swap3A_726 {strides = array<i32>} : memref<32x128xf32, #tpu.memory_space<vmem>>, vector<1x16xf32>,
    %swap3A_727 = arith.constant 13 : i32
    %swap3A_728 = arith.index_cast %swap3A_727 : i32 to index
    %swap3A_729 = arith.constant 80 : index
    %swap3A_730 = tpu.vector_load %arg7[%swap3A_728, %swap3A_729] {strides = array<i32>} : memref<32x128xf32, #tpu.memory_space<vmem>>, vector<1x16xf32>,
    %swap3A_731 = vector.shape_cast %swap3A_730 : vector<1x16xf32> to vector<16xf32>
    %swap3A_732 = vector.shape_cast %broadcast_in_dim3A_73 : vector<16xf32> to vector<1x16xf32>
    tpu.vector_store %arg7[%swap3A_728, %swap3A_729], %swap3A_732 {strides = array<i32>} : memref<32x128xf32, #tpu.memory_space<vmem>>, vector<1x16xf32>,
    %swap3A_733 = arith.constant 13 : i32
    %swap3A_734 = arith.index_cast %swap3A_733 : i32 to index
    %swap3A_735 = arith.constant 96 : index
    %swap3A_736 = tpu.vector_load %arg7[%swap3A_734, %swap3A_735] {strides = array<i32>} : memref<32x128xf32, #tpu.memory_space<vmem>>, vector<1x16xf32>,
    %swap3A_737 = vector.shape_cast %swap3A_736 : vector<1x16xf32> to vector<16xf32>
    %swap3A_738 = vector.shape_cast %broadcast_in_dim3A_73 : vector<16xf32> to vector<1x16xf32>
    tpu.vector_store %arg7[%swap3A_734, %swap3A_735], %swap3A_738 {strides = array<i32>} : memref<32x128xf32, #tpu.memory_space<vmem>>, vector<1x16xf32>,
    %swap3A_739 = arith.constant 13 : i32
    %swap3A_740 = arith.index_cast %swap3A_739 : i32 to index
    %swap3A_741 = arith.constant 112 : index
    %swap3A_742 = tpu.vector_load %arg7[%swap3A_740, %swap3A_741] {strides = array<i32>} : memref<32x128xf32, #tpu.memory_space<vmem>>, vector<1x16xf32>,
    %swap3A_743 = vector.shape_cast %swap3A_742 : vector<1x16xf32> to vector<16xf32>
    %swap3A_744 = vector.shape_cast %broadcast_in_dim3A_73 : vector<16xf32> to vector<1x16xf32>
    tpu.vector_store %arg7[%swap3A_740, %swap3A_741], %swap3A_744 {strides = array<i32>} : memref<32x128xf32, #tpu.memory_space<vmem>>, vector<1x16xf32>,
    %swap3A_745 = arith.constant 14 : i32
    %swap3A_746 = arith.index_cast %swap3A_745 : i32 to index
    %swap3A_747 = arith.constant 0 : index
    %swap3A_748 = tpu.vector_load %arg7[%swap3A_746, %swap3A_747] {strides = array<i32>} : memref<32x128xf32, #tpu.memory_space<vmem>>, vector<1x16xf32>,
    %swap3A_749 = vector.shape_cast %swap3A_748 : vector<1x16xf32> to vector<16xf32>
    %swap3A_750 = vector.shape_cast %broadcast_in_dim3A_73 : vector<16xf32> to vector<1x16xf32>
    tpu.vector_store %arg7[%swap3A_746, %swap3A_747], %swap3A_750 {strides = array<i32>} : memref<32x128xf32, #tpu.memory_space<vmem>>, vector<1x16xf32>,
    %swap3A_751 = arith.constant 14 : i32
    %swap3A_752 = arith.index_cast %swap3A_751 : i32 to index
    %swap3A_753 = arith.constant 16 : index
    %swap3A_754 = tpu.vector_load %arg7[%swap3A_752, %swap3A_753] {strides = array<i32>} : memref<32x128xf32, #tpu.memory_space<vmem>>, vector<1x16xf32>,
    %swap3A_755 = vector.shape_cast %swap3A_754 : vector<1x16xf32> to vector<16xf32>
    %swap3A_756 = vector.shape_cast %broadcast_in_dim3A_73 : vector<16xf32> to vector<1x16xf32>
    tpu.vector_store %arg7[%swap3A_752, %swap3A_753], %swap3A_756 {strides = array<i32>} : memref<32x128xf32, #tpu.memory_space<vmem>>, vector<1x16xf32>,
    %swap3A_757 = arith.constant 14 : i32
    %swap3A_758 = arith.index_cast %swap3A_757 : i32 to index
    %swap3A_759 = arith.constant 32 : index
    %swap3A_760 = tpu.vector_load %arg7[%swap3A_758, %swap3A_759] {strides = array<i32>} : memref<32x128xf32, #tpu.memory_space<vmem>>, vector<1x16xf32>,
    %swap3A_761 = vector.shape_cast %swap3A_760 : vector<1x16xf32> to vector<16xf32>
    %swap3A_762 = vector.shape_cast %broadcast_in_dim3A_73 : vector<16xf32> to vector<1x16xf32>
    tpu.vector_store %arg7[%swap3A_758, %swap3A_759], %swap3A_762 {strides = array<i32>} : memref<32x128xf32, #tpu.memory_space<vmem>>, vector<1x16xf32>,
    %swap3A_763 = arith.constant 14 : i32
    %swap3A_764 = arith.index_cast %swap3A_763 : i32 to index
    %swap3A_765 = arith.constant 48 : index
    %swap3A_766 = tpu.vector_load %arg7[%swap3A_764, %swap3A_765] {strides = array<i32>} : memref<32x128xf32, #tpu.memory_space<vmem>>, vector<1x16xf32>,
    %swap3A_767 = vector.shape_cast %swap3A_766 : vector<1x16xf32> to vector<16xf32>
    %swap3A_768 = vector.shape_cast %broadcast_in_dim3A_73 : vector<16xf32> to vector<1x16xf32>
    tpu.vector_store %arg7[%swap3A_764, %swap3A_765], %swap3A_768 {strides = array<i32>} : memref<32x128xf32, #tpu.memory_space<vmem>>, vector<1x16xf32>,
    %swap3A_769 = arith.constant 14 : i32
    %swap3A_770 = arith.index_cast %swap3A_769 : i32 to index
    %swap3A_771 = arith.constant 64 : index
    %swap3A_772 = tpu.vector_load %arg7[%swap3A_770, %swap3A_771] {strides = array<i32>} : memref<32x128xf32, #tpu.memory_space<vmem>>, vector<1x16xf32>,
    %swap3A_773 = vector.shape_cast %swap3A_772 : vector<1x16xf32> to vector<16xf32>
    %swap3A_774 = vector.shape_cast %broadcast_in_dim3A_73 : vector<16xf32> to vector<1x16xf32>
    tpu.vector_store %arg7[%swap3A_770, %swap3A_771], %swap3A_774 {strides = array<i32>} : memref<32x128xf32, #tpu.memory_space<vmem>>, vector<1x16xf32>,
    %swap3A_775 = arith.constant 14 : i32
    %swap3A_776 = arith.index_cast %swap3A_775 : i32 to index
    %swap3A_777 = arith.constant 80 : index
    %swap3A_778 = tpu.vector_load %arg7[%swap3A_776, %swap3A_777] {strides = array<i32>} : memref<32x128xf32, #tpu.memory_space<vmem>>, vector<1x16xf32>,
    %swap3A_779 = vector.shape_cast %swap3A_778 : vector<1x16xf32> to vector<16xf32>
    %swap3A_780 = vector.shape_cast %broadcast_in_dim3A_73 : vector<16xf32> to vector<1x16xf32>
    tpu.vector_store %arg7[%swap3A_776, %swap3A_777], %swap3A_780 {strides = array<i32>} : memref<32x128xf32, #tpu.memory_space<vmem>>, vector<1x16xf32>,
    %swap3A_781 = arith.constant 14 : i32
    %swap3A_782 = arith.index_cast %swap3A_781 : i32 to index
    %swap3A_783 = arith.constant 96 : index
    %swap3A_784 = tpu.vector_load %arg7[%swap3A_782, %swap3A_783] {strides = array<i32>} : memref<32x128xf32, #tpu.memory_space<vmem>>, vector<1x16xf32>,
    %swap3A_785 = vector.shape_cast %swap3A_784 : vector<1x16xf32> to vector<16xf32>
    %swap3A_786 = vector.shape_cast %broadcast_in_dim3A_73 : vector<16xf32> to vector<1x16xf32>
    tpu.vector_store %arg7[%swap3A_782, %swap3A_783], %swap3A_786 {strides = array<i32>} : memref<32x128xf32, #tpu.memory_space<vmem>>, vector<1x16xf32>,
    %swap3A_787 = arith.constant 14 : i32
    %swap3A_788 = arith.index_cast %swap3A_787 : i32 to index
    %swap3A_789 = arith.constant 112 : index
    %swap3A_790 = tpu.vector_load %arg7[%swap3A_788, %swap3A_789] {strides = array<i32>} : memref<32x128xf32, #tpu.memory_space<vmem>>, vector<1x16xf32>,
    %swap3A_791 = vector.shape_cast %swap3A_790 : vector<1x16xf32> to vector<16xf32>
    %swap3A_792 = vector.shape_cast %broadcast_in_dim3A_73 : vector<16xf32> to vector<1x16xf32>
    tpu.vector_store %arg7[%swap3A_788, %swap3A_789], %swap3A_792 {strides = array<i32>} : memref<32x128xf32, #tpu.memory_space<vmem>>, vector<1x16xf32>,
    %swap3A_793 = arith.constant 15 : i32
    %swap3A_794 = arith.index_cast %swap3A_793 : i32 to index
    %swap3A_795 = arith.constant 0 : index
    %swap3A_796 = tpu.vector_load %arg7[%swap3A_794, %swap3A_795] {strides = array<i32>} : memref<32x128xf32, #tpu.memory_space<vmem>>, vector<1x16xf32>,
    %swap3A_797 = vector.shape_cast %swap3A_796 : vector<1x16xf32> to vector<16xf32>
    %swap3A_798 = vector.shape_cast %broadcast_in_dim3A_73 : vector<16xf32> to vector<1x16xf32>
    tpu.vector_store %arg7[%swap3A_794, %swap3A_795], %swap3A_798 {strides = array<i32>} : memref<32x128xf32, #tpu.memory_space<vmem>>, vector<1x16xf32>,
    %swap3A_799 = arith.constant 15 : i32
    %swap3A_800 = arith.index_cast %swap3A_799 : i32 to index
    %swap3A_801 = arith.constant 16 : index
    %swap3A_802 = tpu.vector_load %arg7[%swap3A_800, %swap3A_801] {strides = array<i32>} : memref<32x128xf32, #tpu.memory_space<vmem>>, vector<1x16xf32>,
    %swap3A_803 = vector.shape_cast %swap3A_802 : vector<1x16xf32> to vector<16xf32>
    %swap3A_804 = vector.shape_cast %broadcast_in_dim3A_73 : vector<16xf32> to vector<1x16xf32>
    tpu.vector_store %arg7[%swap3A_800, %swap3A_801], %swap3A_804 {strides = array<i32>} : memref<32x128xf32, #tpu.memory_space<vmem>>, vector<1x16xf32>,
    %swap3A_805 = arith.constant 15 : i32
    %swap3A_806 = arith.index_cast %swap3A_805 : i32 to index
    %swap3A_807 = arith.constant 32 : index
    %swap3A_808 = tpu.vector_load %arg7[%swap3A_806, %swap3A_807] {strides = array<i32>} : memref<32x128xf32, #tpu.memory_space<vmem>>, vector<1x16xf32>,
    %swap3A_809 = vector.shape_cast %swap3A_808 : vector<1x16xf32> to vector<16xf32>
    %swap3A_810 = vector.shape_cast %broadcast_in_dim3A_73 : vector<16xf32> to vector<1x16xf32>
    tpu.vector_store %arg7[%swap3A_806, %swap3A_807], %swap3A_810 {strides = array<i32>} : memref<32x128xf32, #tpu.memory_space<vmem>>, vector<1x16xf32>,
    %swap3A_811 = arith.constant 15 : i32
    %swap3A_812 = arith.index_cast %swap3A_811 : i32 to index
    %swap3A_813 = arith.constant 48 : index
    %swap3A_814 = tpu.vector_load %arg7[%swap3A_812, %swap3A_813] {strides = array<i32>} : memref<32x128xf32, #tpu.memory_space<vmem>>, vector<1x16xf32>,
    %swap3A_815 = vector.shape_cast %swap3A_814 : vector<1x16xf32> to vector<16xf32>
    %swap3A_816 = vector.shape_cast %broadcast_in_dim3A_73 : vector<16xf32> to vector<1x16xf32>
    tpu.vector_store %arg7[%swap3A_812, %swap3A_813], %swap3A_816 {strides = array<i32>} : memref<32x128xf32, #tpu.memory_space<vmem>>, vector<1x16xf32>,
    %swap3A_817 = arith.constant 15 : i32
    %swap3A_818 = arith.index_cast %swap3A_817 : i32 to index
    %swap3A_819 = arith.constant 64 : index
    %swap3A_820 = tpu.vector_load %arg7[%swap3A_818, %swap3A_819] {strides = array<i32>} : memref<32x128xf32, #tpu.memory_space<vmem>>, vector<1x16xf32>,
    %swap3A_821 = vector.shape_cast %swap3A_820 : vector<1x16xf32> to vector<16xf32>
    %swap3A_822 = vector.shape_cast %broadcast_in_dim3A_73 : vector<16xf32> to vector<1x16xf32>
    tpu.vector_store %arg7[%swap3A_818, %swap3A_819], %swap3A_822 {strides = array<i32>} : memref<32x128xf32, #tpu.memory_space<vmem>>, vector<1x16xf32>,
    %swap3A_823 = arith.constant 15 : i32
    %swap3A_824 = arith.index_cast %swap3A_823 : i32 to index
    %swap3A_825 = arith.constant 80 : index
    %swap3A_826 = tpu.vector_load %arg7[%swap3A_824, %swap3A_825] {strides = array<i32>} : memref<32x128xf32, #tpu.memory_space<vmem>>, vector<1x16xf32>,
    %swap3A_827 = vector.shape_cast %swap3A_826 : vector<1x16xf32> to vector<16xf32>
    %swap3A_828 = vector.shape_cast %broadcast_in_dim3A_73 : vector<16xf32> to vector<1x16xf32>
    tpu.vector_store %arg7[%swap3A_824, %swap3A_825], %swap3A_828 {strides = array<i32>} : memref<32x128xf32, #tpu.memory_space<vmem>>, vector<1x16xf32>,
    %swap3A_829 = arith.constant 15 : i32
    %swap3A_830 = arith.index_cast %swap3A_829 : i32 to index
    %swap3A_831 = arith.constant 96 : index
    %swap3A_832 = tpu.vector_load %arg7[%swap3A_830, %swap3A_831] {strides = array<i32>} : memref<32x128xf32, #tpu.memory_space<vmem>>, vector<1x16xf32>,
    %swap3A_833 = vector.shape_cast %swap3A_832 : vector<1x16xf32> to vector<16xf32>
    %swap3A_834 = vector.shape_cast %broadcast_in_dim3A_73 : vector<16xf32> to vector<1x16xf32>
    tpu.vector_store %arg7[%swap3A_830, %swap3A_831], %swap3A_834 {strides = array<i32>} : memref<32x128xf32, #tpu.memory_space<vmem>>, vector<1x16xf32>,
    %swap3A_835 = arith.constant 15 : i32
    %swap3A_836 = arith.index_cast %swap3A_835 : i32 to index
    %swap3A_837 = arith.constant 112 : index
    %swap3A_838 = tpu.vector_load %arg7[%swap3A_836, %swap3A_837] {strides = array<i32>} : memref<32x128xf32, #tpu.memory_space<vmem>>, vector<1x16xf32>,
    %swap3A_839 = vector.shape_cast %swap3A_838 : vector<1x16xf32> to vector<16xf32>
    %swap3A_840 = vector.shape_cast %broadcast_in_dim3A_73 : vector<16xf32> to vector<1x16xf32>
    tpu.vector_store %arg7[%swap3A_836, %swap3A_837], %swap3A_840 {strides = array<i32>} : memref<32x128xf32, #tpu.memory_space<vmem>>, vector<1x16xf32>,
    %swap3A_841 = arith.constant 16 : i32
    %swap3A_842 = arith.index_cast %swap3A_841 : i32 to index
    %swap3A_843 = arith.constant 0 : index
    %swap3A_844 = tpu.vector_load %arg7[%swap3A_842, %swap3A_843] {strides = array<i32>} : memref<32x128xf32, #tpu.memory_space<vmem>>, vector<1x16xf32>,
    %swap3A_845 = vector.shape_cast %swap3A_844 : vector<1x16xf32> to vector<16xf32>
    %swap3A_846 = vector.shape_cast %broadcast_in_dim3A_73 : vector<16xf32> to vector<1x16xf32>
    tpu.vector_store %arg7[%swap3A_842, %swap3A_843], %swap3A_846 {strides = array<i32>} : memref<32x128xf32, #tpu.memory_space<vmem>>, vector<1x16xf32>,
    %swap3A_847 = arith.constant 16 : i32
    %swap3A_848 = arith.index_cast %swap3A_847 : i32 to index
    %swap3A_849 = arith.constant 16 : index
    %swap3A_850 = tpu.vector_load %arg7[%swap3A_848, %swap3A_849] {strides = array<i32>} : memref<32x128xf32, #tpu.memory_space<vmem>>, vector<1x16xf32>,
    %swap3A_851 = vector.shape_cast %swap3A_850 : vector<1x16xf32> to vector<16xf32>
    %swap3A_852 = vector.shape_cast %broadcast_in_dim3A_73 : vector<16xf32> to vector<1x16xf32>
    tpu.vector_store %arg7[%swap3A_848, %swap3A_849], %swap3A_852 {strides = array<i32>} : memref<32x128xf32, #tpu.memory_space<vmem>>, vector<1x16xf32>,
    %swap3A_853 = arith.constant 16 : i32
    %swap3A_854 = arith.index_cast %swap3A_853 : i32 to index
    %swap3A_855 = arith.constant 32 : index
    %swap3A_856 = tpu.vector_load %arg7[%swap3A_854, %swap3A_855] {strides = array<i32>} : memref<32x128xf32, #tpu.memory_space<vmem>>, vector<1x16xf32>,
    %swap3A_857 = vector.shape_cast %swap3A_856 : vector<1x16xf32> to vector<16xf32>
    %swap3A_858 = vector.shape_cast %broadcast_in_dim3A_73 : vector<16xf32> to vector<1x16xf32>
    tpu.vector_store %arg7[%swap3A_854, %swap3A_855], %swap3A_858 {strides = array<i32>} : memref<32x128xf32, #tpu.memory_space<vmem>>, vector<1x16xf32>,
    %swap3A_859 = arith.constant 16 : i32
    %swap3A_860 = arith.index_cast %swap3A_859 : i32 to index
    %swap3A_861 = arith.constant 48 : index
    %swap3A_862 = tpu.vector_load %arg7[%swap3A_860, %swap3A_861] {strides = array<i32>} : memref<32x128xf32, #tpu.memory_space<vmem>>, vector<1x16xf32>,
    %swap3A_863 = vector.shape_cast %swap3A_862 : vector<1x16xf32> to vector<16xf32>
    %swap3A_864 = vector.shape_cast %broadcast_in_dim3A_73 : vector<16xf32> to vector<1x16xf32>
    tpu.vector_store %arg7[%swap3A_860, %swap3A_861], %swap3A_864 {strides = array<i32>} : memref<32x128xf32, #tpu.memory_space<vmem>>, vector<1x16xf32>,
    %swap3A_865 = arith.constant 16 : i32
    %swap3A_866 = arith.index_cast %swap3A_865 : i32 to index
    %swap3A_867 = arith.constant 64 : index
    %swap3A_868 = tpu.vector_load %arg7[%swap3A_866, %swap3A_867] {strides = array<i32>} : memref<32x128xf32, #tpu.memory_space<vmem>>, vector<1x16xf32>,
    %swap3A_869 = vector.shape_cast %swap3A_868 : vector<1x16xf32> to vector<16xf32>
    %swap3A_870 = vector.shape_cast %broadcast_in_dim3A_73 : vector<16xf32> to vector<1x16xf32>
    tpu.vector_store %arg7[%swap3A_866, %swap3A_867], %swap3A_870 {strides = array<i32>} : memref<32x128xf32, #tpu.memory_space<vmem>>, vector<1x16xf32>,
    %swap3A_871 = arith.constant 16 : i32
    %swap3A_872 = arith.index_cast %swap3A_871 : i32 to index
    %swap3A_873 = arith.constant 80 : index
    %swap3A_874 = tpu.vector_load %arg7[%swap3A_872, %swap3A_873] {strides = array<i32>} : memref<32x128xf32, #tpu.memory_space<vmem>>, vector<1x16xf32>,
    %swap3A_875 = vector.shape_cast %swap3A_874 : vector<1x16xf32> to vector<16xf32>
    %swap3A_876 = vector.shape_cast %broadcast_in_dim3A_73 : vector<16xf32> to vector<1x16xf32>
    tpu.vector_store %arg7[%swap3A_872, %swap3A_873], %swap3A_876 {strides = array<i32>} : memref<32x128xf32, #tpu.memory_space<vmem>>, vector<1x16xf32>,
    %swap3A_877 = arith.constant 16 : i32
    %swap3A_878 = arith.index_cast %swap3A_877 : i32 to index
    %swap3A_879 = arith.constant 96 : index
    %swap3A_880 = tpu.vector_load %arg7[%swap3A_878, %swap3A_879] {strides = array<i32>} : memref<32x128xf32, #tpu.memory_space<vmem>>, vector<1x16xf32>,
    %swap3A_881 = vector.shape_cast %swap3A_880 : vector<1x16xf32> to vector<16xf32>
    %swap3A_882 = vector.shape_cast %broadcast_in_dim3A_73 : vector<16xf32> to vector<1x16xf32>
    tpu.vector_store %arg7[%swap3A_878, %swap3A_879], %swap3A_882 {strides = array<i32>} : memref<32x128xf32, #tpu.memory_space<vmem>>, vector<1x16xf32>,
    %swap3A_883 = arith.constant 16 : i32
    %swap3A_884 = arith.index_cast %swap3A_883 : i32 to index
    %swap3A_885 = arith.constant 112 : index
    %swap3A_886 = tpu.vector_load %arg7[%swap3A_884, %swap3A_885] {strides = array<i32>} : memref<32x128xf32, #tpu.memory_space<vmem>>, vector<1x16xf32>,
    %swap3A_887 = vector.shape_cast %swap3A_886 : vector<1x16xf32> to vector<16xf32>
    %swap3A_888 = vector.shape_cast %broadcast_in_dim3A_73 : vector<16xf32> to vector<1x16xf32>
    tpu.vector_store %arg7[%swap3A_884, %swap3A_885], %swap3A_888 {strides = array<i32>} : memref<32x128xf32, #tpu.memory_space<vmem>>, vector<1x16xf32>,
    %swap3A_889 = arith.constant 17 : i32
    %swap3A_890 = arith.index_cast %swap3A_889 : i32 to index
    %swap3A_891 = arith.constant 0 : index
    %swap3A_892 = tpu.vector_load %arg7[%swap3A_890, %swap3A_891] {strides = array<i32>} : memref<32x128xf32, #tpu.memory_space<vmem>>, vector<1x16xf32>,
    %swap3A_893 = vector.shape_cast %swap3A_892 : vector<1x16xf32> to vector<16xf32>
    %swap3A_894 = vector.shape_cast %broadcast_in_dim3A_73 : vector<16xf32> to vector<1x16xf32>
    tpu.vector_store %arg7[%swap3A_890, %swap3A_891], %swap3A_894 {strides = array<i32>} : memref<32x128xf32, #tpu.memory_space<vmem>>, vector<1x16xf32>,
    %swap3A_895 = arith.constant 17 : i32
    %swap3A_896 = arith.index_cast %swap3A_895 : i32 to index
    %swap3A_897 = arith.constant 16 : index
    %swap3A_898 = tpu.vector_load %arg7[%swap3A_896, %swap3A_897] {strides = array<i32>} : memref<32x128xf32, #tpu.memory_space<vmem>>, vector<1x16xf32>,
    %swap3A_899 = vector.shape_cast %swap3A_898 : vector<1x16xf32> to vector<16xf32>
    %swap3A_900 = vector.shape_cast %broadcast_in_dim3A_73 : vector<16xf32> to vector<1x16xf32>
    tpu.vector_store %arg7[%swap3A_896, %swap3A_897], %swap3A_900 {strides = array<i32>} : memref<32x128xf32, #tpu.memory_space<vmem>>, vector<1x16xf32>,
    %swap3A_901 = arith.constant 17 : i32
    %swap3A_902 = arith.index_cast %swap3A_901 : i32 to index
    %swap3A_903 = arith.constant 32 : index
    %swap3A_904 = tpu.vector_load %arg7[%swap3A_902, %swap3A_903] {strides = array<i32>} : memref<32x128xf32, #tpu.memory_space<vmem>>, vector<1x16xf32>,
    %swap3A_905 = vector.shape_cast %swap3A_904 : vector<1x16xf32> to vector<16xf32>
    %swap3A_906 = vector.shape_cast %broadcast_in_dim3A_73 : vector<16xf32> to vector<1x16xf32>
    tpu.vector_store %arg7[%swap3A_902, %swap3A_903], %swap3A_906 {strides = array<i32>} : memref<32x128xf32, #tpu.memory_space<vmem>>, vector<1x16xf32>,
    %swap3A_907 = arith.constant 17 : i32
    %swap3A_908 = arith.index_cast %swap3A_907 : i32 to index
    %swap3A_909 = arith.constant 48 : index
    %swap3A_910 = tpu.vector_load %arg7[%swap3A_908, %swap3A_909] {strides = array<i32>} : memref<32x128xf32, #tpu.memory_space<vmem>>, vector<1x16xf32>,
    %swap3A_911 = vector.shape_cast %swap3A_910 : vector<1x16xf32> to vector<16xf32>
    %swap3A_912 = vector.shape_cast %broadcast_in_dim3A_73 : vector<16xf32> to vector<1x16xf32>
    tpu.vector_store %arg7[%swap3A_908, %swap3A_909], %swap3A_912 {strides = array<i32>} : memref<32x128xf32, #tpu.memory_space<vmem>>, vector<1x16xf32>,
    %swap3A_913 = arith.constant 17 : i32
    %swap3A_914 = arith.index_cast %swap3A_913 : i32 to index
    %swap3A_915 = arith.constant 64 : index
    %swap3A_916 = tpu.vector_load %arg7[%swap3A_914, %swap3A_915] {strides = array<i32>} : memref<32x128xf32, #tpu.memory_space<vmem>>, vector<1x16xf32>,
    %swap3A_917 = vector.shape_cast %swap3A_916 : vector<1x16xf32> to vector<16xf32>
    %swap3A_918 = vector.shape_cast %broadcast_in_dim3A_73 : vector<16xf32> to vector<1x16xf32>
    tpu.vector_store %arg7[%swap3A_914, %swap3A_915], %swap3A_918 {strides = array<i32>} : memref<32x128xf32, #tpu.memory_space<vmem>>, vector<1x16xf32>,
    %swap3A_919 = arith.constant 17 : i32
    %swap3A_920 = arith.index_cast %swap3A_919 : i32 to index
    %swap3A_921 = arith.constant 80 : index
    %swap3A_922 = tpu.vector_load %arg7[%swap3A_920, %swap3A_921] {strides = array<i32>} : memref<32x128xf32, #tpu.memory_space<vmem>>, vector<1x16xf32>,
    %swap3A_923 = vector.shape_cast %swap3A_922 : vector<1x16xf32> to vector<16xf32>
    %swap3A_924 = vector.shape_cast %broadcast_in_dim3A_73 : vector<16xf32> to vector<1x16xf32>
    tpu.vector_store %arg7[%swap3A_920, %swap3A_921], %swap3A_924 {strides = array<i32>} : memref<32x128xf32, #tpu.memory_space<vmem>>, vector<1x16xf32>,
    %swap3A_925 = arith.constant 17 : i32
    %swap3A_926 = arith.index_cast %swap3A_925 : i32 to index
    %swap3A_927 = arith.constant 96 : index
    %swap3A_928 = tpu.vector_load %arg7[%swap3A_926, %swap3A_927] {strides = array<i32>} : memref<32x128xf32, #tpu.memory_space<vmem>>, vector<1x16xf32>,
    %swap3A_929 = vector.shape_cast %swap3A_928 : vector<1x16xf32> to vector<16xf32>
    %swap3A_930 = vector.shape_cast %broadcast_in_dim3A_73 : vector<16xf32> to vector<1x16xf32>
    tpu.vector_store %arg7[%swap3A_926, %swap3A_927], %swap3A_930 {strides = array<i32>} : memref<32x128xf32, #tpu.memory_space<vmem>>, vector<1x16xf32>,
    %swap3A_931 = arith.constant 17 : i32
    %swap3A_932 = arith.index_cast %swap3A_931 : i32 to index
    %swap3A_933 = arith.constant 112 : index
    %swap3A_934 = tpu.vector_load %arg7[%swap3A_932, %swap3A_933] {strides = array<i32>} : memref<32x128xf32, #tpu.memory_space<vmem>>, vector<1x16xf32>,
    %swap3A_935 = vector.shape_cast %swap3A_934 : vector<1x16xf32> to vector<16xf32>
    %swap3A_936 = vector.shape_cast %broadcast_in_dim3A_73 : vector<16xf32> to vector<1x16xf32>
    tpu.vector_store %arg7[%swap3A_932, %swap3A_933], %swap3A_936 {strides = array<i32>} : memref<32x128xf32, #tpu.memory_space<vmem>>, vector<1x16xf32>,
    %swap3A_937 = arith.constant 18 : i32
    %swap3A_938 = arith.index_cast %swap3A_937 : i32 to index
    %swap3A_939 = arith.constant 0 : index
    %swap3A_940 = tpu.vector_load %arg7[%swap3A_938, %swap3A_939] {strides = array<i32>} : memref<32x128xf32, #tpu.memory_space<vmem>>, vector<1x16xf32>,
    %swap3A_941 = vector.shape_cast %swap3A_940 : vector<1x16xf32> to vector<16xf32>
    %swap3A_942 = vector.shape_cast %broadcast_in_dim3A_73 : vector<16xf32> to vector<1x16xf32>
    tpu.vector_store %arg7[%swap3A_938, %swap3A_939], %swap3A_942 {strides = array<i32>} : memref<32x128xf32, #tpu.memory_space<vmem>>, vector<1x16xf32>,
    %swap3A_943 = arith.constant 18 : i32
    %swap3A_944 = arith.index_cast %swap3A_943 : i32 to index
    %swap3A_945 = arith.constant 16 : index
    %swap3A_946 = tpu.vector_load %arg7[%swap3A_944, %swap3A_945] {strides = array<i32>} : memref<32x128xf32, #tpu.memory_space<vmem>>, vector<1x16xf32>,
    %swap3A_947 = vector.shape_cast %swap3A_946 : vector<1x16xf32> to vector<16xf32>
    %swap3A_948 = vector.shape_cast %broadcast_in_dim3A_73 : vector<16xf32> to vector<1x16xf32>
    tpu.vector_store %arg7[%swap3A_944, %swap3A_945], %swap3A_948 {strides = array<i32>} : memref<32x128xf32, #tpu.memory_space<vmem>>, vector<1x16xf32>,
    %swap3A_949 = arith.constant 18 : i32
    %swap3A_950 = arith.index_cast %swap3A_949 : i32 to index
    %swap3A_951 = arith.constant 32 : index
    %swap3A_952 = tpu.vector_load %arg7[%swap3A_950, %swap3A_951] {strides = array<i32>} : memref<32x128xf32, #tpu.memory_space<vmem>>, vector<1x16xf32>,
    %swap3A_953 = vector.shape_cast %swap3A_952 : vector<1x16xf32> to vector<16xf32>
    %swap3A_954 = vector.shape_cast %broadcast_in_dim3A_73 : vector<16xf32> to vector<1x16xf32>
    tpu.vector_store %arg7[%swap3A_950, %swap3A_951], %swap3A_954 {strides = array<i32>} : memref<32x128xf32, #tpu.memory_space<vmem>>, vector<1x16xf32>,
    %swap3A_955 = arith.constant 18 : i32
    %swap3A_956 = arith.index_cast %swap3A_955 : i32 to index
    %swap3A_957 = arith.constant 48 : index
    %swap3A_958 = tpu.vector_load %arg7[%swap3A_956, %swap3A_957] {strides = array<i32>} : memref<32x128xf32, #tpu.memory_space<vmem>>, vector<1x16xf32>,
    %swap3A_959 = vector.shape_cast %swap3A_958 : vector<1x16xf32> to vector<16xf32>
    %swap3A_960 = vector.shape_cast %broadcast_in_dim3A_73 : vector<16xf32> to vector<1x16xf32>
    tpu.vector_store %arg7[%swap3A_956, %swap3A_957], %swap3A_960 {strides = array<i32>} : memref<32x128xf32, #tpu.memory_space<vmem>>, vector<1x16xf32>,
    %swap3A_961 = arith.constant 18 : i32
    %swap3A_962 = arith.index_cast %swap3A_961 : i32 to index
    %swap3A_963 = arith.constant 64 : index
    %swap3A_964 = tpu.vector_load %arg7[%swap3A_962, %swap3A_963] {strides = array<i32>} : memref<32x128xf32, #tpu.memory_space<vmem>>, vector<1x16xf32>,
    %swap3A_965 = vector.shape_cast %swap3A_964 : vector<1x16xf32> to vector<16xf32>
    %swap3A_966 = vector.shape_cast %broadcast_in_dim3A_73 : vector<16xf32> to vector<1x16xf32>
    tpu.vector_store %arg7[%swap3A_962, %swap3A_963], %swap3A_966 {strides = array<i32>} : memref<32x128xf32, #tpu.memory_space<vmem>>, vector<1x16xf32>,
    %swap3A_967 = arith.constant 18 : i32
    %swap3A_968 = arith.index_cast %swap3A_967 : i32 to index
    %swap3A_969 = arith.constant 80 : index
    %swap3A_970 = tpu.vector_load %arg7[%swap3A_968, %swap3A_969] {strides = array<i32>} : memref<32x128xf32, #tpu.memory_space<vmem>>, vector<1x16xf32>,
    %swap3A_971 = vector.shape_cast %swap3A_970 : vector<1x16xf32> to vector<16xf32>
    %swap3A_972 = vector.shape_cast %broadcast_in_dim3A_73 : vector<16xf32> to vector<1x16xf32>
    tpu.vector_store %arg7[%swap3A_968, %swap3A_969], %swap3A_972 {strides = array<i32>} : memref<32x128xf32, #tpu.memory_space<vmem>>, vector<1x16xf32>,
    %swap3A_973 = arith.constant 18 : i32
    %swap3A_974 = arith.index_cast %swap3A_973 : i32 to index
    %swap3A_975 = arith.constant 96 : index
    %swap3A_976 = tpu.vector_load %arg7[%swap3A_974, %swap3A_975] {strides = array<i32>} : memref<32x128xf32, #tpu.memory_space<vmem>>, vector<1x16xf32>,
    %swap3A_977 = vector.shape_cast %swap3A_976 : vector<1x16xf32> to vector<16xf32>
    %swap3A_978 = vector.shape_cast %broadcast_in_dim3A_73 : vector<16xf32> to vector<1x16xf32>
    tpu.vector_store %arg7[%swap3A_974, %swap3A_975], %swap3A_978 {strides = array<i32>} : memref<32x128xf32, #tpu.memory_space<vmem>>, vector<1x16xf32>,
    %swap3A_979 = arith.constant 18 : i32
    %swap3A_980 = arith.index_cast %swap3A_979 : i32 to index
    %swap3A_981 = arith.constant 112 : index
    %swap3A_982 = tpu.vector_load %arg7[%swap3A_980, %swap3A_981] {strides = array<i32>} : memref<32x128xf32, #tpu.memory_space<vmem>>, vector<1x16xf32>,
    %swap3A_983 = vector.shape_cast %swap3A_982 : vector<1x16xf32> to vector<16xf32>
    %swap3A_984 = vector.shape_cast %broadcast_in_dim3A_73 : vector<16xf32> to vector<1x16xf32>
    tpu.vector_store %arg7[%swap3A_980, %swap3A_981], %swap3A_984 {strides = array<i32>} : memref<32x128xf32, #tpu.memory_space<vmem>>, vector<1x16xf32>,
    %swap3A_985 = arith.constant 19 : i32
    %swap3A_986 = arith.index_cast %swap3A_985 : i32 to index
    %swap3A_987 = arith.constant 0 : index
    %swap3A_988 = tpu.vector_load %arg7[%swap3A_986, %swap3A_987] {strides = array<i32>} : memref<32x128xf32, #tpu.memory_space<vmem>>, vector<1x16xf32>,
    %swap3A_989 = vector.shape_cast %swap3A_988 : vector<1x16xf32> to vector<16xf32>
    %swap3A_990 = vector.shape_cast %broadcast_in_dim3A_73 : vector<16xf32> to vector<1x16xf32>
    tpu.vector_store %arg7[%swap3A_986, %swap3A_987], %swap3A_990 {strides = array<i32>} : memref<32x128xf32, #tpu.memory_space<vmem>>, vector<1x16xf32>,
    %swap3A_991 = arith.constant 19 : i32
    %swap3A_992 = arith.index_cast %swap3A_991 : i32 to index
    %swap3A_993 = arith.constant 16 : index
    %swap3A_994 = tpu.vector_load %arg7[%swap3A_992, %swap3A_993] {strides = array<i32>} : memref<32x128xf32, #tpu.memory_space<vmem>>, vector<1x16xf32>,
    %swap3A_995 = vector.shape_cast %swap3A_994 : vector<1x16xf32> to vector<16xf32>
    %swap3A_996 = vector.shape_cast %broadcast_in_dim3A_73 : vector<16xf32> to vector<1x16xf32>
    tpu.vector_store %arg7[%swap3A_992, %swap3A_993], %swap3A_996 {strides = array<i32>} : memref<32x128xf32, #tpu.memory_space<vmem>>, vector<1x16xf32>,
    %swap3A_997 = arith.constant 19 : i32
    %swap3A_998 = arith.index_cast %swap3A_997 : i32 to index
    %swap3A_999 = arith.constant 32 : index
    %swap3A_1000 = tpu.vector_load %arg7[%swap3A_998, %swap3A_999] {strides = array<i32>} : memref<32x128xf32, #tpu.memory_space<vmem>>, vector<1x16xf32>,
    %swap3A_1001 = vector.shape_cast %swap3A_1000 : vector<1x16xf32> to vector<16xf32>
    %swap3A_1002 = vector.shape_cast %broadcast_in_dim3A_73 : vector<16xf32> to vector<1x16xf32>
    tpu.vector_store %arg7[%swap3A_998, %swap3A_999], %swap3A_1002 {strides = array<i32>} : memref<32x128xf32, #tpu.memory_space<vmem>>, vector<1x16xf32>,
    %swap3A_1003 = arith.constant 19 : i32
    %swap3A_1004 = arith.index_cast %swap3A_1003 : i32 to index
    %swap3A_1005 = arith.constant 48 : index
    %swap3A_1006 = tpu.vector_load %arg7[%swap3A_1004, %swap3A_1005] {strides = array<i32>} : memref<32x128xf32, #tpu.memory_space<vmem>>, vector<1x16xf32>,
    %swap3A_1007 = vector.shape_cast %swap3A_1006 : vector<1x16xf32> to vector<16xf32>
    %swap3A_1008 = vector.shape_cast %broadcast_in_dim3A_73 : vector<16xf32> to vector<1x16xf32>
    tpu.vector_store %arg7[%swap3A_1004, %swap3A_1005], %swap3A_1008 {strides = array<i32>} : memref<32x128xf32, #tpu.memory_space<vmem>>, vector<1x16xf32>,
    %swap3A_1009 = arith.constant 19 : i32
    %swap3A_1010 = arith.index_cast %swap3A_1009 : i32 to index
    %swap3A_1011 = arith.constant 64 : index
    %swap3A_1012 = tpu.vector_load %arg7[%swap3A_1010, %swap3A_1011] {strides = array<i32>} : memref<32x128xf32, #tpu.memory_space<vmem>>, vector<1x16xf32>,
    %swap3A_1013 = vector.shape_cast %swap3A_1012 : vector<1x16xf32> to vector<16xf32>
    %swap3A_1014 = vector.shape_cast %broadcast_in_dim3A_73 : vector<16xf32> to vector<1x16xf32>
    tpu.vector_store %arg7[%swap3A_1010, %swap3A_1011], %swap3A_1014 {strides = array<i32>} : memref<32x128xf32, #tpu.memory_space<vmem>>, vector<1x16xf32>,
    %swap3A_1015 = arith.constant 19 : i32
    %swap3A_1016 = arith.index_cast %swap3A_1015 : i32 to index
    %swap3A_1017 = arith.constant 80 : index
    %swap3A_1018 = tpu.vector_load %arg7[%swap3A_1016, %swap3A_1017] {strides = array<i32>} : memref<32x128xf32, #tpu.memory_space<vmem>>, vector<1x16xf32>,
    %swap3A_1019 = vector.shape_cast %swap3A_1018 : vector<1x16xf32> to vector<16xf32>
    %swap3A_1020 = vector.shape_cast %broadcast_in_dim3A_73 : vector<16xf32> to vector<1x16xf32>
    tpu.vector_store %arg7[%swap3A_1016, %swap3A_1017], %swap3A_1020 {strides = array<i32>} : memref<32x128xf32, #tpu.memory_space<vmem>>, vector<1x16xf32>,
    %swap3A_1021 = arith.constant 19 : i32
    %swap3A_1022 = arith.index_cast %swap3A_1021 : i32 to index
    %swap3A_1023 = arith.constant 96 : index
    %swap3A_1024 = tpu.vector_load %arg7[%swap3A_1022, %swap3A_1023] {strides = array<i32>} : memref<32x128xf32, #tpu.memory_space<vmem>>, vector<1x16xf32>,
    %swap3A_1025 = vector.shape_cast %swap3A_1024 : vector<1x16xf32> to vector<16xf32>
    %swap3A_1026 = vector.shape_cast %broadcast_in_dim3A_73 : vector<16xf32> to vector<1x16xf32>
    tpu.vector_store %arg7[%swap3A_1022, %swap3A_1023], %swap3A_1026 {strides = array<i32>} : memref<32x128xf32, #tpu.memory_space<vmem>>, vector<1x16xf32>,
    %swap3A_1027 = arith.constant 19 : i32
    %swap3A_1028 = arith.index_cast %swap3A_1027 : i32 to index
    %swap3A_1029 = arith.constant 112 : index
    %swap3A_1030 = tpu.vector_load %arg7[%swap3A_1028, %swap3A_1029] {strides = array<i32>} : memref<32x128xf32, #tpu.memory_space<vmem>>, vector<1x16xf32>,
    %swap3A_1031 = vector.shape_cast %swap3A_1030 : vector<1x16xf32> to vector<16xf32>
    %swap3A_1032 = vector.shape_cast %broadcast_in_dim3A_73 : vector<16xf32> to vector<1x16xf32>
    tpu.vector_store %arg7[%swap3A_1028, %swap3A_1029], %swap3A_1032 {strides = array<i32>} : memref<32x128xf32, #tpu.memory_space<vmem>>, vector<1x16xf32>,
    %swap3A_1033 = arith.constant 20 : i32
    %swap3A_1034 = arith.index_cast %swap3A_1033 : i32 to index
    %swap3A_1035 = arith.constant 0 : index
    %swap3A_1036 = tpu.vector_load %arg7[%swap3A_1034, %swap3A_1035] {strides = array<i32>} : memref<32x128xf32, #tpu.memory_space<vmem>>, vector<1x16xf32>,
    %swap3A_1037 = vector.shape_cast %swap3A_1036 : vector<1x16xf32> to vector<16xf32>
    %swap3A_1038 = vector.shape_cast %broadcast_in_dim3A_73 : vector<16xf32> to vector<1x16xf32>
    tpu.vector_store %arg7[%swap3A_1034, %swap3A_1035], %swap3A_1038 {strides = array<i32>} : memref<32x128xf32, #tpu.memory_space<vmem>>, vector<1x16xf32>,
    %swap3A_1039 = arith.constant 20 : i32
    %swap3A_1040 = arith.index_cast %swap3A_1039 : i32 to index
    %swap3A_1041 = arith.constant 16 : index
    %swap3A_1042 = tpu.vector_load %arg7[%swap3A_1040, %swap3A_1041] {strides = array<i32>} : memref<32x128xf32, #tpu.memory_space<vmem>>, vector<1x16xf32>,
    %swap3A_1043 = vector.shape_cast %swap3A_1042 : vector<1x16xf32> to vector<16xf32>
    %swap3A_1044 = vector.shape_cast %broadcast_in_dim3A_73 : vector<16xf32> to vector<1x16xf32>
    tpu.vector_store %arg7[%swap3A_1040, %swap3A_1041], %swap3A_1044 {strides = array<i32>} : memref<32x128xf32, #tpu.memory_space<vmem>>, vector<1x16xf32>,
    %swap3A_1045 = arith.constant 20 : i32
    %swap3A_1046 = arith.index_cast %swap3A_1045 : i32 to index
    %swap3A_1047 = arith.constant 32 : index
    %swap3A_1048 = tpu.vector_load %arg7[%swap3A_1046, %swap3A_1047] {strides = array<i32>} : memref<32x128xf32, #tpu.memory_space<vmem>>, vector<1x16xf32>,
    %swap3A_1049 = vector.shape_cast %swap3A_1048 : vector<1x16xf32> to vector<16xf32>
    %swap3A_1050 = vector.shape_cast %broadcast_in_dim3A_73 : vector<16xf32> to vector<1x16xf32>
    tpu.vector_store %arg7[%swap3A_1046, %swap3A_1047], %swap3A_1050 {strides = array<i32>} : memref<32x128xf32, #tpu.memory_space<vmem>>, vector<1x16xf32>,
    %swap3A_1051 = arith.constant 20 : i32
    %swap3A_1052 = arith.index_cast %swap3A_1051 : i32 to index
    %swap3A_1053 = arith.constant 48 : index
    %swap3A_1054 = tpu.vector_load %arg7[%swap3A_1052, %swap3A_1053] {strides = array<i32>} : memref<32x128xf32, #tpu.memory_space<vmem>>, vector<1x16xf32>,
    %swap3A_1055 = vector.shape_cast %swap3A_1054 : vector<1x16xf32> to vector<16xf32>
    %swap3A_1056 = vector.shape_cast %broadcast_in_dim3A_73 : vector<16xf32> to vector<1x16xf32>
    tpu.vector_store %arg7[%swap3A_1052, %swap3A_1053], %swap3A_1056 {strides = array<i32>} : memref<32x128xf32, #tpu.memory_space<vmem>>, vector<1x16xf32>,
    %swap3A_1057 = arith.constant 20 : i32
    %swap3A_1058 = arith.index_cast %swap3A_1057 : i32 to index
    %swap3A_1059 = arith.constant 64 : index
    %swap3A_1060 = tpu.vector_load %arg7[%swap3A_1058, %swap3A_1059] {strides = array<i32>} : memref<32x128xf32, #tpu.memory_space<vmem>>, vector<1x16xf32>,
    %swap3A_1061 = vector.shape_cast %swap3A_1060 : vector<1x16xf32> to vector<16xf32>
    %swap3A_1062 = vector.shape_cast %broadcast_in_dim3A_73 : vector<16xf32> to vector<1x16xf32>
    tpu.vector_store %arg7[%swap3A_1058, %swap3A_1059], %swap3A_1062 {strides = array<i32>} : memref<32x128xf32, #tpu.memory_space<vmem>>, vector<1x16xf32>,
    %swap3A_1063 = arith.constant 20 : i32
    %swap3A_1064 = arith.index_cast %swap3A_1063 : i32 to index
    %swap3A_1065 = arith.constant 80 : index
    %swap3A_1066 = tpu.vector_load %arg7[%swap3A_1064, %swap3A_1065] {strides = array<i32>} : memref<32x128xf32, #tpu.memory_space<vmem>>, vector<1x16xf32>,
    %swap3A_1067 = vector.shape_cast %swap3A_1066 : vector<1x16xf32> to vector<16xf32>
    %swap3A_1068 = vector.shape_cast %broadcast_in_dim3A_73 : vector<16xf32> to vector<1x16xf32>
    tpu.vector_store %arg7[%swap3A_1064, %swap3A_1065], %swap3A_1068 {strides = array<i32>} : memref<32x128xf32, #tpu.memory_space<vmem>>, vector<1x16xf32>,
    %swap3A_1069 = arith.constant 20 : i32
    %swap3A_1070 = arith.index_cast %swap3A_1069 : i32 to index
    %swap3A_1071 = arith.constant 96 : index
    %swap3A_1072 = tpu.vector_load %arg7[%swap3A_1070, %swap3A_1071] {strides = array<i32>} : memref<32x128xf32, #tpu.memory_space<vmem>>, vector<1x16xf32>,
    %swap3A_1073 = vector.shape_cast %swap3A_1072 : vector<1x16xf32> to vector<16xf32>
    %swap3A_1074 = vector.shape_cast %broadcast_in_dim3A_73 : vector<16xf32> to vector<1x16xf32>
    tpu.vector_store %arg7[%swap3A_1070, %swap3A_1071], %swap3A_1074 {strides = array<i32>} : memref<32x128xf32, #tpu.memory_space<vmem>>, vector<1x16xf32>,
    %swap3A_1075 = arith.constant 20 : i32
    %swap3A_1076 = arith.index_cast %swap3A_1075 : i32 to index
    %swap3A_1077 = arith.constant 112 : index
    %swap3A_1078 = tpu.vector_load %arg7[%swap3A_1076, %swap3A_1077] {strides = array<i32>} : memref<32x128xf32, #tpu.memory_space<vmem>>, vector<1x16xf32>,
    %swap3A_1079 = vector.shape_cast %swap3A_1078 : vector<1x16xf32> to vector<16xf32>
    %swap3A_1080 = vector.shape_cast %broadcast_in_dim3A_73 : vector<16xf32> to vector<1x16xf32>
    tpu.vector_store %arg7[%swap3A_1076, %swap3A_1077], %swap3A_1080 {strides = array<i32>} : memref<32x128xf32, #tpu.memory_space<vmem>>, vector<1x16xf32>,
    %swap3A_1081 = arith.constant 21 : i32
    %swap3A_1082 = arith.index_cast %swap3A_1081 : i32 to index
    %swap3A_1083 = arith.constant 0 : index
    %swap3A_1084 = tpu.vector_load %arg7[%swap3A_1082, %swap3A_1083] {strides = array<i32>} : memref<32x128xf32, #tpu.memory_space<vmem>>, vector<1x16xf32>,
    %swap3A_1085 = vector.shape_cast %swap3A_1084 : vector<1x16xf32> to vector<16xf32>
    %swap3A_1086 = vector.shape_cast %broadcast_in_dim3A_73 : vector<16xf32> to vector<1x16xf32>
    tpu.vector_store %arg7[%swap3A_1082, %swap3A_1083], %swap3A_1086 {strides = array<i32>} : memref<32x128xf32, #tpu.memory_space<vmem>>, vector<1x16xf32>,
    %swap3A_1087 = arith.constant 21 : i32
    %swap3A_1088 = arith.index_cast %swap3A_1087 : i32 to index
    %swap3A_1089 = arith.constant 16 : index
    %swap3A_1090 = tpu.vector_load %arg7[%swap3A_1088, %swap3A_1089] {strides = array<i32>} : memref<32x128xf32, #tpu.memory_space<vmem>>, vector<1x16xf32>,
    %swap3A_1091 = vector.shape_cast %swap3A_1090 : vector<1x16xf32> to vector<16xf32>
    %swap3A_1092 = vector.shape_cast %broadcast_in_dim3A_73 : vector<16xf32> to vector<1x16xf32>
    tpu.vector_store %arg7[%swap3A_1088, %swap3A_1089], %swap3A_1092 {strides = array<i32>} : memref<32x128xf32, #tpu.memory_space<vmem>>, vector<1x16xf32>,
    %swap3A_1093 = arith.constant 21 : i32
    %swap3A_1094 = arith.index_cast %swap3A_1093 : i32 to index
    %swap3A_1095 = arith.constant 32 : index
    %swap3A_1096 = tpu.vector_load %arg7[%swap3A_1094, %swap3A_1095] {strides = array<i32>} : memref<32x128xf32, #tpu.memory_space<vmem>>, vector<1x16xf32>,
    %swap3A_1097 = vector.shape_cast %swap3A_1096 : vector<1x16xf32> to vector<16xf32>
    %swap3A_1098 = vector.shape_cast %broadcast_in_dim3A_73 : vector<16xf32> to vector<1x16xf32>
    tpu.vector_store %arg7[%swap3A_1094, %swap3A_1095], %swap3A_1098 {strides = array<i32>} : memref<32x128xf32, #tpu.memory_space<vmem>>, vector<1x16xf32>,
    %swap3A_1099 = arith.constant 21 : i32
    %swap3A_1100 = arith.index_cast %swap3A_1099 : i32 to index
    %swap3A_1101 = arith.constant 48 : index
    %swap3A_1102 = tpu.vector_load %arg7[%swap3A_1100, %swap3A_1101] {strides = array<i32>} : memref<32x128xf32, #tpu.memory_space<vmem>>, vector<1x16xf32>,
    %swap3A_1103 = vector.shape_cast %swap3A_1102 : vector<1x16xf32> to vector<16xf32>
    %swap3A_1104 = vector.shape_cast %broadcast_in_dim3A_73 : vector<16xf32> to vector<1x16xf32>
    tpu.vector_store %arg7[%swap3A_1100, %swap3A_1101], %swap3A_1104 {strides = array<i32>} : memref<32x128xf32, #tpu.memory_space<vmem>>, vector<1x16xf32>,
    %swap3A_1105 = arith.constant 21 : i32
    %swap3A_1106 = arith.index_cast %swap3A_1105 : i32 to index
    %swap3A_1107 = arith.constant 64 : index
    %swap3A_1108 = tpu.vector_load %arg7[%swap3A_1106, %swap3A_1107] {strides = array<i32>} : memref<32x128xf32, #tpu.memory_space<vmem>>, vector<1x16xf32>,
    %swap3A_1109 = vector.shape_cast %swap3A_1108 : vector<1x16xf32> to vector<16xf32>
    %swap3A_1110 = vector.shape_cast %broadcast_in_dim3A_73 : vector<16xf32> to vector<1x16xf32>
    tpu.vector_store %arg7[%swap3A_1106, %swap3A_1107], %swap3A_1110 {strides = array<i32>} : memref<32x128xf32, #tpu.memory_space<vmem>>, vector<1x16xf32>,
    %swap3A_1111 = arith.constant 21 : i32
    %swap3A_1112 = arith.index_cast %swap3A_1111 : i32 to index
    %swap3A_1113 = arith.constant 80 : index
    %swap3A_1114 = tpu.vector_load %arg7[%swap3A_1112, %swap3A_1113] {strides = array<i32>} : memref<32x128xf32, #tpu.memory_space<vmem>>, vector<1x16xf32>,
    %swap3A_1115 = vector.shape_cast %swap3A_1114 : vector<1x16xf32> to vector<16xf32>
    %swap3A_1116 = vector.shape_cast %broadcast_in_dim3A_73 : vector<16xf32> to vector<1x16xf32>
    tpu.vector_store %arg7[%swap3A_1112, %swap3A_1113], %swap3A_1116 {strides = array<i32>} : memref<32x128xf32, #tpu.memory_space<vmem>>, vector<1x16xf32>,
    %swap3A_1117 = arith.constant 21 : i32
    %swap3A_1118 = arith.index_cast %swap3A_1117 : i32 to index
    %swap3A_1119 = arith.constant 96 : index
    %swap3A_1120 = tpu.vector_load %arg7[%swap3A_1118, %swap3A_1119] {strides = array<i32>} : memref<32x128xf32, #tpu.memory_space<vmem>>, vector<1x16xf32>,
    %swap3A_1121 = vector.shape_cast %swap3A_1120 : vector<1x16xf32> to vector<16xf32>
    %swap3A_1122 = vector.shape_cast %broadcast_in_dim3A_73 : vector<16xf32> to vector<1x16xf32>
    tpu.vector_store %arg7[%swap3A_1118, %swap3A_1119], %swap3A_1122 {strides = array<i32>} : memref<32x128xf32, #tpu.memory_space<vmem>>, vector<1x16xf32>,
    %swap3A_1123 = arith.constant 21 : i32
    %swap3A_1124 = arith.index_cast %swap3A_1123 : i32 to index
    %swap3A_1125 = arith.constant 112 : index
    %swap3A_1126 = tpu.vector_load %arg7[%swap3A_1124, %swap3A_1125] {strides = array<i32>} : memref<32x128xf32, #tpu.memory_space<vmem>>, vector<1x16xf32>,
    %swap3A_1127 = vector.shape_cast %swap3A_1126 : vector<1x16xf32> to vector<16xf32>
    %swap3A_1128 = vector.shape_cast %broadcast_in_dim3A_73 : vector<16xf32> to vector<1x16xf32>
    tpu.vector_store %arg7[%swap3A_1124, %swap3A_1125], %swap3A_1128 {strides = array<i32>} : memref<32x128xf32, #tpu.memory_space<vmem>>, vector<1x16xf32>,
    %swap3A_1129 = arith.constant 22 : i32
    %swap3A_1130 = arith.index_cast %swap3A_1129 : i32 to index
    %swap3A_1131 = arith.constant 0 : index
    %swap3A_1132 = tpu.vector_load %arg7[%swap3A_1130, %swap3A_1131] {strides = array<i32>} : memref<32x128xf32, #tpu.memory_space<vmem>>, vector<1x16xf32>,
    %swap3A_1133 = vector.shape_cast %swap3A_1132 : vector<1x16xf32> to vector<16xf32>
    %swap3A_1134 = vector.shape_cast %broadcast_in_dim3A_73 : vector<16xf32> to vector<1x16xf32>
    tpu.vector_store %arg7[%swap3A_1130, %swap3A_1131], %swap3A_1134 {strides = array<i32>} : memref<32x128xf32, #tpu.memory_space<vmem>>, vector<1x16xf32>,
    %swap3A_1135 = arith.constant 22 : i32
    %swap3A_1136 = arith.index_cast %swap3A_1135 : i32 to index
    %swap3A_1137 = arith.constant 16 : index
    %swap3A_1138 = tpu.vector_load %arg7[%swap3A_1136, %swap3A_1137] {strides = array<i32>} : memref<32x128xf32, #tpu.memory_space<vmem>>, vector<1x16xf32>,
    %swap3A_1139 = vector.shape_cast %swap3A_1138 : vector<1x16xf32> to vector<16xf32>
    %swap3A_1140 = vector.shape_cast %broadcast_in_dim3A_73 : vector<16xf32> to vector<1x16xf32>
    tpu.vector_store %arg7[%swap3A_1136, %swap3A_1137], %swap3A_1140 {strides = array<i32>} : memref<32x128xf32, #tpu.memory_space<vmem>>, vector<1x16xf32>,
    %swap3A_1141 = arith.constant 22 : i32
    %swap3A_1142 = arith.index_cast %swap3A_1141 : i32 to index
    %swap3A_1143 = arith.constant 32 : index
    %swap3A_1144 = tpu.vector_load %arg7[%swap3A_1142, %swap3A_1143] {strides = array<i32>} : memref<32x128xf32, #tpu.memory_space<vmem>>, vector<1x16xf32>,
    %swap3A_1145 = vector.shape_cast %swap3A_1144 : vector<1x16xf32> to vector<16xf32>
    %swap3A_1146 = vector.shape_cast %broadcast_in_dim3A_73 : vector<16xf32> to vector<1x16xf32>
    tpu.vector_store %arg7[%swap3A_1142, %swap3A_1143], %swap3A_1146 {strides = array<i32>} : memref<32x128xf32, #tpu.memory_space<vmem>>, vector<1x16xf32>,
    %swap3A_1147 = arith.constant 22 : i32
    %swap3A_1148 = arith.index_cast %swap3A_1147 : i32 to index
    %swap3A_1149 = arith.constant 48 : index
    %swap3A_1150 = tpu.vector_load %arg7[%swap3A_1148, %swap3A_1149] {strides = array<i32>} : memref<32x128xf32, #tpu.memory_space<vmem>>, vector<1x16xf32>,
    %swap3A_1151 = vector.shape_cast %swap3A_1150 : vector<1x16xf32> to vector<16xf32>
    %swap3A_1152 = vector.shape_cast %broadcast_in_dim3A_73 : vector<16xf32> to vector<1x16xf32>
    tpu.vector_store %arg7[%swap3A_1148, %swap3A_1149], %swap3A_1152 {strides = array<i32>} : memref<32x128xf32, #tpu.memory_space<vmem>>, vector<1x16xf32>,
    %swap3A_1153 = arith.constant 22 : i32
    %swap3A_1154 = arith.index_cast %swap3A_1153 : i32 to index
    %swap3A_1155 = arith.constant 64 : index
    %swap3A_1156 = tpu.vector_load %arg7[%swap3A_1154, %swap3A_1155] {strides = array<i32>} : memref<32x128xf32, #tpu.memory_space<vmem>>, vector<1x16xf32>,
    %swap3A_1157 = vector.shape_cast %swap3A_1156 : vector<1x16xf32> to vector<16xf32>
    %swap3A_1158 = vector.shape_cast %broadcast_in_dim3A_73 : vector<16xf32> to vector<1x16xf32>
    tpu.vector_store %arg7[%swap3A_1154, %swap3A_1155], %swap3A_1158 {strides = array<i32>} : memref<32x128xf32, #tpu.memory_space<vmem>>, vector<1x16xf32>,
    %swap3A_1159 = arith.constant 22 : i32
    %swap3A_1160 = arith.index_cast %swap3A_1159 : i32 to index
    %swap3A_1161 = arith.constant 80 : index
    %swap3A_1162 = tpu.vector_load %arg7[%swap3A_1160, %swap3A_1161] {strides = array<i32>} : memref<32x128xf32, #tpu.memory_space<vmem>>, vector<1x16xf32>,
    %swap3A_1163 = vector.shape_cast %swap3A_1162 : vector<1x16xf32> to vector<16xf32>
    %swap3A_1164 = vector.shape_cast %broadcast_in_dim3A_73 : vector<16xf32> to vector<1x16xf32>
    tpu.vector_store %arg7[%swap3A_1160, %swap3A_1161], %swap3A_1164 {strides = array<i32>} : memref<32x128xf32, #tpu.memory_space<vmem>>, vector<1x16xf32>,
    %swap3A_1165 = arith.constant 22 : i32
    %swap3A_1166 = arith.index_cast %swap3A_1165 : i32 to index
    %swap3A_1167 = arith.constant 96 : index
    %swap3A_1168 = tpu.vector_load %arg7[%swap3A_1166, %swap3A_1167] {strides = array<i32>} : memref<32x128xf32, #tpu.memory_space<vmem>>, vector<1x16xf32>,
    %swap3A_1169 = vector.shape_cast %swap3A_1168 : vector<1x16xf32> to vector<16xf32>
    %swap3A_1170 = vector.shape_cast %broadcast_in_dim3A_73 : vector<16xf32> to vector<1x16xf32>
    tpu.vector_store %arg7[%swap3A_1166, %swap3A_1167], %swap3A_1170 {strides = array<i32>} : memref<32x128xf32, #tpu.memory_space<vmem>>, vector<1x16xf32>,
    %swap3A_1171 = arith.constant 22 : i32
    %swap3A_1172 = arith.index_cast %swap3A_1171 : i32 to index
    %swap3A_1173 = arith.constant 112 : index
    %swap3A_1174 = tpu.vector_load %arg7[%swap3A_1172, %swap3A_1173] {strides = array<i32>} : memref<32x128xf32, #tpu.memory_space<vmem>>, vector<1x16xf32>,
    %swap3A_1175 = vector.shape_cast %swap3A_1174 : vector<1x16xf32> to vector<16xf32>
    %swap3A_1176 = vector.shape_cast %broadcast_in_dim3A_73 : vector<16xf32> to vector<1x16xf32>
    tpu.vector_store %arg7[%swap3A_1172, %swap3A_1173], %swap3A_1176 {strides = array<i32>} : memref<32x128xf32, #tpu.memory_space<vmem>>, vector<1x16xf32>,
    %swap3A_1177 = arith.constant 23 : i32
    %swap3A_1178 = arith.index_cast %swap3A_1177 : i32 to index
    %swap3A_1179 = arith.constant 0 : index
    %swap3A_1180 = tpu.vector_load %arg7[%swap3A_1178, %swap3A_1179] {strides = array<i32>} : memref<32x128xf32, #tpu.memory_space<vmem>>, vector<1x16xf32>,
    %swap3A_1181 = vector.shape_cast %swap3A_1180 : vector<1x16xf32> to vector<16xf32>
    %swap3A_1182 = vector.shape_cast %broadcast_in_dim3A_73 : vector<16xf32> to vector<1x16xf32>
    tpu.vector_store %arg7[%swap3A_1178, %swap3A_1179], %swap3A_1182 {strides = array<i32>} : memref<32x128xf32, #tpu.memory_space<vmem>>, vector<1x16xf32>,
    %swap3A_1183 = arith.constant 23 : i32
    %swap3A_1184 = arith.index_cast %swap3A_1183 : i32 to index
    %swap3A_1185 = arith.constant 16 : index
    %swap3A_1186 = tpu.vector_load %arg7[%swap3A_1184, %swap3A_1185] {strides = array<i32>} : memref<32x128xf32, #tpu.memory_space<vmem>>, vector<1x16xf32>,
    %swap3A_1187 = vector.shape_cast %swap3A_1186 : vector<1x16xf32> to vector<16xf32>
    %swap3A_1188 = vector.shape_cast %broadcast_in_dim3A_73 : vector<16xf32> to vector<1x16xf32>
    tpu.vector_store %arg7[%swap3A_1184, %swap3A_1185], %swap3A_1188 {strides = array<i32>} : memref<32x128xf32, #tpu.memory_space<vmem>>, vector<1x16xf32>,
    %swap3A_1189 = arith.constant 23 : i32
    %swap3A_1190 = arith.index_cast %swap3A_1189 : i32 to index
    %swap3A_1191 = arith.constant 32 : index
    %swap3A_1192 = tpu.vector_load %arg7[%swap3A_1190, %swap3A_1191] {strides = array<i32>} : memref<32x128xf32, #tpu.memory_space<vmem>>, vector<1x16xf32>,
    %swap3A_1193 = vector.shape_cast %swap3A_1192 : vector<1x16xf32> to vector<16xf32>
    %swap3A_1194 = vector.shape_cast %broadcast_in_dim3A_73 : vector<16xf32> to vector<1x16xf32>
    tpu.vector_store %arg7[%swap3A_1190, %swap3A_1191], %swap3A_1194 {strides = array<i32>} : memref<32x128xf32, #tpu.memory_space<vmem>>, vector<1x16xf32>,
    %swap3A_1195 = arith.constant 23 : i32
    %swap3A_1196 = arith.index_cast %swap3A_1195 : i32 to index
    %swap3A_1197 = arith.constant 48 : index
    %swap3A_1198 = tpu.vector_load %arg7[%swap3A_1196, %swap3A_1197] {strides = array<i32>} : memref<32x128xf32, #tpu.memory_space<vmem>>, vector<1x16xf32>,
    %swap3A_1199 = vector.shape_cast %swap3A_1198 : vector<1x16xf32> to vector<16xf32>
    %swap3A_1200 = vector.shape_cast %broadcast_in_dim3A_73 : vector<16xf32> to vector<1x16xf32>
    tpu.vector_store %arg7[%swap3A_1196, %swap3A_1197], %swap3A_1200 {strides = array<i32>} : memref<32x128xf32, #tpu.memory_space<vmem>>, vector<1x16xf32>,
    %swap3A_1201 = arith.constant 23 : i32
    %swap3A_1202 = arith.index_cast %swap3A_1201 : i32 to index
    %swap3A_1203 = arith.constant 64 : index
    %swap3A_1204 = tpu.vector_load %arg7[%swap3A_1202, %swap3A_1203] {strides = array<i32>} : memref<32x128xf32, #tpu.memory_space<vmem>>, vector<1x16xf32>,
    %swap3A_1205 = vector.shape_cast %swap3A_1204 : vector<1x16xf32> to vector<16xf32>
    %swap3A_1206 = vector.shape_cast %broadcast_in_dim3A_73 : vector<16xf32> to vector<1x16xf32>
    tpu.vector_store %arg7[%swap3A_1202, %swap3A_1203], %swap3A_1206 {strides = array<i32>} : memref<32x128xf32, #tpu.memory_space<vmem>>, vector<1x16xf32>,
    %swap3A_1207 = arith.constant 23 : i32
    %swap3A_1208 = arith.index_cast %swap3A_1207 : i32 to index
    %swap3A_1209 = arith.constant 80 : index
    %swap3A_1210 = tpu.vector_load %arg7[%swap3A_1208, %swap3A_1209] {strides = array<i32>} : memref<32x128xf32, #tpu.memory_space<vmem>>, vector<1x16xf32>,
    %swap3A_1211 = vector.shape_cast %swap3A_1210 : vector<1x16xf32> to vector<16xf32>
    %swap3A_1212 = vector.shape_cast %broadcast_in_dim3A_73 : vector<16xf32> to vector<1x16xf32>
    tpu.vector_store %arg7[%swap3A_1208, %swap3A_1209], %swap3A_1212 {strides = array<i32>} : memref<32x128xf32, #tpu.memory_space<vmem>>, vector<1x16xf32>,
    %swap3A_1213 = arith.constant 23 : i32
    %swap3A_1214 = arith.index_cast %swap3A_1213 : i32 to index
    %swap3A_1215 = arith.constant 96 : index
    %swap3A_1216 = tpu.vector_load %arg7[%swap3A_1214, %swap3A_1215] {strides = array<i32>} : memref<32x128xf32, #tpu.memory_space<vmem>>, vector<1x16xf32>,
    %swap3A_1217 = vector.shape_cast %swap3A_1216 : vector<1x16xf32> to vector<16xf32>
    %swap3A_1218 = vector.shape_cast %broadcast_in_dim3A_73 : vector<16xf32> to vector<1x16xf32>
    tpu.vector_store %arg7[%swap3A_1214, %swap3A_1215], %swap3A_1218 {strides = array<i32>} : memref<32x128xf32, #tpu.memory_space<vmem>>, vector<1x16xf32>,
    %swap3A_1219 = arith.constant 23 : i32
    %swap3A_1220 = arith.index_cast %swap3A_1219 : i32 to index
    %swap3A_1221 = arith.constant 112 : index
    %swap3A_1222 = tpu.vector_load %arg7[%swap3A_1220, %swap3A_1221] {strides = array<i32>} : memref<32x128xf32, #tpu.memory_space<vmem>>, vector<1x16xf32>,
    %swap3A_1223 = vector.shape_cast %swap3A_1222 : vector<1x16xf32> to vector<16xf32>
    %swap3A_1224 = vector.shape_cast %broadcast_in_dim3A_73 : vector<16xf32> to vector<1x16xf32>
    tpu.vector_store %arg7[%swap3A_1220, %swap3A_1221], %swap3A_1224 {strides = array<i32>} : memref<32x128xf32, #tpu.memory_space<vmem>>, vector<1x16xf32>,
    %swap3A_1225 = arith.constant 24 : i32
    %swap3A_1226 = arith.index_cast %swap3A_1225 : i32 to index
    %swap3A_1227 = arith.constant 0 : index
    %swap3A_1228 = tpu.vector_load %arg7[%swap3A_1226, %swap3A_1227] {strides = array<i32>} : memref<32x128xf32, #tpu.memory_space<vmem>>, vector<1x16xf32>,
    %swap3A_1229 = vector.shape_cast %swap3A_1228 : vector<1x16xf32> to vector<16xf32>
    %swap3A_1230 = vector.shape_cast %broadcast_in_dim3A_73 : vector<16xf32> to vector<1x16xf32>
    tpu.vector_store %arg7[%swap3A_1226, %swap3A_1227], %swap3A_1230 {strides = array<i32>} : memref<32x128xf32, #tpu.memory_space<vmem>>, vector<1x16xf32>,
    %swap3A_1231 = arith.constant 24 : i32
    %swap3A_1232 = arith.index_cast %swap3A_1231 : i32 to index
    %swap3A_1233 = arith.constant 16 : index
    %swap3A_1234 = tpu.vector_load %arg7[%swap3A_1232, %swap3A_1233] {strides = array<i32>} : memref<32x128xf32, #tpu.memory_space<vmem>>, vector<1x16xf32>,
    %swap3A_1235 = vector.shape_cast %swap3A_1234 : vector<1x16xf32> to vector<16xf32>
    %swap3A_1236 = vector.shape_cast %broadcast_in_dim3A_73 : vector<16xf32> to vector<1x16xf32>
    tpu.vector_store %arg7[%swap3A_1232, %swap3A_1233], %swap3A_1236 {strides = array<i32>} : memref<32x128xf32, #tpu.memory_space<vmem>>, vector<1x16xf32>,
    %swap3A_1237 = arith.constant 24 : i32
    %swap3A_1238 = arith.index_cast %swap3A_1237 : i32 to index
    %swap3A_1239 = arith.constant 32 : index
    %swap3A_1240 = tpu.vector_load %arg7[%swap3A_1238, %swap3A_1239] {strides = array<i32>} : memref<32x128xf32, #tpu.memory_space<vmem>>, vector<1x16xf32>,
    %swap3A_1241 = vector.shape_cast %swap3A_1240 : vector<1x16xf32> to vector<16xf32>
    %swap3A_1242 = vector.shape_cast %broadcast_in_dim3A_73 : vector<16xf32> to vector<1x16xf32>
    tpu.vector_store %arg7[%swap3A_1238, %swap3A_1239], %swap3A_1242 {strides = array<i32>} : memref<32x128xf32, #tpu.memory_space<vmem>>, vector<1x16xf32>,
    %swap3A_1243 = arith.constant 24 : i32
    %swap3A_1244 = arith.index_cast %swap3A_1243 : i32 to index
    %swap3A_1245 = arith.constant 48 : index
    %swap3A_1246 = tpu.vector_load %arg7[%swap3A_1244, %swap3A_1245] {strides = array<i32>} : memref<32x128xf32, #tpu.memory_space<vmem>>, vector<1x16xf32>,
    %swap3A_1247 = vector.shape_cast %swap3A_1246 : vector<1x16xf32> to vector<16xf32>
    %swap3A_1248 = vector.shape_cast %broadcast_in_dim3A_73 : vector<16xf32> to vector<1x16xf32>
    tpu.vector_store %arg7[%swap3A_1244, %swap3A_1245], %swap3A_1248 {strides = array<i32>} : memref<32x128xf32, #tpu.memory_space<vmem>>, vector<1x16xf32>,
    %swap3A_1249 = arith.constant 24 : i32
    %swap3A_1250 = arith.index_cast %swap3A_1249 : i32 to index
    %swap3A_1251 = arith.constant 64 : index
    %swap3A_1252 = tpu.vector_load %arg7[%swap3A_1250, %swap3A_1251] {strides = array<i32>} : memref<32x128xf32, #tpu.memory_space<vmem>>, vector<1x16xf32>,
    %swap3A_1253 = vector.shape_cast %swap3A_1252 : vector<1x16xf32> to vector<16xf32>
    %swap3A_1254 = vector.shape_cast %broadcast_in_dim3A_73 : vector<16xf32> to vector<1x16xf32>
    tpu.vector_store %arg7[%swap3A_1250, %swap3A_1251], %swap3A_1254 {strides = array<i32>} : memref<32x128xf32, #tpu.memory_space<vmem>>, vector<1x16xf32>,
    %swap3A_1255 = arith.constant 24 : i32
    %swap3A_1256 = arith.index_cast %swap3A_1255 : i32 to index
    %swap3A_1257 = arith.constant 80 : index
    %swap3A_1258 = tpu.vector_load %arg7[%swap3A_1256, %swap3A_1257] {strides = array<i32>} : memref<32x128xf32, #tpu.memory_space<vmem>>, vector<1x16xf32>,
    %swap3A_1259 = vector.shape_cast %swap3A_1258 : vector<1x16xf32> to vector<16xf32>
    %swap3A_1260 = vector.shape_cast %broadcast_in_dim3A_73 : vector<16xf32> to vector<1x16xf32>
    tpu.vector_store %arg7[%swap3A_1256, %swap3A_1257], %swap3A_1260 {strides = array<i32>} : memref<32x128xf32, #tpu.memory_space<vmem>>, vector<1x16xf32>,
    %swap3A_1261 = arith.constant 24 : i32
    %swap3A_1262 = arith.index_cast %swap3A_1261 : i32 to index
    %swap3A_1263 = arith.constant 96 : index
    %swap3A_1264 = tpu.vector_load %arg7[%swap3A_1262, %swap3A_1263] {strides = array<i32>} : memref<32x128xf32, #tpu.memory_space<vmem>>, vector<1x16xf32>,
    %swap3A_1265 = vector.shape_cast %swap3A_1264 : vector<1x16xf32> to vector<16xf32>
    %swap3A_1266 = vector.shape_cast %broadcast_in_dim3A_73 : vector<16xf32> to vector<1x16xf32>
    tpu.vector_store %arg7[%swap3A_1262, %swap3A_1263], %swap3A_1266 {strides = array<i32>} : memref<32x128xf32, #tpu.memory_space<vmem>>, vector<1x16xf32>,
    %swap3A_1267 = arith.constant 24 : i32
    %swap3A_1268 = arith.index_cast %swap3A_1267 : i32 to index
    %swap3A_1269 = arith.constant 112 : index
    %swap3A_1270 = tpu.vector_load %arg7[%swap3A_1268, %swap3A_1269] {strides = array<i32>} : memref<32x128xf32, #tpu.memory_space<vmem>>, vector<1x16xf32>,
    %swap3A_1271 = vector.shape_cast %swap3A_1270 : vector<1x16xf32> to vector<16xf32>
    %swap3A_1272 = vector.shape_cast %broadcast_in_dim3A_73 : vector<16xf32> to vector<1x16xf32>
    tpu.vector_store %arg7[%swap3A_1268, %swap3A_1269], %swap3A_1272 {strides = array<i32>} : memref<32x128xf32, #tpu.memory_space<vmem>>, vector<1x16xf32>,
    %swap3A_1273 = arith.constant 25 : i32
    %swap3A_1274 = arith.index_cast %swap3A_1273 : i32 to index
    %swap3A_1275 = arith.constant 0 : index
    %swap3A_1276 = tpu.vector_load %arg7[%swap3A_1274, %swap3A_1275] {strides = array<i32>} : memref<32x128xf32, #tpu.memory_space<vmem>>, vector<1x16xf32>,
    %swap3A_1277 = vector.shape_cast %swap3A_1276 : vector<1x16xf32> to vector<16xf32>
    %swap3A_1278 = vector.shape_cast %broadcast_in_dim3A_73 : vector<16xf32> to vector<1x16xf32>
    tpu.vector_store %arg7[%swap3A_1274, %swap3A_1275], %swap3A_1278 {strides = array<i32>} : memref<32x128xf32, #tpu.memory_space<vmem>>, vector<1x16xf32>,
    %swap3A_1279 = arith.constant 25 : i32
    %swap3A_1280 = arith.index_cast %swap3A_1279 : i32 to index
    %swap3A_1281 = arith.constant 16 : index
    %swap3A_1282 = tpu.vector_load %arg7[%swap3A_1280, %swap3A_1281] {strides = array<i32>} : memref<32x128xf32, #tpu.memory_space<vmem>>, vector<1x16xf32>,
    %swap3A_1283 = vector.shape_cast %swap3A_1282 : vector<1x16xf32> to vector<16xf32>
    %swap3A_1284 = vector.shape_cast %broadcast_in_dim3A_73 : vector<16xf32> to vector<1x16xf32>
    tpu.vector_store %arg7[%swap3A_1280, %swap3A_1281], %swap3A_1284 {strides = array<i32>} : memref<32x128xf32, #tpu.memory_space<vmem>>, vector<1x16xf32>,
    %swap3A_1285 = arith.constant 25 : i32
    %swap3A_1286 = arith.index_cast %swap3A_1285 : i32 to index
    %swap3A_1287 = arith.constant 32 : index
    %swap3A_1288 = tpu.vector_load %arg7[%swap3A_1286, %swap3A_1287] {strides = array<i32>} : memref<32x128xf32, #tpu.memory_space<vmem>>, vector<1x16xf32>,
    %swap3A_1289 = vector.shape_cast %swap3A_1288 : vector<1x16xf32> to vector<16xf32>
    %swap3A_1290 = vector.shape_cast %broadcast_in_dim3A_73 : vector<16xf32> to vector<1x16xf32>
    tpu.vector_store %arg7[%swap3A_1286, %swap3A_1287], %swap3A_1290 {strides = array<i32>} : memref<32x128xf32, #tpu.memory_space<vmem>>, vector<1x16xf32>,
    %swap3A_1291 = arith.constant 25 : i32
    %swap3A_1292 = arith.index_cast %swap3A_1291 : i32 to index
    %swap3A_1293 = arith.constant 48 : index
    %swap3A_1294 = tpu.vector_load %arg7[%swap3A_1292, %swap3A_1293] {strides = array<i32>} : memref<32x128xf32, #tpu.memory_space<vmem>>, vector<1x16xf32>,
    %swap3A_1295 = vector.shape_cast %swap3A_1294 : vector<1x16xf32> to vector<16xf32>
    %swap3A_1296 = vector.shape_cast %broadcast_in_dim3A_73 : vector<16xf32> to vector<1x16xf32>
    tpu.vector_store %arg7[%swap3A_1292, %swap3A_1293], %swap3A_1296 {strides = array<i32>} : memref<32x128xf32, #tpu.memory_space<vmem>>, vector<1x16xf32>,
    %swap3A_1297 = arith.constant 25 : i32
    %swap3A_1298 = arith.index_cast %swap3A_1297 : i32 to index
    %swap3A_1299 = arith.constant 64 : index
    %swap3A_1300 = tpu.vector_load %arg7[%swap3A_1298, %swap3A_1299] {strides = array<i32>} : memref<32x128xf32, #tpu.memory_space<vmem>>, vector<1x16xf32>,
    %swap3A_1301 = vector.shape_cast %swap3A_1300 : vector<1x16xf32> to vector<16xf32>
    %swap3A_1302 = vector.shape_cast %broadcast_in_dim3A_73 : vector<16xf32> to vector<1x16xf32>
    tpu.vector_store %arg7[%swap3A_1298, %swap3A_1299], %swap3A_1302 {strides = array<i32>} : memref<32x128xf32, #tpu.memory_space<vmem>>, vector<1x16xf32>,
    %swap3A_1303 = arith.constant 25 : i32
    %swap3A_1304 = arith.index_cast %swap3A_1303 : i32 to index
    %swap3A_1305 = arith.constant 80 : index
    %swap3A_1306 = tpu.vector_load %arg7[%swap3A_1304, %swap3A_1305] {strides = array<i32>} : memref<32x128xf32, #tpu.memory_space<vmem>>, vector<1x16xf32>,
    %swap3A_1307 = vector.shape_cast %swap3A_1306 : vector<1x16xf32> to vector<16xf32>
    %swap3A_1308 = vector.shape_cast %broadcast_in_dim3A_73 : vector<16xf32> to vector<1x16xf32>
    tpu.vector_store %arg7[%swap3A_1304, %swap3A_1305], %swap3A_1308 {strides = array<i32>} : memref<32x128xf32, #tpu.memory_space<vmem>>, vector<1x16xf32>,
    %swap3A_1309 = arith.constant 25 : i32
    %swap3A_1310 = arith.index_cast %swap3A_1309 : i32 to index
    %swap3A_1311 = arith.constant 96 : index
    %swap3A_1312 = tpu.vector_load %arg7[%swap3A_1310, %swap3A_1311] {strides = array<i32>} : memref<32x128xf32, #tpu.memory_space<vmem>>, vector<1x16xf32>,
    %swap3A_1313 = vector.shape_cast %swap3A_1312 : vector<1x16xf32> to vector<16xf32>
    %swap3A_1314 = vector.shape_cast %broadcast_in_dim3A_73 : vector<16xf32> to vector<1x16xf32>
    tpu.vector_store %arg7[%swap3A_1310, %swap3A_1311], %swap3A_1314 {strides = array<i32>} : memref<32x128xf32, #tpu.memory_space<vmem>>, vector<1x16xf32>,
    %swap3A_1315 = arith.constant 25 : i32
    %swap3A_1316 = arith.index_cast %swap3A_1315 : i32 to index
    %swap3A_1317 = arith.constant 112 : index
    %swap3A_1318 = tpu.vector_load %arg7[%swap3A_1316, %swap3A_1317] {strides = array<i32>} : memref<32x128xf32, #tpu.memory_space<vmem>>, vector<1x16xf32>,
    %swap3A_1319 = vector.shape_cast %swap3A_1318 : vector<1x16xf32> to vector<16xf32>
    %swap3A_1320 = vector.shape_cast %broadcast_in_dim3A_73 : vector<16xf32> to vector<1x16xf32>
    tpu.vector_store %arg7[%swap3A_1316, %swap3A_1317], %swap3A_1320 {strides = array<i32>} : memref<32x128xf32, #tpu.memory_space<vmem>>, vector<1x16xf32>,
    %swap3A_1321 = arith.constant 26 : i32
    %swap3A_1322 = arith.index_cast %swap3A_1321 : i32 to index
    %swap3A_1323 = arith.constant 0 : index
    %swap3A_1324 = tpu.vector_load %arg7[%swap3A_1322, %swap3A_1323] {strides = array<i32>} : memref<32x128xf32, #tpu.memory_space<vmem>>, vector<1x16xf32>,
    %swap3A_1325 = vector.shape_cast %swap3A_1324 : vector<1x16xf32> to vector<16xf32>
    %swap3A_1326 = vector.shape_cast %broadcast_in_dim3A_73 : vector<16xf32> to vector<1x16xf32>
    tpu.vector_store %arg7[%swap3A_1322, %swap3A_1323], %swap3A_1326 {strides = array<i32>} : memref<32x128xf32, #tpu.memory_space<vmem>>, vector<1x16xf32>,
    %swap3A_1327 = arith.constant 26 : i32
    %swap3A_1328 = arith.index_cast %swap3A_1327 : i32 to index
    %swap3A_1329 = arith.constant 16 : index
    %swap3A_1330 = tpu.vector_load %arg7[%swap3A_1328, %swap3A_1329] {strides = array<i32>} : memref<32x128xf32, #tpu.memory_space<vmem>>, vector<1x16xf32>,
    %swap3A_1331 = vector.shape_cast %swap3A_1330 : vector<1x16xf32> to vector<16xf32>
    %swap3A_1332 = vector.shape_cast %broadcast_in_dim3A_73 : vector<16xf32> to vector<1x16xf32>
    tpu.vector_store %arg7[%swap3A_1328, %swap3A_1329], %swap3A_1332 {strides = array<i32>} : memref<32x128xf32, #tpu.memory_space<vmem>>, vector<1x16xf32>,
    %swap3A_1333 = arith.constant 26 : i32
    %swap3A_1334 = arith.index_cast %swap3A_1333 : i32 to index
    %swap3A_1335 = arith.constant 32 : index
    %swap3A_1336 = tpu.vector_load %arg7[%swap3A_1334, %swap3A_1335] {strides = array<i32>} : memref<32x128xf32, #tpu.memory_space<vmem>>, vector<1x16xf32>,
    %swap3A_1337 = vector.shape_cast %swap3A_1336 : vector<1x16xf32> to vector<16xf32>
    %swap3A_1338 = vector.shape_cast %broadcast_in_dim3A_73 : vector<16xf32> to vector<1x16xf32>
    tpu.vector_store %arg7[%swap3A_1334, %swap3A_1335], %swap3A_1338 {strides = array<i32>} : memref<32x128xf32, #tpu.memory_space<vmem>>, vector<1x16xf32>,
    %swap3A_1339 = arith.constant 26 : i32
    %swap3A_1340 = arith.index_cast %swap3A_1339 : i32 to index
    %swap3A_1341 = arith.constant 48 : index
    %swap3A_1342 = tpu.vector_load %arg7[%swap3A_1340, %swap3A_1341] {strides = array<i32>} : memref<32x128xf32, #tpu.memory_space<vmem>>, vector<1x16xf32>,
    %swap3A_1343 = vector.shape_cast %swap3A_1342 : vector<1x16xf32> to vector<16xf32>
    %swap3A_1344 = vector.shape_cast %broadcast_in_dim3A_73 : vector<16xf32> to vector<1x16xf32>
    tpu.vector_store %arg7[%swap3A_1340, %swap3A_1341], %swap3A_1344 {strides = array<i32>} : memref<32x128xf32, #tpu.memory_space<vmem>>, vector<1x16xf32>,
    %swap3A_1345 = arith.constant 26 : i32
    %swap3A_1346 = arith.index_cast %swap3A_1345 : i32 to index
    %swap3A_1347 = arith.constant 64 : index
    %swap3A_1348 = tpu.vector_load %arg7[%swap3A_1346, %swap3A_1347] {strides = array<i32>} : memref<32x128xf32, #tpu.memory_space<vmem>>, vector<1x16xf32>,
    %swap3A_1349 = vector.shape_cast %swap3A_1348 : vector<1x16xf32> to vector<16xf32>
    %swap3A_1350 = vector.shape_cast %broadcast_in_dim3A_73 : vector<16xf32> to vector<1x16xf32>
    tpu.vector_store %arg7[%swap3A_1346, %swap3A_1347], %swap3A_1350 {strides = array<i32>} : memref<32x128xf32, #tpu.memory_space<vmem>>, vector<1x16xf32>,
    %swap3A_1351 = arith.constant 26 : i32
    %swap3A_1352 = arith.index_cast %swap3A_1351 : i32 to index
    %swap3A_1353 = arith.constant 80 : index
    %swap3A_1354 = tpu.vector_load %arg7[%swap3A_1352, %swap3A_1353] {strides = array<i32>} : memref<32x128xf32, #tpu.memory_space<vmem>>, vector<1x16xf32>,
    %swap3A_1355 = vector.shape_cast %swap3A_1354 : vector<1x16xf32> to vector<16xf32>
    %swap3A_1356 = vector.shape_cast %broadcast_in_dim3A_73 : vector<16xf32> to vector<1x16xf32>
    tpu.vector_store %arg7[%swap3A_1352, %swap3A_1353], %swap3A_1356 {strides = array<i32>} : memref<32x128xf32, #tpu.memory_space<vmem>>, vector<1x16xf32>,
    %swap3A_1357 = arith.constant 26 : i32
    %swap3A_1358 = arith.index_cast %swap3A_1357 : i32 to index
    %swap3A_1359 = arith.constant 96 : index
    %swap3A_1360 = tpu.vector_load %arg7[%swap3A_1358, %swap3A_1359] {strides = array<i32>} : memref<32x128xf32, #tpu.memory_space<vmem>>, vector<1x16xf32>,
    %swap3A_1361 = vector.shape_cast %swap3A_1360 : vector<1x16xf32> to vector<16xf32>
    %swap3A_1362 = vector.shape_cast %broadcast_in_dim3A_73 : vector<16xf32> to vector<1x16xf32>
    tpu.vector_store %arg7[%swap3A_1358, %swap3A_1359], %swap3A_1362 {strides = array<i32>} : memref<32x128xf32, #tpu.memory_space<vmem>>, vector<1x16xf32>,
    %swap3A_1363 = arith.constant 26 : i32
    %swap3A_1364 = arith.index_cast %swap3A_1363 : i32 to index
    %swap3A_1365 = arith.constant 112 : index
    %swap3A_1366 = tpu.vector_load %arg7[%swap3A_1364, %swap3A_1365] {strides = array<i32>} : memref<32x128xf32, #tpu.memory_space<vmem>>, vector<1x16xf32>,
    %swap3A_1367 = vector.shape_cast %swap3A_1366 : vector<1x16xf32> to vector<16xf32>
    %swap3A_1368 = vector.shape_cast %broadcast_in_dim3A_73 : vector<16xf32> to vector<1x16xf32>
    tpu.vector_store %arg7[%swap3A_1364, %swap3A_1365], %swap3A_1368 {strides = array<i32>} : memref<32x128xf32, #tpu.memory_space<vmem>>, vector<1x16xf32>,
    %swap3A_1369 = arith.constant 27 : i32
    %swap3A_1370 = arith.index_cast %swap3A_1369 : i32 to index
    %swap3A_1371 = arith.constant 0 : index
    %swap3A_1372 = tpu.vector_load %arg7[%swap3A_1370, %swap3A_1371] {strides = array<i32>} : memref<32x128xf32, #tpu.memory_space<vmem>>, vector<1x16xf32>,
    %swap3A_1373 = vector.shape_cast %swap3A_1372 : vector<1x16xf32> to vector<16xf32>
    %swap3A_1374 = vector.shape_cast %broadcast_in_dim3A_73 : vector<16xf32> to vector<1x16xf32>
    tpu.vector_store %arg7[%swap3A_1370, %swap3A_1371], %swap3A_1374 {strides = array<i32>} : memref<32x128xf32, #tpu.memory_space<vmem>>, vector<1x16xf32>,
    %swap3A_1375 = arith.constant 27 : i32
    %swap3A_1376 = arith.index_cast %swap3A_1375 : i32 to index
    %swap3A_1377 = arith.constant 16 : index
    %swap3A_1378 = tpu.vector_load %arg7[%swap3A_1376, %swap3A_1377] {strides = array<i32>} : memref<32x128xf32, #tpu.memory_space<vmem>>, vector<1x16xf32>,
    %swap3A_1379 = vector.shape_cast %swap3A_1378 : vector<1x16xf32> to vector<16xf32>
    %swap3A_1380 = vector.shape_cast %broadcast_in_dim3A_73 : vector<16xf32> to vector<1x16xf32>
    tpu.vector_store %arg7[%swap3A_1376, %swap3A_1377], %swap3A_1380 {strides = array<i32>} : memref<32x128xf32, #tpu.memory_space<vmem>>, vector<1x16xf32>,
    %swap3A_1381 = arith.constant 27 : i32
    %swap3A_1382 = arith.index_cast %swap3A_1381 : i32 to index
    %swap3A_1383 = arith.constant 32 : index
    %swap3A_1384 = tpu.vector_load %arg7[%swap3A_1382, %swap3A_1383] {strides = array<i32>} : memref<32x128xf32, #tpu.memory_space<vmem>>, vector<1x16xf32>,
    %swap3A_1385 = vector.shape_cast %swap3A_1384 : vector<1x16xf32> to vector<16xf32>
    %swap3A_1386 = vector.shape_cast %broadcast_in_dim3A_73 : vector<16xf32> to vector<1x16xf32>
    tpu.vector_store %arg7[%swap3A_1382, %swap3A_1383], %swap3A_1386 {strides = array<i32>} : memref<32x128xf32, #tpu.memory_space<vmem>>, vector<1x16xf32>,
    %swap3A_1387 = arith.constant 27 : i32
    %swap3A_1388 = arith.index_cast %swap3A_1387 : i32 to index
    %swap3A_1389 = arith.constant 48 : index
    %swap3A_1390 = tpu.vector_load %arg7[%swap3A_1388, %swap3A_1389] {strides = array<i32>} : memref<32x128xf32, #tpu.memory_space<vmem>>, vector<1x16xf32>,
    %swap3A_1391 = vector.shape_cast %swap3A_1390 : vector<1x16xf32> to vector<16xf32>
    %swap3A_1392 = vector.shape_cast %broadcast_in_dim3A_73 : vector<16xf32> to vector<1x16xf32>
    tpu.vector_store %arg7[%swap3A_1388, %swap3A_1389], %swap3A_1392 {strides = array<i32>} : memref<32x128xf32, #tpu.memory_space<vmem>>, vector<1x16xf32>,
    %swap3A_1393 = arith.constant 27 : i32
    %swap3A_1394 = arith.index_cast %swap3A_1393 : i32 to index
    %swap3A_1395 = arith.constant 64 : index
    %swap3A_1396 = tpu.vector_load %arg7[%swap3A_1394, %swap3A_1395] {strides = array<i32>} : memref<32x128xf32, #tpu.memory_space<vmem>>, vector<1x16xf32>,
    %swap3A_1397 = vector.shape_cast %swap3A_1396 : vector<1x16xf32> to vector<16xf32>
    %swap3A_1398 = vector.shape_cast %broadcast_in_dim3A_73 : vector<16xf32> to vector<1x16xf32>
    tpu.vector_store %arg7[%swap3A_1394, %swap3A_1395], %swap3A_1398 {strides = array<i32>} : memref<32x128xf32, #tpu.memory_space<vmem>>, vector<1x16xf32>,
    %swap3A_1399 = arith.constant 27 : i32
    %swap3A_1400 = arith.index_cast %swap3A_1399 : i32 to index
    %swap3A_1401 = arith.constant 80 : index
    %swap3A_1402 = tpu.vector_load %arg7[%swap3A_1400, %swap3A_1401] {strides = array<i32>} : memref<32x128xf32, #tpu.memory_space<vmem>>, vector<1x16xf32>,
    %swap3A_1403 = vector.shape_cast %swap3A_1402 : vector<1x16xf32> to vector<16xf32>
    %swap3A_1404 = vector.shape_cast %broadcast_in_dim3A_73 : vector<16xf32> to vector<1x16xf32>
    tpu.vector_store %arg7[%swap3A_1400, %swap3A_1401], %swap3A_1404 {strides = array<i32>} : memref<32x128xf32, #tpu.memory_space<vmem>>, vector<1x16xf32>,
    %swap3A_1405 = arith.constant 27 : i32
    %swap3A_1406 = arith.index_cast %swap3A_1405 : i32 to index
    %swap3A_1407 = arith.constant 96 : index
    %swap3A_1408 = tpu.vector_load %arg7[%swap3A_1406, %swap3A_1407] {strides = array<i32>} : memref<32x128xf32, #tpu.memory_space<vmem>>, vector<1x16xf32>,
    %swap3A_1409 = vector.shape_cast %swap3A_1408 : vector<1x16xf32> to vector<16xf32>
    %swap3A_1410 = vector.shape_cast %broadcast_in_dim3A_73 : vector<16xf32> to vector<1x16xf32>
    tpu.vector_store %arg7[%swap3A_1406, %swap3A_1407], %swap3A_1410 {strides = array<i32>} : memref<32x128xf32, #tpu.memory_space<vmem>>, vector<1x16xf32>,
    %swap3A_1411 = arith.constant 27 : i32
    %swap3A_1412 = arith.index_cast %swap3A_1411 : i32 to index
    %swap3A_1413 = arith.constant 112 : index
    %swap3A_1414 = tpu.vector_load %arg7[%swap3A_1412, %swap3A_1413] {strides = array<i32>} : memref<32x128xf32, #tpu.memory_space<vmem>>, vector<1x16xf32>,
    %swap3A_1415 = vector.shape_cast %swap3A_1414 : vector<1x16xf32> to vector<16xf32>
    %swap3A_1416 = vector.shape_cast %broadcast_in_dim3A_73 : vector<16xf32> to vector<1x16xf32>
    tpu.vector_store %arg7[%swap3A_1412, %swap3A_1413], %swap3A_1416 {strides = array<i32>} : memref<32x128xf32, #tpu.memory_space<vmem>>, vector<1x16xf32>,
    %swap3A_1417 = arith.constant 28 : i32
    %swap3A_1418 = arith.index_cast %swap3A_1417 : i32 to index
    %swap3A_1419 = arith.constant 0 : index
    %swap3A_1420 = tpu.vector_load %arg7[%swap3A_1418, %swap3A_1419] {strides = array<i32>} : memref<32x128xf32, #tpu.memory_space<vmem>>, vector<1x16xf32>,
    %swap3A_1421 = vector.shape_cast %swap3A_1420 : vector<1x16xf32> to vector<16xf32>
    %swap3A_1422 = vector.shape_cast %broadcast_in_dim3A_73 : vector<16xf32> to vector<1x16xf32>
    tpu.vector_store %arg7[%swap3A_1418, %swap3A_1419], %swap3A_1422 {strides = array<i32>} : memref<32x128xf32, #tpu.memory_space<vmem>>, vector<1x16xf32>,
    %swap3A_1423 = arith.constant 28 : i32
    %swap3A_1424 = arith.index_cast %swap3A_1423 : i32 to index
    %swap3A_1425 = arith.constant 16 : index
    %swap3A_1426 = tpu.vector_load %arg7[%swap3A_1424, %swap3A_1425] {strides = array<i32>} : memref<32x128xf32, #tpu.memory_space<vmem>>, vector<1x16xf32>,
    %swap3A_1427 = vector.shape_cast %swap3A_1426 : vector<1x16xf32> to vector<16xf32>
    %swap3A_1428 = vector.shape_cast %broadcast_in_dim3A_73 : vector<16xf32> to vector<1x16xf32>
    tpu.vector_store %arg7[%swap3A_1424, %swap3A_1425], %swap3A_1428 {strides = array<i32>} : memref<32x128xf32, #tpu.memory_space<vmem>>, vector<1x16xf32>,
    %swap3A_1429 = arith.constant 28 : i32
    %swap3A_1430 = arith.index_cast %swap3A_1429 : i32 to index
    %swap3A_1431 = arith.constant 32 : index
    %swap3A_1432 = tpu.vector_load %arg7[%swap3A_1430, %swap3A_1431] {strides = array<i32>} : memref<32x128xf32, #tpu.memory_space<vmem>>, vector<1x16xf32>,
    %swap3A_1433 = vector.shape_cast %swap3A_1432 : vector<1x16xf32> to vector<16xf32>
    %swap3A_1434 = vector.shape_cast %broadcast_in_dim3A_73 : vector<16xf32> to vector<1x16xf32>
    tpu.vector_store %arg7[%swap3A_1430, %swap3A_1431], %swap3A_1434 {strides = array<i32>} : memref<32x128xf32, #tpu.memory_space<vmem>>, vector<1x16xf32>,
    %swap3A_1435 = arith.constant 28 : i32
    %swap3A_1436 = arith.index_cast %swap3A_1435 : i32 to index
    %swap3A_1437 = arith.constant 48 : index
    %swap3A_1438 = tpu.vector_load %arg7[%swap3A_1436, %swap3A_1437] {strides = array<i32>} : memref<32x128xf32, #tpu.memory_space<vmem>>, vector<1x16xf32>,
    %swap3A_1439 = vector.shape_cast %swap3A_1438 : vector<1x16xf32> to vector<16xf32>
    %swap3A_1440 = vector.shape_cast %broadcast_in_dim3A_73 : vector<16xf32> to vector<1x16xf32>
    tpu.vector_store %arg7[%swap3A_1436, %swap3A_1437], %swap3A_1440 {strides = array<i32>} : memref<32x128xf32, #tpu.memory_space<vmem>>, vector<1x16xf32>,
    %swap3A_1441 = arith.constant 28 : i32
    %swap3A_1442 = arith.index_cast %swap3A_1441 : i32 to index
    %swap3A_1443 = arith.constant 64 : index
    %swap3A_1444 = tpu.vector_load %arg7[%swap3A_1442, %swap3A_1443] {strides = array<i32>} : memref<32x128xf32, #tpu.memory_space<vmem>>, vector<1x16xf32>,
    %swap3A_1445 = vector.shape_cast %swap3A_1444 : vector<1x16xf32> to vector<16xf32>
    %swap3A_1446 = vector.shape_cast %broadcast_in_dim3A_73 : vector<16xf32> to vector<1x16xf32>
    tpu.vector_store %arg7[%swap3A_1442, %swap3A_1443], %swap3A_1446 {strides = array<i32>} : memref<32x128xf32, #tpu.memory_space<vmem>>, vector<1x16xf32>,
    %swap3A_1447 = arith.constant 28 : i32
    %swap3A_1448 = arith.index_cast %swap3A_1447 : i32 to index
    %swap3A_1449 = arith.constant 80 : index
    %swap3A_1450 = tpu.vector_load %arg7[%swap3A_1448, %swap3A_1449] {strides = array<i32>} : memref<32x128xf32, #tpu.memory_space<vmem>>, vector<1x16xf32>,
    %swap3A_1451 = vector.shape_cast %swap3A_1450 : vector<1x16xf32> to vector<16xf32>
    %swap3A_1452 = vector.shape_cast %broadcast_in_dim3A_73 : vector<16xf32> to vector<1x16xf32>
    tpu.vector_store %arg7[%swap3A_1448, %swap3A_1449], %swap3A_1452 {strides = array<i32>} : memref<32x128xf32, #tpu.memory_space<vmem>>, vector<1x16xf32>,
    %swap3A_1453 = arith.constant 28 : i32
    %swap3A_1454 = arith.index_cast %swap3A_1453 : i32 to index
    %swap3A_1455 = arith.constant 96 : index
    %swap3A_1456 = tpu.vector_load %arg7[%swap3A_1454, %swap3A_1455] {strides = array<i32>} : memref<32x128xf32, #tpu.memory_space<vmem>>, vector<1x16xf32>,
    %swap3A_1457 = vector.shape_cast %swap3A_1456 : vector<1x16xf32> to vector<16xf32>
    %swap3A_1458 = vector.shape_cast %broadcast_in_dim3A_73 : vector<16xf32> to vector<1x16xf32>
    tpu.vector_store %arg7[%swap3A_1454, %swap3A_1455], %swap3A_1458 {strides = array<i32>} : memref<32x128xf32, #tpu.memory_space<vmem>>, vector<1x16xf32>,
    %swap3A_1459 = arith.constant 28 : i32
    %swap3A_1460 = arith.index_cast %swap3A_1459 : i32 to index
    %swap3A_1461 = arith.constant 112 : index
    %swap3A_1462 = tpu.vector_load %arg7[%swap3A_1460, %swap3A_1461] {strides = array<i32>} : memref<32x128xf32, #tpu.memory_space<vmem>>, vector<1x16xf32>,
    %swap3A_1463 = vector.shape_cast %swap3A_1462 : vector<1x16xf32> to vector<16xf32>
    %swap3A_1464 = vector.shape_cast %broadcast_in_dim3A_73 : vector<16xf32> to vector<1x16xf32>
    tpu.vector_store %arg7[%swap3A_1460, %swap3A_1461], %swap3A_1464 {strides = array<i32>} : memref<32x128xf32, #tpu.memory_space<vmem>>, vector<1x16xf32>,
    %swap3A_1465 = arith.constant 29 : i32
    %swap3A_1466 = arith.index_cast %swap3A_1465 : i32 to index
    %swap3A_1467 = arith.constant 0 : index
    %swap3A_1468 = tpu.vector_load %arg7[%swap3A_1466, %swap3A_1467] {strides = array<i32>} : memref<32x128xf32, #tpu.memory_space<vmem>>, vector<1x16xf32>,
    %swap3A_1469 = vector.shape_cast %swap3A_1468 : vector<1x16xf32> to vector<16xf32>
    %swap3A_1470 = vector.shape_cast %broadcast_in_dim3A_73 : vector<16xf32> to vector<1x16xf32>
    tpu.vector_store %arg7[%swap3A_1466, %swap3A_1467], %swap3A_1470 {strides = array<i32>} : memref<32x128xf32, #tpu.memory_space<vmem>>, vector<1x16xf32>,
    %swap3A_1471 = arith.constant 29 : i32
    %swap3A_1472 = arith.index_cast %swap3A_1471 : i32 to index
    %swap3A_1473 = arith.constant 16 : index
    %swap3A_1474 = tpu.vector_load %arg7[%swap3A_1472, %swap3A_1473] {strides = array<i32>} : memref<32x128xf32, #tpu.memory_space<vmem>>, vector<1x16xf32>,
    %swap3A_1475 = vector.shape_cast %swap3A_1474 : vector<1x16xf32> to vector<16xf32>
    %swap3A_1476 = vector.shape_cast %broadcast_in_dim3A_73 : vector<16xf32> to vector<1x16xf32>
    tpu.vector_store %arg7[%swap3A_1472, %swap3A_1473], %swap3A_1476 {strides = array<i32>} : memref<32x128xf32, #tpu.memory_space<vmem>>, vector<1x16xf32>,
    %swap3A_1477 = arith.constant 29 : i32
    %swap3A_1478 = arith.index_cast %swap3A_1477 : i32 to index
    %swap3A_1479 = arith.constant 32 : index
    %swap3A_1480 = tpu.vector_load %arg7[%swap3A_1478, %swap3A_1479] {strides = array<i32>} : memref<32x128xf32, #tpu.memory_space<vmem>>, vector<1x16xf32>,
    %swap3A_1481 = vector.shape_cast %swap3A_1480 : vector<1x16xf32> to vector<16xf32>
    %swap3A_1482 = vector.shape_cast %broadcast_in_dim3A_73 : vector<16xf32> to vector<1x16xf32>
    tpu.vector_store %arg7[%swap3A_1478, %swap3A_1479], %swap3A_1482 {strides = array<i32>} : memref<32x128xf32, #tpu.memory_space<vmem>>, vector<1x16xf32>,
    %swap3A_1483 = arith.constant 29 : i32
    %swap3A_1484 = arith.index_cast %swap3A_1483 : i32 to index
    %swap3A_1485 = arith.constant 48 : index
    %swap3A_1486 = tpu.vector_load %arg7[%swap3A_1484, %swap3A_1485] {strides = array<i32>} : memref<32x128xf32, #tpu.memory_space<vmem>>, vector<1x16xf32>,
    %swap3A_1487 = vector.shape_cast %swap3A_1486 : vector<1x16xf32> to vector<16xf32>
    %swap3A_1488 = vector.shape_cast %broadcast_in_dim3A_73 : vector<16xf32> to vector<1x16xf32>
    tpu.vector_store %arg7[%swap3A_1484, %swap3A_1485], %swap3A_1488 {strides = array<i32>} : memref<32x128xf32, #tpu.memory_space<vmem>>, vector<1x16xf32>,
    %swap3A_1489 = arith.constant 29 : i32
    %swap3A_1490 = arith.index_cast %swap3A_1489 : i32 to index
    %swap3A_1491 = arith.constant 64 : index
    %swap3A_1492 = tpu.vector_load %arg7[%swap3A_1490, %swap3A_1491] {strides = array<i32>} : memref<32x128xf32, #tpu.memory_space<vmem>>, vector<1x16xf32>,
    %swap3A_1493 = vector.shape_cast %swap3A_1492 : vector<1x16xf32> to vector<16xf32>
    %swap3A_1494 = vector.shape_cast %broadcast_in_dim3A_73 : vector<16xf32> to vector<1x16xf32>
    tpu.vector_store %arg7[%swap3A_1490, %swap3A_1491], %swap3A_1494 {strides = array<i32>} : memref<32x128xf32, #tpu.memory_space<vmem>>, vector<1x16xf32>,
    %swap3A_1495 = arith.constant 29 : i32
    %swap3A_1496 = arith.index_cast %swap3A_1495 : i32 to index
    %swap3A_1497 = arith.constant 80 : index
    %swap3A_1498 = tpu.vector_load %arg7[%swap3A_1496, %swap3A_1497] {strides = array<i32>} : memref<32x128xf32, #tpu.memory_space<vmem>>, vector<1x16xf32>,
    %swap3A_1499 = vector.shape_cast %swap3A_1498 : vector<1x16xf32> to vector<16xf32>
    %swap3A_1500 = vector.shape_cast %broadcast_in_dim3A_73 : vector<16xf32> to vector<1x16xf32>
    tpu.vector_store %arg7[%swap3A_1496, %swap3A_1497], %swap3A_1500 {strides = array<i32>} : memref<32x128xf32, #tpu.memory_space<vmem>>, vector<1x16xf32>,
    %swap3A_1501 = arith.constant 29 : i32
    %swap3A_1502 = arith.index_cast %swap3A_1501 : i32 to index
    %swap3A_1503 = arith.constant 96 : index
    %swap3A_1504 = tpu.vector_load %arg7[%swap3A_1502, %swap3A_1503] {strides = array<i32>} : memref<32x128xf32, #tpu.memory_space<vmem>>, vector<1x16xf32>,
    %swap3A_1505 = vector.shape_cast %swap3A_1504 : vector<1x16xf32> to vector<16xf32>
    %swap3A_1506 = vector.shape_cast %broadcast_in_dim3A_73 : vector<16xf32> to vector<1x16xf32>
    tpu.vector_store %arg7[%swap3A_1502, %swap3A_1503], %swap3A_1506 {strides = array<i32>} : memref<32x128xf32, #tpu.memory_space<vmem>>, vector<1x16xf32>,
    %swap3A_1507 = arith.constant 29 : i32
    %swap3A_1508 = arith.index_cast %swap3A_1507 : i32 to index
    %swap3A_1509 = arith.constant 112 : index
    %swap3A_1510 = tpu.vector_load %arg7[%swap3A_1508, %swap3A_1509] {strides = array<i32>} : memref<32x128xf32, #tpu.memory_space<vmem>>, vector<1x16xf32>,
    %swap3A_1511 = vector.shape_cast %swap3A_1510 : vector<1x16xf32> to vector<16xf32>
    %swap3A_1512 = vector.shape_cast %broadcast_in_dim3A_73 : vector<16xf32> to vector<1x16xf32>
    tpu.vector_store %arg7[%swap3A_1508, %swap3A_1509], %swap3A_1512 {strides = array<i32>} : memref<32x128xf32, #tpu.memory_space<vmem>>, vector<1x16xf32>,
    %swap3A_1513 = arith.constant 30 : i32
    %swap3A_1514 = arith.index_cast %swap3A_1513 : i32 to index
    %swap3A_1515 = arith.constant 0 : index
    %swap3A_1516 = tpu.vector_load %arg7[%swap3A_1514, %swap3A_1515] {strides = array<i32>} : memref<32x128xf32, #tpu.memory_space<vmem>>, vector<1x16xf32>,
    %swap3A_1517 = vector.shape_cast %swap3A_1516 : vector<1x16xf32> to vector<16xf32>
    %swap3A_1518 = vector.shape_cast %broadcast_in_dim3A_73 : vector<16xf32> to vector<1x16xf32>
    tpu.vector_store %arg7[%swap3A_1514, %swap3A_1515], %swap3A_1518 {strides = array<i32>} : memref<32x128xf32, #tpu.memory_space<vmem>>, vector<1x16xf32>,
    %swap3A_1519 = arith.constant 30 : i32
    %swap3A_1520 = arith.index_cast %swap3A_1519 : i32 to index
    %swap3A_1521 = arith.constant 16 : index
    %swap3A_1522 = tpu.vector_load %arg7[%swap3A_1520, %swap3A_1521] {strides = array<i32>} : memref<32x128xf32, #tpu.memory_space<vmem>>, vector<1x16xf32>,
    %swap3A_1523 = vector.shape_cast %swap3A_1522 : vector<1x16xf32> to vector<16xf32>
    %swap3A_1524 = vector.shape_cast %broadcast_in_dim3A_73 : vector<16xf32> to vector<1x16xf32>
    tpu.vector_store %arg7[%swap3A_1520, %swap3A_1521], %swap3A_1524 {strides = array<i32>} : memref<32x128xf32, #tpu.memory_space<vmem>>, vector<1x16xf32>,
    %swap3A_1525 = arith.constant 30 : i32
    %swap3A_1526 = arith.index_cast %swap3A_1525 : i32 to index
    %swap3A_1527 = arith.constant 32 : index
    %swap3A_1528 = tpu.vector_load %arg7[%swap3A_1526, %swap3A_1527] {strides = array<i32>} : memref<32x128xf32, #tpu.memory_space<vmem>>, vector<1x16xf32>,
    %swap3A_1529 = vector.shape_cast %swap3A_1528 : vector<1x16xf32> to vector<16xf32>
    %swap3A_1530 = vector.shape_cast %broadcast_in_dim3A_73 : vector<16xf32> to vector<1x16xf32>
    tpu.vector_store %arg7[%swap3A_1526, %swap3A_1527], %swap3A_1530 {strides = array<i32>} : memref<32x128xf32, #tpu.memory_space<vmem>>, vector<1x16xf32>,
    %swap3A_1531 = arith.constant 30 : i32
    %swap3A_1532 = arith.index_cast %swap3A_1531 : i32 to index
    %swap3A_1533 = arith.constant 48 : index
    %swap3A_1534 = tpu.vector_load %arg7[%swap3A_1532, %swap3A_1533] {strides = array<i32>} : memref<32x128xf32, #tpu.memory_space<vmem>>, vector<1x16xf32>,
    %swap3A_1535 = vector.shape_cast %swap3A_1534 : vector<1x16xf32> to vector<16xf32>
    %swap3A_1536 = vector.shape_cast %broadcast_in_dim3A_73 : vector<16xf32> to vector<1x16xf32>
    tpu.vector_store %arg7[%swap3A_1532, %swap3A_1533], %swap3A_1536 {strides = array<i32>} : memref<32x128xf32, #tpu.memory_space<vmem>>, vector<1x16xf32>,
    %swap3A_1537 = arith.constant 30 : i32
    %swap3A_1538 = arith.index_cast %swap3A_1537 : i32 to index
    %swap3A_1539 = arith.constant 64 : index
    %swap3A_1540 = tpu.vector_load %arg7[%swap3A_1538, %swap3A_1539] {strides = array<i32>} : memref<32x128xf32, #tpu.memory_space<vmem>>, vector<1x16xf32>,
    %swap3A_1541 = vector.shape_cast %swap3A_1540 : vector<1x16xf32> to vector<16xf32>
    %swap3A_1542 = vector.shape_cast %broadcast_in_dim3A_73 : vector<16xf32> to vector<1x16xf32>
    tpu.vector_store %arg7[%swap3A_1538, %swap3A_1539], %swap3A_1542 {strides = array<i32>} : memref<32x128xf32, #tpu.memory_space<vmem>>, vector<1x16xf32>,
    %swap3A_1543 = arith.constant 30 : i32
    %swap3A_1544 = arith.index_cast %swap3A_1543 : i32 to index
    %swap3A_1545 = arith.constant 80 : index
    %swap3A_1546 = tpu.vector_load %arg7[%swap3A_1544, %swap3A_1545] {strides = array<i32>} : memref<32x128xf32, #tpu.memory_space<vmem>>, vector<1x16xf32>,
    %swap3A_1547 = vector.shape_cast %swap3A_1546 : vector<1x16xf32> to vector<16xf32>
    %swap3A_1548 = vector.shape_cast %broadcast_in_dim3A_73 : vector<16xf32> to vector<1x16xf32>
    tpu.vector_store %arg7[%swap3A_1544, %swap3A_1545], %swap3A_1548 {strides = array<i32>} : memref<32x128xf32, #tpu.memory_space<vmem>>, vector<1x16xf32>,
    %swap3A_1549 = arith.constant 30 : i32
    %swap3A_1550 = arith.index_cast %swap3A_1549 : i32 to index
    %swap3A_1551 = arith.constant 96 : index
    %swap3A_1552 = tpu.vector_load %arg7[%swap3A_1550, %swap3A_1551] {strides = array<i32>} : memref<32x128xf32, #tpu.memory_space<vmem>>, vector<1x16xf32>,
    %swap3A_1553 = vector.shape_cast %swap3A_1552 : vector<1x16xf32> to vector<16xf32>
    %swap3A_1554 = vector.shape_cast %broadcast_in_dim3A_73 : vector<16xf32> to vector<1x16xf32>
    tpu.vector_store %arg7[%swap3A_1550, %swap3A_1551], %swap3A_1554 {strides = array<i32>} : memref<32x128xf32, #tpu.memory_space<vmem>>, vector<1x16xf32>,
    %swap3A_1555 = arith.constant 30 : i32
    %swap3A_1556 = arith.index_cast %swap3A_1555 : i32 to index
    %swap3A_1557 = arith.constant 112 : index
    %swap3A_1558 = tpu.vector_load %arg7[%swap3A_1556, %swap3A_1557] {strides = array<i32>} : memref<32x128xf32, #tpu.memory_space<vmem>>, vector<1x16xf32>,
    %swap3A_1559 = vector.shape_cast %swap3A_1558 : vector<1x16xf32> to vector<16xf32>
    %swap3A_1560 = vector.shape_cast %broadcast_in_dim3A_73 : vector<16xf32> to vector<1x16xf32>
    tpu.vector_store %arg7[%swap3A_1556, %swap3A_1557], %swap3A_1560 {strides = array<i32>} : memref<32x128xf32, #tpu.memory_space<vmem>>, vector<1x16xf32>,
    %swap3A_1561 = arith.constant 31 : i32
    %swap3A_1562 = arith.index_cast %swap3A_1561 : i32 to index
    %swap3A_1563 = arith.constant 0 : index
    %swap3A_1564 = tpu.vector_load %arg7[%swap3A_1562, %swap3A_1563] {strides = array<i32>} : memref<32x128xf32, #tpu.memory_space<vmem>>, vector<1x16xf32>,
    %swap3A_1565 = vector.shape_cast %swap3A_1564 : vector<1x16xf32> to vector<16xf32>
    %swap3A_1566 = vector.shape_cast %broadcast_in_dim3A_73 : vector<16xf32> to vector<1x16xf32>
    tpu.vector_store %arg7[%swap3A_1562, %swap3A_1563], %swap3A_1566 {strides = array<i32>} : memref<32x128xf32, #tpu.memory_space<vmem>>, vector<1x16xf32>,
    %swap3A_1567 = arith.constant 31 : i32
    %swap3A_1568 = arith.index_cast %swap3A_1567 : i32 to index
    %swap3A_1569 = arith.constant 16 : index
    %swap3A_1570 = tpu.vector_load %arg7[%swap3A_1568, %swap3A_1569] {strides = array<i32>} : memref<32x128xf32, #tpu.memory_space<vmem>>, vector<1x16xf32>,
    %swap3A_1571 = vector.shape_cast %swap3A_1570 : vector<1x16xf32> to vector<16xf32>
    %swap3A_1572 = vector.shape_cast %broadcast_in_dim3A_73 : vector<16xf32> to vector<1x16xf32>
    tpu.vector_store %arg7[%swap3A_1568, %swap3A_1569], %swap3A_1572 {strides = array<i32>} : memref<32x128xf32, #tpu.memory_space<vmem>>, vector<1x16xf32>,
    %swap3A_1573 = arith.constant 31 : i32
    %swap3A_1574 = arith.index_cast %swap3A_1573 : i32 to index
    %swap3A_1575 = arith.constant 32 : index
    %swap3A_1576 = tpu.vector_load %arg7[%swap3A_1574, %swap3A_1575] {strides = array<i32>} : memref<32x128xf32, #tpu.memory_space<vmem>>, vector<1x16xf32>,
    %swap3A_1577 = vector.shape_cast %swap3A_1576 : vector<1x16xf32> to vector<16xf32>
    %swap3A_1578 = vector.shape_cast %broadcast_in_dim3A_73 : vector<16xf32> to vector<1x16xf32>
    tpu.vector_store %arg7[%swap3A_1574, %swap3A_1575], %swap3A_1578 {strides = array<i32>} : memref<32x128xf32, #tpu.memory_space<vmem>>, vector<1x16xf32>,
    %swap3A_1579 = arith.constant 31 : i32
    %swap3A_1580 = arith.index_cast %swap3A_1579 : i32 to index
    %swap3A_1581 = arith.constant 48 : index
    %swap3A_1582 = tpu.vector_load %arg7[%swap3A_1580, %swap3A_1581] {strides = array<i32>} : memref<32x128xf32, #tpu.memory_space<vmem>>, vector<1x16xf32>,
    %swap3A_1583 = vector.shape_cast %swap3A_1582 : vector<1x16xf32> to vector<16xf32>
    %swap3A_1584 = vector.shape_cast %broadcast_in_dim3A_73 : vector<16xf32> to vector<1x16xf32>
    tpu.vector_store %arg7[%swap3A_1580, %swap3A_1581], %swap3A_1584 {strides = array<i32>} : memref<32x128xf32, #tpu.memory_space<vmem>>, vector<1x16xf32>,
    %swap3A_1585 = arith.constant 31 : i32
    %swap3A_1586 = arith.index_cast %swap3A_1585 : i32 to index
    %swap3A_1587 = arith.constant 64 : index
    %swap3A_1588 = tpu.vector_load %arg7[%swap3A_1586, %swap3A_1587] {strides = array<i32>} : memref<32x128xf32, #tpu.memory_space<vmem>>, vector<1x16xf32>,
    %swap3A_1589 = vector.shape_cast %swap3A_1588 : vector<1x16xf32> to vector<16xf32>
    %swap3A_1590 = vector.shape_cast %broadcast_in_dim3A_73 : vector<16xf32> to vector<1x16xf32>
    tpu.vector_store %arg7[%swap3A_1586, %swap3A_1587], %swap3A_1590 {strides = array<i32>} : memref<32x128xf32, #tpu.memory_space<vmem>>, vector<1x16xf32>,
    %swap3A_1591 = arith.constant 31 : i32
    %swap3A_1592 = arith.index_cast %swap3A_1591 : i32 to index
    %swap3A_1593 = arith.constant 80 : index
    %swap3A_1594 = tpu.vector_load %arg7[%swap3A_1592, %swap3A_1593] {strides = array<i32>} : memref<32x128xf32, #tpu.memory_space<vmem>>, vector<1x16xf32>,
    %swap3A_1595 = vector.shape_cast %swap3A_1594 : vector<1x16xf32> to vector<16xf32>
    %swap3A_1596 = vector.shape_cast %broadcast_in_dim3A_73 : vector<16xf32> to vector<1x16xf32>
    tpu.vector_store %arg7[%swap3A_1592, %swap3A_1593], %swap3A_1596 {strides = array<i32>} : memref<32x128xf32, #tpu.memory_space<vmem>>, vector<1x16xf32>,
    %swap3A_1597 = arith.constant 31 : i32
    %swap3A_1598 = arith.index_cast %swap3A_1597 : i32 to index
    %swap3A_1599 = arith.constant 96 : index
    %swap3A_1600 = tpu.vector_load %arg7[%swap3A_1598, %swap3A_1599] {strides = array<i32>} : memref<32x128xf32, #tpu.memory_space<vmem>>, vector<1x16xf32>,
    %swap3A_1601 = vector.shape_cast %swap3A_1600 : vector<1x16xf32> to vector<16xf32>
    %swap3A_1602 = vector.shape_cast %broadcast_in_dim3A_73 : vector<16xf32> to vector<1x16xf32>
    tpu.vector_store %arg7[%swap3A_1598, %swap3A_1599], %swap3A_1602 {strides = array<i32>} : memref<32x128xf32, #tpu.memory_space<vmem>>, vector<1x16xf32>,
    %swap3A_1603 = arith.constant 31 : i32
    %swap3A_1604 = arith.index_cast %swap3A_1603 : i32 to index
    %swap3A_1605 = arith.constant 112 : index
    %swap3A_1606 = tpu.vector_load %arg7[%swap3A_1604, %swap3A_1605] {strides = array<i32>} : memref<32x128xf32, #tpu.memory_space<vmem>>, vector<1x16xf32>,
    %swap3A_1607 = vector.shape_cast %swap3A_1606 : vector<1x16xf32> to vector<16xf32>
    %swap3A_1608 = vector.shape_cast %broadcast_in_dim3A_73 : vector<16xf32> to vector<1x16xf32>
    tpu.vector_store %arg7[%swap3A_1604, %swap3A_1605], %swap3A_1608 {strides = array<i32>} : memref<32x128xf32, #tpu.memory_space<vmem>>, vector<1x16xf32>,
    %mul3A_1609 = arith.constant 32 : i32
    %mul3A_1610 = arith.muli %arg1, %mul3A_1609 : i32
    "tpu.region"() ({
      %run_scoped3A = tpu.sem_alloc : memref<!tpu.dma_semaphore, #tpu.memory_space<semaphore_mem>>
      %dma_start3A_1624 = arith.constant 0 : i32
      %dma_start3A_1625 = tpu.memref_slice %arg8[%mul3A_1610, %dma_start3A_1624] : memref<512x128xf32, #tpu.memory_space<vmem_shared>> -> memref<32x128xf32, #tpu.memory_space<vmem_shared>>
      %dma_start3A_1626 = arith.constant 0 : i32
      %dma_start3A_1627 = tpu.memref_slice %arg8[%mul3A_1610, %dma_start3A_1626] : memref<512x128xf32, #tpu.memory_space<vmem_shared>> -> memref<32x128xf32, #tpu.memory_space<vmem_shared>>
      tpu.enqueue_dma source(%arg7 : memref<32x128xf32, #tpu.memory_space<vmem>>) target(%dma_start3A_1627 : memref<32x128xf32, #tpu.memory_space<vmem_shared>>) target_semaphore(%run_scoped3A : memref<!tpu.dma_semaphore, #tpu.memory_space<semaphore_mem>>)
      %dma_wait3A = arith.constant 0 : i32
      %dma_wait3A_1628 = tpu.memref_slice %arg8[%mul3A_1610, %dma_wait3A] : memref<512x128xf32, #tpu.memory_space<vmem_shared>> -> memref<32x128xf32, #tpu.memory_space<vmem_shared>>
      %dma_wait3A_1629 = arith.constant 0 : i32
      %dma_wait3A_1630 = tpu.memref_slice %arg8[%mul3A_1610, %dma_wait3A_1629] : memref<512x128xf32, #tpu.memory_space<vmem_shared>> -> memref<32x128xf32, #tpu.memory_space<vmem_shared>>
      tpu.wait_dma2 semaphore(%run_scoped3A : memref<!tpu.dma_semaphore, #tpu.memory_space<semaphore_mem>>) src(%arg7 : memref<32x128xf32, #tpu.memory_space<vmem>>) dst(%dma_wait3A_1630 : memref<32x128xf32, #tpu.memory_space<vmem_shared>>)
      tpu.yield
    }) : () -> ()
    "tpu.region"() ({
      %run_scoped3A = tpu.sem_alloc : memref<!tpu.dma_semaphore, #tpu.memory_space<semaphore_mem>>
      %dma_start3A_1624 = arith.constant 0 : i32
      %dma_start3A_1625 = tpu.memref_slice %arg3[%mul3A_16, %dma_start3A_1624] : memref<2580x128xi32, #tpu.memory_space<hbm>> -> memref<80x128xi32, #tpu.memory_space<hbm>>
      %dma_start3A_1626 = arith.constant 0 : i32
      %dma_start3A_1627 = tpu.memref_slice %arg3[%mul3A_16, %dma_start3A_1626] : memref<2580x128xi32, #tpu.memory_space<hbm>> -> memref<80x128xi32, #tpu.memory_space<hbm>>
      tpu.enqueue_dma source(%dma_start3A_1627 : memref<80x128xi32, #tpu.memory_space<hbm>>) target(%arg5 : memref<80x128xi32, #tpu.memory_space<vmem>>) target_semaphore(%run_scoped3A : memref<!tpu.dma_semaphore, #tpu.memory_space<semaphore_mem>>)
      %dma_wait3A = arith.constant 0 : i32
      %dma_wait3A_1628 = tpu.memref_slice %arg3[%mul3A_16, %dma_wait3A] : memref<2580x128xi32, #tpu.memory_space<hbm>> -> memref<80x128xi32, #tpu.memory_space<hbm>>
      %dma_wait3A_1629 = arith.constant 0 : i32
      %dma_wait3A_1630 = tpu.memref_slice %arg3[%mul3A_16, %dma_wait3A_1629] : memref<2580x128xi32, #tpu.memory_space<hbm>> -> memref<80x128xi32, #tpu.memory_space<hbm>>
      tpu.wait_dma2 semaphore(%run_scoped3A : memref<!tpu.dma_semaphore, #tpu.memory_space<semaphore_mem>>) src(%dma_wait3A_1630 : memref<80x128xi32, #tpu.memory_space<hbm>>) dst(%arg5 : memref<80x128xi32, #tpu.memory_space<vmem>>)
      tpu.yield
    }) : () -> ()
    %barrier3A = arith.constant 0 : index
    tpu.barrier barrier_id(%barrier3A)
    %scan3A = arith.constant 0 : i32
    %scan3A_1611 = arith.constant 0 : i32
    %scan3A_1612 = arith.constant 20 : i32
    %scan3A_1613 = arith.addi %scan3A_1611, %scan3A_1612 : i32
    %scan3A_1614 = arith.constant 1 : i32
    scf.for %scan3A_1624 = %scan3A_1611 to %scan3A_1613 step %scan3A_1614  : i32 {
      %mul3A_1625 = arith.constant 4 : i32
      %mul3A_1626 = arith.muli %mul3A_1625, %scan3A_1624 : i32
      %add3A_1627 = arith.constant 0 : i32
      %add3A_1628 = arith.addi %mul3A_1626, %add3A_1627 : i32
      %lt3A_1629 = arith.cmpi slt, %add3A_1628, %add3A_10 : i32
      %convert_element_type3A_1630 = arith.extui %lt3A_1629 : i1 to i32
      %cond3A = arith.constant 0 : i32
      %cond3A_1631 = arith.cmpi ne, %convert_element_type3A_1630, %cond3A : i32
      scf.if %cond3A_1631 {
        %add3A_1656 = arith.constant 0 : i32
        %add3A_1657 = arith.addi %mul3A_16, %add3A_1656 : i32
        %min3A_1658 = arith.constant 2499 : i32
        %min3A_1659 = arith.minsi %add3A_1657, %min3A_1658 : i32
        %mul3A_1660 = arith.constant 128 : i32
        %mul3A_1661 = arith.muli %min3A_1659, %mul3A_1660 : i32
        %dma_wait3A = arith.constant 0 : i32
        %dma_wait3A_1662 = arith.constant 0 : i32
        %dma_wait3A_1663 = arith.constant 0 : i32
        %dma_wait3A_1664 = tpu.memref_slice %arg6[%dma_wait3A, %dma_wait3A_1662, %dma_wait3A_1663] : memref<4x128x128xf32, #tpu.memory_space<vmem>> -> memref<1x128x128xf32, #tpu.memory_space<vmem>>
        %dma_wait3A_1665 = tpu.memref_squeeze %dma_wait3A_1664 : memref<1x128x128xf32, #tpu.memory_space<vmem>> -> memref<128x128xf32, #tpu.memory_space<vmem>>
        %dma_wait3A_1666 = arith.constant 0 : i32
        %dma_wait3A_1667 = tpu.memref_slice %arg2[%mul3A_1661, %dma_wait3A_1666] : memref<320000x128xf32, #tpu.memory_space<hbm>> -> memref<128x128xf32, #tpu.memory_space<hbm>>
        %dma_wait3A_1668 = arith.constant 0 : i32
        %dma_wait3A_1669 = arith.constant 0 : i32
        %dma_wait3A_1670 = tpu.memref_slice %arg6[%dma_wait3A, %dma_wait3A_1668, %dma_wait3A_1669] : memref<4x128x128xf32, #tpu.memory_space<vmem>> -> memref<1x128x128xf32, #tpu.memory_space<vmem>>
        %dma_wait3A_1671 = tpu.memref_squeeze %dma_wait3A_1670 : memref<1x128x128xf32, #tpu.memory_space<vmem>> -> memref<128x128xf32, #tpu.memory_space<vmem>>
        %dma_wait3A_1672 = arith.constant 0 : i32
        %dma_wait3A_1673 = tpu.memref_slice %arg2[%mul3A_1661, %dma_wait3A_1672] : memref<320000x128xf32, #tpu.memory_space<hbm>> -> memref<128x128xf32, #tpu.memory_space<hbm>>
        tpu.wait_dma2 semaphore(%arg9 : memref<!tpu.dma_semaphore, #tpu.memory_space<semaphore_mem>>) src(%dma_wait3A_1673 : memref<128x128xf32, #tpu.memory_space<hbm>>) dst(%dma_wait3A_1671 : memref<128x128xf32, #tpu.memory_space<vmem>>)
        %add3A_1674 = arith.constant 3 : i32
        %add3A_1675 = arith.addi %add3A_1628, %add3A_1674 : i32
        %lt3A_1676 = arith.cmpi slt, %add3A_1675, %add3A_10 : i32
        %convert_element_type3A_1677 = arith.extui %lt3A_1676 : i1 to i32
        %cond3A_1678 = arith.constant 0 : i32
        %cond3A_1679 = arith.cmpi ne, %convert_element_type3A_1677, %cond3A_1678 : i32
        scf.if %cond3A_1679 {
          %add3A_1680 = arith.constant 3 : i32
          %add3A_1681 = arith.addi %add3A_1628, %add3A_1680 : i32
          %add3A_1682 = arith.addi %mul3A_16, %add3A_1681 : i32
          %min3A_1683 = arith.constant 2499 : i32
          %min3A_1684 = arith.minsi %add3A_1682, %min3A_1683 : i32
          %mul3A_1685 = arith.constant 128 : i32
          %mul3A_1686 = arith.muli %min3A_1684, %mul3A_1685 : i32
          %dma_start3A_1687 = arith.constant 3 : i32
          %dma_start3A_1688 = arith.constant 0 : i32
          %dma_start3A_1689 = arith.constant 0 : i32
          %dma_start3A_1690 = tpu.memref_slice %arg6[%dma_start3A_1687, %dma_start3A_1688, %dma_start3A_1689] : memref<4x128x128xf32, #tpu.memory_space<vmem>> -> memref<1x128x128xf32, #tpu.memory_space<vmem>>
          %dma_start3A_1691 = tpu.memref_squeeze %dma_start3A_1690 : memref<1x128x128xf32, #tpu.memory_space<vmem>> -> memref<128x128xf32, #tpu.memory_space<vmem>>
          %dma_start3A_1692 = arith.constant 0 : i32
          %dma_start3A_1693 = tpu.memref_slice %arg2[%mul3A_1686, %dma_start3A_1692] : memref<320000x128xf32, #tpu.memory_space<hbm>> -> memref<128x128xf32, #tpu.memory_space<hbm>>
          %dma_start3A_1694 = arith.constant 0 : i32
          %dma_start3A_1695 = arith.constant 0 : i32
          %dma_start3A_1696 = tpu.memref_slice %arg6[%dma_start3A_1687, %dma_start3A_1694, %dma_start3A_1695] : memref<4x128x128xf32, #tpu.memory_space<vmem>> -> memref<1x128x128xf32, #tpu.memory_space<vmem>>
          %dma_start3A_1697 = tpu.memref_squeeze %dma_start3A_1696 : memref<1x128x128xf32, #tpu.memory_space<vmem>> -> memref<128x128xf32, #tpu.memory_space<vmem>>
          %dma_start3A_1698 = arith.constant 0 : i32
          %dma_start3A_1699 = tpu.memref_slice %arg2[%mul3A_1686, %dma_start3A_1698] : memref<320000x128xf32, #tpu.memory_space<hbm>> -> memref<128x128xf32, #tpu.memory_space<hbm>>
          tpu.enqueue_dma source(%dma_start3A_1699 : memref<128x128xf32, #tpu.memory_space<hbm>>) target(%dma_start3A_1697 : memref<128x128xf32, #tpu.memory_space<vmem>>) target_semaphore(%arg12 : memref<!tpu.dma_semaphore, #tpu.memory_space<semaphore_mem>>)
        } else {
        }
        %run_scoped3A = arith.constant 0 : i32
        "tpu.region"() ({
          %run_scoped3A_1680 = tpu.sem_alloc : memref<!tpu.dma_semaphore, #tpu.memory_space<semaphore_mem>>
          %dma_start3A_1681 = arith.constant 0 : i32
          %dma_start3A_1682 = arith.constant 0 : i32
          %dma_start3A_1683 = tpu.memref_slice %arg6[%run_scoped3A, %dma_start3A_1681, %dma_start3A_1682] : memref<4x128x128xf32, #tpu.memory_space<vmem>> -> memref<1x128x128xf32, #tpu.memory_space<vmem>>
          %dma_start3A_1684 = tpu.memref_squeeze %dma_start3A_1683 : memref<1x128x128xf32, #tpu.memory_space<vmem>> -> memref<128x128xf32, #tpu.memory_space<vmem>>
          %dma_start3A_1685 = arith.constant 0 : i32
          %dma_start3A_1686 = tpu.memref_slice %arg5[%add3A_1628, %dma_start3A_1685] : memref<80x128xi32, #tpu.memory_space<vmem>> -> memref<1x128xi32, #tpu.memory_space<vmem>>
          %dma_start3A_1687 = tpu.memref_squeeze %dma_start3A_1686 : memref<1x128xi32, #tpu.memory_space<vmem>> -> memref<128xi32, #tpu.memory_space<vmem>>
          %dma_start3A_1688 = arith.constant 0 : i32
          %dma_start3A_1689 = arith.constant 0 : i32
          %dma_start3A_1690 = tpu.memref_slice %arg8[%dma_start3A_1688, %dma_start3A_1689] : memref<512x128xf32, #tpu.memory_space<vmem_shared>> -> memref<512x128xf32, #tpu.memory_space<vmem_shared>>
          tpu.enqueue_indirect_dma source(%dma_start3A_1684 : memref<128x128xf32, #tpu.memory_space<vmem>>) target(%dma_start3A_1690 : memref<512x128xf32, #tpu.memory_space<vmem_shared>>) offsets(%dma_start3A_1687 : memref<128xi32, #tpu.memory_space<vmem>>) semaphore(%run_scoped3A_1680 : memref<!tpu.dma_semaphore, #tpu.memory_space<semaphore_mem>>) {add = true}
          %dma_wait3A_1691 = arith.constant 0 : i32
          %dma_wait3A_1692 = arith.constant 0 : i32
          %dma_wait3A_1693 = tpu.memref_slice %arg6[%run_scoped3A, %dma_wait3A_1691, %dma_wait3A_1692] : memref<4x128x128xf32, #tpu.memory_space<vmem>> -> memref<1x128x128xf32, #tpu.memory_space<vmem>>
          %dma_wait3A_1694 = tpu.memref_squeeze %dma_wait3A_1693 : memref<1x128x128xf32, #tpu.memory_space<vmem>> -> memref<128x128xf32, #tpu.memory_space<vmem>>
          %dma_wait3A_1695 = arith.constant 0 : i32
          %dma_wait3A_1696 = tpu.memref_slice %arg5[%add3A_1628, %dma_wait3A_1695] : memref<80x128xi32, #tpu.memory_space<vmem>> -> memref<1x128xi32, #tpu.memory_space<vmem>>
          %dma_wait3A_1697 = tpu.memref_squeeze %dma_wait3A_1696 : memref<1x128xi32, #tpu.memory_space<vmem>> -> memref<128xi32, #tpu.memory_space<vmem>>
          %dma_wait3A_1698 = arith.constant 0 : i32
          %dma_wait3A_1699 = arith.constant 0 : i32
          %dma_wait3A_1700 = tpu.memref_slice %arg8[%dma_wait3A_1698, %dma_wait3A_1699] : memref<512x128xf32, #tpu.memory_space<vmem_shared>> -> memref<512x128xf32, #tpu.memory_space<vmem_shared>>
          tpu.wait_indirect_dma semaphore(%run_scoped3A_1680 : memref<!tpu.dma_semaphore, #tpu.memory_space<semaphore_mem>>) src(%dma_wait3A_1694 : memref<128x128xf32, #tpu.memory_space<vmem>>) dst(%dma_wait3A_1700 : memref<512x128xf32, #tpu.memory_space<vmem_shared>>)
          tpu.yield
        }) : () -> ()
      } else {
      }
      %mul3A_1632 = arith.constant 4 : i32
      %mul3A_1633 = arith.muli %mul3A_1632, %scan3A_1624 : i32
      %add3A_1634 = arith.constant 1 : i32
      %add3A_1635 = arith.addi %mul3A_1633, %add3A_1634 : i32
      %lt3A_1636 = arith.cmpi slt, %add3A_1635, %add3A_10 : i32
      %convert_element_type3A_1637 = arith.extui %lt3A_1636 : i1 to i32
      %cond3A_1638 = arith.constant 0 : i32
      %cond3A_1639 = arith.cmpi ne, %convert_element_type3A_1637, %cond3A_1638 : i32
      scf.if %cond3A_1639 {
        %add3A_1656 = arith.constant 0 : i32
        %add3A_1657 = arith.addi %mul3A_16, %add3A_1656 : i32
        %min3A_1658 = arith.constant 2499 : i32
        %min3A_1659 = arith.minsi %add3A_1657, %min3A_1658 : i32
        %mul3A_1660 = arith.constant 128 : i32
        %mul3A_1661 = arith.muli %min3A_1659, %mul3A_1660 : i32
        %dma_wait3A = arith.constant 1 : i32
        %dma_wait3A_1662 = arith.constant 0 : i32
        %dma_wait3A_1663 = arith.constant 0 : i32
        %dma_wait3A_1664 = tpu.memref_slice %arg6[%dma_wait3A, %dma_wait3A_1662, %dma_wait3A_1663] : memref<4x128x128xf32, #tpu.memory_space<vmem>> -> memref<1x128x128xf32, #tpu.memory_space<vmem>>
        %dma_wait3A_1665 = tpu.memref_squeeze %dma_wait3A_1664 : memref<1x128x128xf32, #tpu.memory_space<vmem>> -> memref<128x128xf32, #tpu.memory_space<vmem>>
        %dma_wait3A_1666 = arith.constant 0 : i32
        %dma_wait3A_1667 = tpu.memref_slice %arg2[%mul3A_1661, %dma_wait3A_1666] : memref<320000x128xf32, #tpu.memory_space<hbm>> -> memref<128x128xf32, #tpu.memory_space<hbm>>
        %dma_wait3A_1668 = arith.constant 0 : i32
        %dma_wait3A_1669 = arith.constant 0 : i32
        %dma_wait3A_1670 = tpu.memref_slice %arg6[%dma_wait3A, %dma_wait3A_1668, %dma_wait3A_1669] : memref<4x128x128xf32, #tpu.memory_space<vmem>> -> memref<1x128x128xf32, #tpu.memory_space<vmem>>
        %dma_wait3A_1671 = tpu.memref_squeeze %dma_wait3A_1670 : memref<1x128x128xf32, #tpu.memory_space<vmem>> -> memref<128x128xf32, #tpu.memory_space<vmem>>
        %dma_wait3A_1672 = arith.constant 0 : i32
        %dma_wait3A_1673 = tpu.memref_slice %arg2[%mul3A_1661, %dma_wait3A_1672] : memref<320000x128xf32, #tpu.memory_space<hbm>> -> memref<128x128xf32, #tpu.memory_space<hbm>>
        tpu.wait_dma2 semaphore(%arg10 : memref<!tpu.dma_semaphore, #tpu.memory_space<semaphore_mem>>) src(%dma_wait3A_1673 : memref<128x128xf32, #tpu.memory_space<hbm>>) dst(%dma_wait3A_1671 : memref<128x128xf32, #tpu.memory_space<vmem>>)
        %add3A_1674 = arith.constant 3 : i32
        %add3A_1675 = arith.addi %add3A_1635, %add3A_1674 : i32
        %lt3A_1676 = arith.cmpi slt, %add3A_1675, %add3A_10 : i32
        %convert_element_type3A_1677 = arith.extui %lt3A_1676 : i1 to i32
        %cond3A_1678 = arith.constant 0 : i32
        %cond3A_1679 = arith.cmpi ne, %convert_element_type3A_1677, %cond3A_1678 : i32
        scf.if %cond3A_1679 {
          %add3A_1680 = arith.constant 3 : i32
          %add3A_1681 = arith.addi %add3A_1635, %add3A_1680 : i32
          %add3A_1682 = arith.addi %mul3A_16, %add3A_1681 : i32
          %min3A_1683 = arith.constant 2499 : i32
          %min3A_1684 = arith.minsi %add3A_1682, %min3A_1683 : i32
          %mul3A_1685 = arith.constant 128 : i32
          %mul3A_1686 = arith.muli %min3A_1684, %mul3A_1685 : i32
          %dma_start3A_1687 = arith.constant 0 : i32
          %dma_start3A_1688 = arith.constant 0 : i32
          %dma_start3A_1689 = arith.constant 0 : i32
          %dma_start3A_1690 = tpu.memref_slice %arg6[%dma_start3A_1687, %dma_start3A_1688, %dma_start3A_1689] : memref<4x128x128xf32, #tpu.memory_space<vmem>> -> memref<1x128x128xf32, #tpu.memory_space<vmem>>
          %dma_start3A_1691 = tpu.memref_squeeze %dma_start3A_1690 : memref<1x128x128xf32, #tpu.memory_space<vmem>> -> memref<128x128xf32, #tpu.memory_space<vmem>>
          %dma_start3A_1692 = arith.constant 0 : i32
          %dma_start3A_1693 = tpu.memref_slice %arg2[%mul3A_1686, %dma_start3A_1692] : memref<320000x128xf32, #tpu.memory_space<hbm>> -> memref<128x128xf32, #tpu.memory_space<hbm>>
          %dma_start3A_1694 = arith.constant 0 : i32
          %dma_start3A_1695 = arith.constant 0 : i32
          %dma_start3A_1696 = tpu.memref_slice %arg6[%dma_start3A_1687, %dma_start3A_1694, %dma_start3A_1695] : memref<4x128x128xf32, #tpu.memory_space<vmem>> -> memref<1x128x128xf32, #tpu.memory_space<vmem>>
          %dma_start3A_1697 = tpu.memref_squeeze %dma_start3A_1696 : memref<1x128x128xf32, #tpu.memory_space<vmem>> -> memref<128x128xf32, #tpu.memory_space<vmem>>
          %dma_start3A_1698 = arith.constant 0 : i32
          %dma_start3A_1699 = tpu.memref_slice %arg2[%mul3A_1686, %dma_start3A_1698] : memref<320000x128xf32, #tpu.memory_space<hbm>> -> memref<128x128xf32, #tpu.memory_space<hbm>>
          tpu.enqueue_dma source(%dma_start3A_1699 : memref<128x128xf32, #tpu.memory_space<hbm>>) target(%dma_start3A_1697 : memref<128x128xf32, #tpu.memory_space<vmem>>) target_semaphore(%arg9 : memref<!tpu.dma_semaphore, #tpu.memory_space<semaphore_mem>>)
        } else {
        }
        %run_scoped3A = arith.constant 1 : i32
        "tpu.region"() ({
          %run_scoped3A_1680 = tpu.sem_alloc : memref<!tpu.dma_semaphore, #tpu.memory_space<semaphore_mem>>
          %dma_start3A_1681 = arith.constant 0 : i32
          %dma_start3A_1682 = arith.constant 0 : i32
          %dma_start3A_1683 = tpu.memref_slice %arg6[%run_scoped3A, %dma_start3A_1681, %dma_start3A_1682] : memref<4x128x128xf32, #tpu.memory_space<vmem>> -> memref<1x128x128xf32, #tpu.memory_space<vmem>>
          %dma_start3A_1684 = tpu.memref_squeeze %dma_start3A_1683 : memref<1x128x128xf32, #tpu.memory_space<vmem>> -> memref<128x128xf32, #tpu.memory_space<vmem>>
          %dma_start3A_1685 = arith.constant 0 : i32
          %dma_start3A_1686 = tpu.memref_slice %arg5[%add3A_1635, %dma_start3A_1685] : memref<80x128xi32, #tpu.memory_space<vmem>> -> memref<1x128xi32, #tpu.memory_space<vmem>>
          %dma_start3A_1687 = tpu.memref_squeeze %dma_start3A_1686 : memref<1x128xi32, #tpu.memory_space<vmem>> -> memref<128xi32, #tpu.memory_space<vmem>>
          %dma_start3A_1688 = arith.constant 0 : i32
          %dma_start3A_1689 = arith.constant 0 : i32
          %dma_start3A_1690 = tpu.memref_slice %arg8[%dma_start3A_1688, %dma_start3A_1689] : memref<512x128xf32, #tpu.memory_space<vmem_shared>> -> memref<512x128xf32, #tpu.memory_space<vmem_shared>>
          tpu.enqueue_indirect_dma source(%dma_start3A_1684 : memref<128x128xf32, #tpu.memory_space<vmem>>) target(%dma_start3A_1690 : memref<512x128xf32, #tpu.memory_space<vmem_shared>>) offsets(%dma_start3A_1687 : memref<128xi32, #tpu.memory_space<vmem>>) semaphore(%run_scoped3A_1680 : memref<!tpu.dma_semaphore, #tpu.memory_space<semaphore_mem>>) {add = true}
          %dma_wait3A_1691 = arith.constant 0 : i32
          %dma_wait3A_1692 = arith.constant 0 : i32
          %dma_wait3A_1693 = tpu.memref_slice %arg6[%run_scoped3A, %dma_wait3A_1691, %dma_wait3A_1692] : memref<4x128x128xf32, #tpu.memory_space<vmem>> -> memref<1x128x128xf32, #tpu.memory_space<vmem>>
          %dma_wait3A_1694 = tpu.memref_squeeze %dma_wait3A_1693 : memref<1x128x128xf32, #tpu.memory_space<vmem>> -> memref<128x128xf32, #tpu.memory_space<vmem>>
          %dma_wait3A_1695 = arith.constant 0 : i32
          %dma_wait3A_1696 = tpu.memref_slice %arg5[%add3A_1635, %dma_wait3A_1695] : memref<80x128xi32, #tpu.memory_space<vmem>> -> memref<1x128xi32, #tpu.memory_space<vmem>>
          %dma_wait3A_1697 = tpu.memref_squeeze %dma_wait3A_1696 : memref<1x128xi32, #tpu.memory_space<vmem>> -> memref<128xi32, #tpu.memory_space<vmem>>
          %dma_wait3A_1698 = arith.constant 0 : i32
          %dma_wait3A_1699 = arith.constant 0 : i32
          %dma_wait3A_1700 = tpu.memref_slice %arg8[%dma_wait3A_1698, %dma_wait3A_1699] : memref<512x128xf32, #tpu.memory_space<vmem_shared>> -> memref<512x128xf32, #tpu.memory_space<vmem_shared>>
          tpu.wait_indirect_dma semaphore(%run_scoped3A_1680 : memref<!tpu.dma_semaphore, #tpu.memory_space<semaphore_mem>>) src(%dma_wait3A_1694 : memref<128x128xf32, #tpu.memory_space<vmem>>) dst(%dma_wait3A_1700 : memref<512x128xf32, #tpu.memory_space<vmem_shared>>)
          tpu.yield
        }) : () -> ()
      } else {
      }
      %mul3A_1640 = arith.constant 4 : i32
      %mul3A_1641 = arith.muli %mul3A_1640, %scan3A_1624 : i32
      %add3A_1642 = arith.constant 2 : i32
      %add3A_1643 = arith.addi %mul3A_1641, %add3A_1642 : i32
      %lt3A_1644 = arith.cmpi slt, %add3A_1643, %add3A_10 : i32
      %convert_element_type3A_1645 = arith.extui %lt3A_1644 : i1 to i32
      %cond3A_1646 = arith.constant 0 : i32
      %cond3A_1647 = arith.cmpi ne, %convert_element_type3A_1645, %cond3A_1646 : i32
      scf.if %cond3A_1647 {
        %add3A_1656 = arith.constant 0 : i32
        %add3A_1657 = arith.addi %mul3A_16, %add3A_1656 : i32
        %min3A_1658 = arith.constant 2499 : i32
        %min3A_1659 = arith.minsi %add3A_1657, %min3A_1658 : i32
        %mul3A_1660 = arith.constant 128 : i32
        %mul3A_1661 = arith.muli %min3A_1659, %mul3A_1660 : i32
        %dma_wait3A = arith.constant 2 : i32
        %dma_wait3A_1662 = arith.constant 0 : i32
        %dma_wait3A_1663 = arith.constant 0 : i32
        %dma_wait3A_1664 = tpu.memref_slice %arg6[%dma_wait3A, %dma_wait3A_1662, %dma_wait3A_1663] : memref<4x128x128xf32, #tpu.memory_space<vmem>> -> memref<1x128x128xf32, #tpu.memory_space<vmem>>
        %dma_wait3A_1665 = tpu.memref_squeeze %dma_wait3A_1664 : memref<1x128x128xf32, #tpu.memory_space<vmem>> -> memref<128x128xf32, #tpu.memory_space<vmem>>
        %dma_wait3A_1666 = arith.constant 0 : i32
        %dma_wait3A_1667 = tpu.memref_slice %arg2[%mul3A_1661, %dma_wait3A_1666] : memref<320000x128xf32, #tpu.memory_space<hbm>> -> memref<128x128xf32, #tpu.memory_space<hbm>>
        %dma_wait3A_1668 = arith.constant 0 : i32
        %dma_wait3A_1669 = arith.constant 0 : i32
        %dma_wait3A_1670 = tpu.memref_slice %arg6[%dma_wait3A, %dma_wait3A_1668, %dma_wait3A_1669] : memref<4x128x128xf32, #tpu.memory_space<vmem>> -> memref<1x128x128xf32, #tpu.memory_space<vmem>>
        %dma_wait3A_1671 = tpu.memref_squeeze %dma_wait3A_1670 : memref<1x128x128xf32, #tpu.memory_space<vmem>> -> memref<128x128xf32, #tpu.memory_space<vmem>>
        %dma_wait3A_1672 = arith.constant 0 : i32
        %dma_wait3A_1673 = tpu.memref_slice %arg2[%mul3A_1661, %dma_wait3A_1672] : memref<320000x128xf32, #tpu.memory_space<hbm>> -> memref<128x128xf32, #tpu.memory_space<hbm>>
        tpu.wait_dma2 semaphore(%arg11 : memref<!tpu.dma_semaphore, #tpu.memory_space<semaphore_mem>>) src(%dma_wait3A_1673 : memref<128x128xf32, #tpu.memory_space<hbm>>) dst(%dma_wait3A_1671 : memref<128x128xf32, #tpu.memory_space<vmem>>)
        %add3A_1674 = arith.constant 3 : i32
        %add3A_1675 = arith.addi %add3A_1643, %add3A_1674 : i32
        %lt3A_1676 = arith.cmpi slt, %add3A_1675, %add3A_10 : i32
        %convert_element_type3A_1677 = arith.extui %lt3A_1676 : i1 to i32
        %cond3A_1678 = arith.constant 0 : i32
        %cond3A_1679 = arith.cmpi ne, %convert_element_type3A_1677, %cond3A_1678 : i32
        scf.if %cond3A_1679 {
          %add3A_1680 = arith.constant 3 : i32
          %add3A_1681 = arith.addi %add3A_1643, %add3A_1680 : i32
          %add3A_1682 = arith.addi %mul3A_16, %add3A_1681 : i32
          %min3A_1683 = arith.constant 2499 : i32
          %min3A_1684 = arith.minsi %add3A_1682, %min3A_1683 : i32
          %mul3A_1685 = arith.constant 128 : i32
          %mul3A_1686 = arith.muli %min3A_1684, %mul3A_1685 : i32
          %dma_start3A_1687 = arith.constant 1 : i32
          %dma_start3A_1688 = arith.constant 0 : i32
          %dma_start3A_1689 = arith.constant 0 : i32
          %dma_start3A_1690 = tpu.memref_slice %arg6[%dma_start3A_1687, %dma_start3A_1688, %dma_start3A_1689] : memref<4x128x128xf32, #tpu.memory_space<vmem>> -> memref<1x128x128xf32, #tpu.memory_space<vmem>>
          %dma_start3A_1691 = tpu.memref_squeeze %dma_start3A_1690 : memref<1x128x128xf32, #tpu.memory_space<vmem>> -> memref<128x128xf32, #tpu.memory_space<vmem>>
          %dma_start3A_1692 = arith.constant 0 : i32
          %dma_start3A_1693 = tpu.memref_slice %arg2[%mul3A_1686, %dma_start3A_1692] : memref<320000x128xf32, #tpu.memory_space<hbm>> -> memref<128x128xf32, #tpu.memory_space<hbm>>
          %dma_start3A_1694 = arith.constant 0 : i32
          %dma_start3A_1695 = arith.constant 0 : i32
          %dma_start3A_1696 = tpu.memref_slice %arg6[%dma_start3A_1687, %dma_start3A_1694, %dma_start3A_1695] : memref<4x128x128xf32, #tpu.memory_space<vmem>> -> memref<1x128x128xf32, #tpu.memory_space<vmem>>
          %dma_start3A_1697 = tpu.memref_squeeze %dma_start3A_1696 : memref<1x128x128xf32, #tpu.memory_space<vmem>> -> memref<128x128xf32, #tpu.memory_space<vmem>>
          %dma_start3A_1698 = arith.constant 0 : i32
          %dma_start3A_1699 = tpu.memref_slice %arg2[%mul3A_1686, %dma_start3A_1698] : memref<320000x128xf32, #tpu.memory_space<hbm>> -> memref<128x128xf32, #tpu.memory_space<hbm>>
          tpu.enqueue_dma source(%dma_start3A_1699 : memref<128x128xf32, #tpu.memory_space<hbm>>) target(%dma_start3A_1697 : memref<128x128xf32, #tpu.memory_space<vmem>>) target_semaphore(%arg10 : memref<!tpu.dma_semaphore, #tpu.memory_space<semaphore_mem>>)
        } else {
        }
        %run_scoped3A = arith.constant 2 : i32
        "tpu.region"() ({
          %run_scoped3A_1680 = tpu.sem_alloc : memref<!tpu.dma_semaphore, #tpu.memory_space<semaphore_mem>>
          %dma_start3A_1681 = arith.constant 0 : i32
          %dma_start3A_1682 = arith.constant 0 : i32
          %dma_start3A_1683 = tpu.memref_slice %arg6[%run_scoped3A, %dma_start3A_1681, %dma_start3A_1682] : memref<4x128x128xf32, #tpu.memory_space<vmem>> -> memref<1x128x128xf32, #tpu.memory_space<vmem>>
          %dma_start3A_1684 = tpu.memref_squeeze %dma_start3A_1683 : memref<1x128x128xf32, #tpu.memory_space<vmem>> -> memref<128x128xf32, #tpu.memory_space<vmem>>
          %dma_start3A_1685 = arith.constant 0 : i32
          %dma_start3A_1686 = tpu.memref_slice %arg5[%add3A_1643, %dma_start3A_1685] : memref<80x128xi32, #tpu.memory_space<vmem>> -> memref<1x128xi32, #tpu.memory_space<vmem>>
          %dma_start3A_1687 = tpu.memref_squeeze %dma_start3A_1686 : memref<1x128xi32, #tpu.memory_space<vmem>> -> memref<128xi32, #tpu.memory_space<vmem>>
          %dma_start3A_1688 = arith.constant 0 : i32
          %dma_start3A_1689 = arith.constant 0 : i32
          %dma_start3A_1690 = tpu.memref_slice %arg8[%dma_start3A_1688, %dma_start3A_1689] : memref<512x128xf32, #tpu.memory_space<vmem_shared>> -> memref<512x128xf32, #tpu.memory_space<vmem_shared>>
          tpu.enqueue_indirect_dma source(%dma_start3A_1684 : memref<128x128xf32, #tpu.memory_space<vmem>>) target(%dma_start3A_1690 : memref<512x128xf32, #tpu.memory_space<vmem_shared>>) offsets(%dma_start3A_1687 : memref<128xi32, #tpu.memory_space<vmem>>) semaphore(%run_scoped3A_1680 : memref<!tpu.dma_semaphore, #tpu.memory_space<semaphore_mem>>) {add = true}
          %dma_wait3A_1691 = arith.constant 0 : i32
          %dma_wait3A_1692 = arith.constant 0 : i32
          %dma_wait3A_1693 = tpu.memref_slice %arg6[%run_scoped3A, %dma_wait3A_1691, %dma_wait3A_1692] : memref<4x128x128xf32, #tpu.memory_space<vmem>> -> memref<1x128x128xf32, #tpu.memory_space<vmem>>
          %dma_wait3A_1694 = tpu.memref_squeeze %dma_wait3A_1693 : memref<1x128x128xf32, #tpu.memory_space<vmem>> -> memref<128x128xf32, #tpu.memory_space<vmem>>
          %dma_wait3A_1695 = arith.constant 0 : i32
          %dma_wait3A_1696 = tpu.memref_slice %arg5[%add3A_1643, %dma_wait3A_1695] : memref<80x128xi32, #tpu.memory_space<vmem>> -> memref<1x128xi32, #tpu.memory_space<vmem>>
          %dma_wait3A_1697 = tpu.memref_squeeze %dma_wait3A_1696 : memref<1x128xi32, #tpu.memory_space<vmem>> -> memref<128xi32, #tpu.memory_space<vmem>>
          %dma_wait3A_1698 = arith.constant 0 : i32
          %dma_wait3A_1699 = arith.constant 0 : i32
          %dma_wait3A_1700 = tpu.memref_slice %arg8[%dma_wait3A_1698, %dma_wait3A_1699] : memref<512x128xf32, #tpu.memory_space<vmem_shared>> -> memref<512x128xf32, #tpu.memory_space<vmem_shared>>
          tpu.wait_indirect_dma semaphore(%run_scoped3A_1680 : memref<!tpu.dma_semaphore, #tpu.memory_space<semaphore_mem>>) src(%dma_wait3A_1694 : memref<128x128xf32, #tpu.memory_space<vmem>>) dst(%dma_wait3A_1700 : memref<512x128xf32, #tpu.memory_space<vmem_shared>>)
          tpu.yield
        }) : () -> ()
      } else {
      }
      %mul3A_1648 = arith.constant 4 : i32
      %mul3A_1649 = arith.muli %mul3A_1648, %scan3A_1624 : i32
      %add3A_1650 = arith.constant 3 : i32
      %add3A_1651 = arith.addi %mul3A_1649, %add3A_1650 : i32
      %lt3A_1652 = arith.cmpi slt, %add3A_1651, %add3A_10 : i32
      %convert_element_type3A_1653 = arith.extui %lt3A_1652 : i1 to i32
      %cond3A_1654 = arith.constant 0 : i32
      %cond3A_1655 = arith.cmpi ne, %convert_element_type3A_1653, %cond3A_1654 : i32
      scf.if %cond3A_1655 {
        %add3A_1656 = arith.constant 0 : i32
        %add3A_1657 = arith.addi %mul3A_16, %add3A_1656 : i32
        %min3A_1658 = arith.constant 2499 : i32
        %min3A_1659 = arith.minsi %add3A_1657, %min3A_1658 : i32
        %mul3A_1660 = arith.constant 128 : i32
        %mul3A_1661 = arith.muli %min3A_1659, %mul3A_1660 : i32
        %dma_wait3A = arith.constant 3 : i32
        %dma_wait3A_1662 = arith.constant 0 : i32
        %dma_wait3A_1663 = arith.constant 0 : i32
        %dma_wait3A_1664 = tpu.memref_slice %arg6[%dma_wait3A, %dma_wait3A_1662, %dma_wait3A_1663] : memref<4x128x128xf32, #tpu.memory_space<vmem>> -> memref<1x128x128xf32, #tpu.memory_space<vmem>>
        %dma_wait3A_1665 = tpu.memref_squeeze %dma_wait3A_1664 : memref<1x128x128xf32, #tpu.memory_space<vmem>> -> memref<128x128xf32, #tpu.memory_space<vmem>>
        %dma_wait3A_1666 = arith.constant 0 : i32
        %dma_wait3A_1667 = tpu.memref_slice %arg2[%mul3A_1661, %dma_wait3A_1666] : memref<320000x128xf32, #tpu.memory_space<hbm>> -> memref<128x128xf32, #tpu.memory_space<hbm>>
        %dma_wait3A_1668 = arith.constant 0 : i32
        %dma_wait3A_1669 = arith.constant 0 : i32
        %dma_wait3A_1670 = tpu.memref_slice %arg6[%dma_wait3A, %dma_wait3A_1668, %dma_wait3A_1669] : memref<4x128x128xf32, #tpu.memory_space<vmem>> -> memref<1x128x128xf32, #tpu.memory_space<vmem>>
        %dma_wait3A_1671 = tpu.memref_squeeze %dma_wait3A_1670 : memref<1x128x128xf32, #tpu.memory_space<vmem>> -> memref<128x128xf32, #tpu.memory_space<vmem>>
        %dma_wait3A_1672 = arith.constant 0 : i32
        %dma_wait3A_1673 = tpu.memref_slice %arg2[%mul3A_1661, %dma_wait3A_1672] : memref<320000x128xf32, #tpu.memory_space<hbm>> -> memref<128x128xf32, #tpu.memory_space<hbm>>
        tpu.wait_dma2 semaphore(%arg12 : memref<!tpu.dma_semaphore, #tpu.memory_space<semaphore_mem>>) src(%dma_wait3A_1673 : memref<128x128xf32, #tpu.memory_space<hbm>>) dst(%dma_wait3A_1671 : memref<128x128xf32, #tpu.memory_space<vmem>>)
        %add3A_1674 = arith.constant 3 : i32
        %add3A_1675 = arith.addi %add3A_1651, %add3A_1674 : i32
        %lt3A_1676 = arith.cmpi slt, %add3A_1675, %add3A_10 : i32
        %convert_element_type3A_1677 = arith.extui %lt3A_1676 : i1 to i32
        %cond3A_1678 = arith.constant 0 : i32
        %cond3A_1679 = arith.cmpi ne, %convert_element_type3A_1677, %cond3A_1678 : i32
        scf.if %cond3A_1679 {
          %add3A_1680 = arith.constant 3 : i32
          %add3A_1681 = arith.addi %add3A_1651, %add3A_1680 : i32
          %add3A_1682 = arith.addi %mul3A_16, %add3A_1681 : i32
          %min3A_1683 = arith.constant 2499 : i32
          %min3A_1684 = arith.minsi %add3A_1682, %min3A_1683 : i32
          %mul3A_1685 = arith.constant 128 : i32
          %mul3A_1686 = arith.muli %min3A_1684, %mul3A_1685 : i32
          %dma_start3A_1687 = arith.constant 2 : i32
          %dma_start3A_1688 = arith.constant 0 : i32
          %dma_start3A_1689 = arith.constant 0 : i32
          %dma_start3A_1690 = tpu.memref_slice %arg6[%dma_start3A_1687, %dma_start3A_1688, %dma_start3A_1689] : memref<4x128x128xf32, #tpu.memory_space<vmem>> -> memref<1x128x128xf32, #tpu.memory_space<vmem>>
          %dma_start3A_1691 = tpu.memref_squeeze %dma_start3A_1690 : memref<1x128x128xf32, #tpu.memory_space<vmem>> -> memref<128x128xf32, #tpu.memory_space<vmem>>
          %dma_start3A_1692 = arith.constant 0 : i32
          %dma_start3A_1693 = tpu.memref_slice %arg2[%mul3A_1686, %dma_start3A_1692] : memref<320000x128xf32, #tpu.memory_space<hbm>> -> memref<128x128xf32, #tpu.memory_space<hbm>>
          %dma_start3A_1694 = arith.constant 0 : i32
          %dma_start3A_1695 = arith.constant 0 : i32
          %dma_start3A_1696 = tpu.memref_slice %arg6[%dma_start3A_1687, %dma_start3A_1694, %dma_start3A_1695] : memref<4x128x128xf32, #tpu.memory_space<vmem>> -> memref<1x128x128xf32, #tpu.memory_space<vmem>>
          %dma_start3A_1697 = tpu.memref_squeeze %dma_start3A_1696 : memref<1x128x128xf32, #tpu.memory_space<vmem>> -> memref<128x128xf32, #tpu.memory_space<vmem>>
          %dma_start3A_1698 = arith.constant 0 : i32
          %dma_start3A_1699 = tpu.memref_slice %arg2[%mul3A_1686, %dma_start3A_1698] : memref<320000x128xf32, #tpu.memory_space<hbm>> -> memref<128x128xf32, #tpu.memory_space<hbm>>
          tpu.enqueue_dma source(%dma_start3A_1699 : memref<128x128xf32, #tpu.memory_space<hbm>>) target(%dma_start3A_1697 : memref<128x128xf32, #tpu.memory_space<vmem>>) target_semaphore(%arg11 : memref<!tpu.dma_semaphore, #tpu.memory_space<semaphore_mem>>)
        } else {
        }
        %run_scoped3A = arith.constant 3 : i32
        "tpu.region"() ({
          %run_scoped3A_1680 = tpu.sem_alloc : memref<!tpu.dma_semaphore, #tpu.memory_space<semaphore_mem>>
          %dma_start3A_1681 = arith.constant 0 : i32
          %dma_start3A_1682 = arith.constant 0 : i32
          %dma_start3A_1683 = tpu.memref_slice %arg6[%run_scoped3A, %dma_start3A_1681, %dma_start3A_1682] : memref<4x128x128xf32, #tpu.memory_space<vmem>> -> memref<1x128x128xf32, #tpu.memory_space<vmem>>
          %dma_start3A_1684 = tpu.memref_squeeze %dma_start3A_1683 : memref<1x128x128xf32, #tpu.memory_space<vmem>> -> memref<128x128xf32, #tpu.memory_space<vmem>>
          %dma_start3A_1685 = arith.constant 0 : i32
          %dma_start3A_1686 = tpu.memref_slice %arg5[%add3A_1651, %dma_start3A_1685] : memref<80x128xi32, #tpu.memory_space<vmem>> -> memref<1x128xi32, #tpu.memory_space<vmem>>
          %dma_start3A_1687 = tpu.memref_squeeze %dma_start3A_1686 : memref<1x128xi32, #tpu.memory_space<vmem>> -> memref<128xi32, #tpu.memory_space<vmem>>
          %dma_start3A_1688 = arith.constant 0 : i32
          %dma_start3A_1689 = arith.constant 0 : i32
          %dma_start3A_1690 = tpu.memref_slice %arg8[%dma_start3A_1688, %dma_start3A_1689] : memref<512x128xf32, #tpu.memory_space<vmem_shared>> -> memref<512x128xf32, #tpu.memory_space<vmem_shared>>
          tpu.enqueue_indirect_dma source(%dma_start3A_1684 : memref<128x128xf32, #tpu.memory_space<vmem>>) target(%dma_start3A_1690 : memref<512x128xf32, #tpu.memory_space<vmem_shared>>) offsets(%dma_start3A_1687 : memref<128xi32, #tpu.memory_space<vmem>>) semaphore(%run_scoped3A_1680 : memref<!tpu.dma_semaphore, #tpu.memory_space<semaphore_mem>>) {add = true}
          %dma_wait3A_1691 = arith.constant 0 : i32
          %dma_wait3A_1692 = arith.constant 0 : i32
          %dma_wait3A_1693 = tpu.memref_slice %arg6[%run_scoped3A, %dma_wait3A_1691, %dma_wait3A_1692] : memref<4x128x128xf32, #tpu.memory_space<vmem>> -> memref<1x128x128xf32, #tpu.memory_space<vmem>>
          %dma_wait3A_1694 = tpu.memref_squeeze %dma_wait3A_1693 : memref<1x128x128xf32, #tpu.memory_space<vmem>> -> memref<128x128xf32, #tpu.memory_space<vmem>>
          %dma_wait3A_1695 = arith.constant 0 : i32
          %dma_wait3A_1696 = tpu.memref_slice %arg5[%add3A_1651, %dma_wait3A_1695] : memref<80x128xi32, #tpu.memory_space<vmem>> -> memref<1x128xi32, #tpu.memory_space<vmem>>
          %dma_wait3A_1697 = tpu.memref_squeeze %dma_wait3A_1696 : memref<1x128xi32, #tpu.memory_space<vmem>> -> memref<128xi32, #tpu.memory_space<vmem>>
          %dma_wait3A_1698 = arith.constant 0 : i32
          %dma_wait3A_1699 = arith.constant 0 : i32
          %dma_wait3A_1700 = tpu.memref_slice %arg8[%dma_wait3A_1698, %dma_wait3A_1699] : memref<512x128xf32, #tpu.memory_space<vmem_shared>> -> memref<512x128xf32, #tpu.memory_space<vmem_shared>>
          tpu.wait_indirect_dma semaphore(%run_scoped3A_1680 : memref<!tpu.dma_semaphore, #tpu.memory_space<semaphore_mem>>) src(%dma_wait3A_1694 : memref<128x128xf32, #tpu.memory_space<vmem>>) dst(%dma_wait3A_1700 : memref<512x128xf32, #tpu.memory_space<vmem_shared>>)
          tpu.yield
        }) : () -> ()
      } else {
      }
    }
    %scan3A_1615 = arith.constant 20 : i32
    %barrier3A_1616 = arith.constant 0 : index
    tpu.barrier barrier_id(%barrier3A_1616)
    %mul3A_1617 = arith.constant 32 : i32
    %mul3A_1618 = arith.muli %arg1, %mul3A_1617 : i32
    %mul3A_1619 = arith.constant 512 : i32
    %mul3A_1620 = arith.muli %arg0, %mul3A_1619 : i32
    %mul3A_1621 = arith.constant 32 : i32
    %mul3A_1622 = arith.muli %arg1, %mul3A_1621 : i32
    %add3A_1623 = arith.addi %mul3A_1620, %mul3A_1622 : i32
    "tpu.region"() ({
      %run_scoped3A = tpu.sem_alloc : memref<!tpu.dma_semaphore, #tpu.memory_space<semaphore_mem>>
      %dma_start3A_1624 = arith.constant 0 : i32
      %dma_start3A_1625 = tpu.memref_slice %arg4[%add3A_1623, %dma_start3A_1624] : memref<1024x128xf32, #tpu.memory_space<hbm>> -> memref<32x128xf32, #tpu.memory_space<hbm>>
      %dma_start3A_1626 = arith.constant 0 : i32
      %dma_start3A_1627 = tpu.memref_slice %arg8[%mul3A_1618, %dma_start3A_1626] : memref<512x128xf32, #tpu.memory_space<vmem_shared>> -> memref<32x128xf32, #tpu.memory_space<vmem_shared>>
      tpu.enqueue_dma source(%dma_start3A_1627 : memref<32x128xf32, #tpu.memory_space<vmem_shared>>) target(%dma_start3A_1625 : memref<32x128xf32, #tpu.memory_space<hbm>>) target_semaphore(%run_scoped3A : memref<!tpu.dma_semaphore, #tpu.memory_space<semaphore_mem>>)
      %dma_wait3A = arith.constant 0 : i32
      %dma_wait3A_1628 = tpu.memref_slice %arg4[%add3A_1623, %dma_wait3A] : memref<1024x128xf32, #tpu.memory_space<hbm>> -> memref<32x128xf32, #tpu.memory_space<hbm>>
      %dma_wait3A_1629 = arith.constant 0 : i32
      %dma_wait3A_1630 = tpu.memref_slice %arg8[%mul3A_1618, %dma_wait3A_1629] : memref<512x128xf32, #tpu.memory_space<vmem_shared>> -> memref<32x128xf32, #tpu.memory_space<vmem_shared>>
      tpu.wait_dma2 semaphore(%run_scoped3A : memref<!tpu.dma_semaphore, #tpu.memory_space<semaphore_mem>>) src(%dma_wait3A_1630 : memref<32x128xf32, #tpu.memory_space<vmem_shared>>) dst(%dma_wait3A_1628 : memref<32x128xf32, #tpu.memory_space<hbm>>)
      tpu.yield
    }) : () -> ()
    return
  }
}

module attributes {stable_mosaic.version = 14 : i64} {
  func.func @_combine_body(%arg0: memref<1024x128xf32, #tpu.memory_space<vmem>>, %arg1: memref<512x128xf32, #tpu.memory_space<vmem>>) attributes {dimension_semantics = [], scalar_prefetch = 0 : i64, scratch_operands = 0 : i64, tpu.core_type = #tpu.core_type<tc>} {
    %get3A = arith.constant 0 : index
    %get3A_0 = arith.constant 0 : index
    %get3A_1 = vector.load %arg0[%get3A, %get3A_0] : memref<1024x128xf32, #tpu.memory_space<vmem>>, vector<512x128xf32>
    %get3A_2 = arith.constant 512 : index
    %get3A_3 = arith.constant 0 : index
    %get3A_4 = vector.load %arg0[%get3A_2, %get3A_3] : memref<1024x128xf32, #tpu.memory_space<vmem>>, vector<512x128xf32>
    %add3A = arith.addf %get3A_1, %get3A_4 : vector<512x128xf32>
    %swap3A = arith.constant 0 : index
    %swap3A_5 = arith.constant 0 : index
    %swap3A_6 = vector.load %arg1[%swap3A, %swap3A_5] : memref<512x128xf32, #tpu.memory_space<vmem>>, vector<512x128xf32>
    tpu.vector_store %arg1[%swap3A, %swap3A_5], %add3A {strides = array<i32>} : memref<512x128xf32, #tpu.memory_space<vmem>>, vector<512x128xf32>,
    return
  }
}

</mosaic_0001>

<sc_bundles>
// kernel: kernel.4.cloned.1.call-start
scs
__scs_entry_jumppad:
0x0: {  	(pc) =	sbr.rel $0x88, $3  }
0x1: {  	(tag) =	ssettag $0x0;
	lr =	simm.s32 $0x1  }
0x2: {  	[smem:$0x3F9E] =	sst lr;
	_ =	strace $0xD0000000  }
0x3: {  	_ = 	snop  }
0x4: {  	_ = 	snop  }
0x5: {  	_ = 	snop  }
0x6: {  	_ = 	snop  }
0x7: {  	_ = 	snop  }
__scs_overlays_trampoline_lowered:
0x8: {  	[smem:$0x3FAD] =	sst s0  }
0x9: {  	[smem:$0x3FAE] =	sst s1  }
0xa: {  	[smem:$0x3FAF] =	sst s2  }
0xb: {  	[smem:$0x3FB0] =	sst s3  }
0xc: {  	[smem:$0x3FB1] =	sst s4  }
0xd: {  	[smem:$0x3FB2] =	sst s5  }
0xe: {  	[smem:$0x3FB3] =	sst s6  }
0xf: {  	[smem:$0x3FB4] =	sst s7  }
0x10: {  	[smem:$0x3FB5] =	sst s8  }
0x11: {  	[smem:$0x3FB6] =	sst s9;
	s0 =	simm.s32 @!p0 $0x0  }
0x12: {  	s1 =	sld [smem:$0x3F9C];
	s0 =	simm.s32 @p0 $0x1  }
0x13: {  	[smem:$0x3FB7] =	sst s0;
	s0 =	simm.s32 @!p1 $0x0  }
0x14: {  	s2 =	sld [smem:$0x3F9B];
	s0 =	simm.s32 @p1 $0x1  }
0x15: {  	[smem:$0x3FB8] =	sst s0;
	s0 =	simm.s32 @!p2 $0x0  }
0x16: {  	s3 =	sld [smem:$0x3FDB];
	s0 =	simm.s32 @p2 $0x1  }
0x17: {  	s4 =	simm.s32 $0x1BF5;
	[smem:$0x3FBA] =	sst s0  }
0x18: {  	s0 =	sld [smem:$0x3F9D];
	_ =	swait.ge [sflag:s4], $0x0  }
0x19: {  	s7 =	sld [smem:$0x3F9E]  }
0x1a: {  	s8 =	sadd.s32 $0xFFFFE003, lr  }
0x1b: {  	s9 =	sadd.s32 $0xFFFFFEF7, lr;
	s5 =	simm.s32 $0xFFFFFFFF;
	p2 =	slt.u32 s8, $0xFFFFF086  }
0x1c: {  	p1 =	slt.u32 s9, $0xF7A;
	s5 =	simm.s32 @!p2 $0x0  }
0x1d: {  	s5 =	simm.s32 @p1 $0x1;
	p0 =	seq.s32 s7, s2  }
0x1e: {  	s7 =	smul.u32 @!p0 $0xF7A, s2;
	p2 =	seq.s32 @!p0 s5, $0x0  }
0x1f: {  	s9 =	smul.u32 $0xF7A, s1;
	s8 =	simm.s32 @!p0 $0x1BF5;
	p2 =	por !p2, p0  }
0x20: {  	[sflag:s8] =	ssyncset.s32 @!p0 $0xFFFFF086;
	s6 =	sadd.s32 @!p0 s3, s7;
	s7 =	simm.s32 @!p0 $0x108  }
0x21: {  	s3 =	sadd.s32 s3, s9;
	s6 =	sadd.s32 @!p0 $0x88, s6;
	s7 =	simm.s32 @p2 $0x1082  }
0x22: {  	[simem:s7], [sflag:s8] =	dma.local @!p0 [hbm:s6], $0xF7A  }
0x23: {  	s9 =	sor.u32 $0xD0000000, s2;
	s6 =	simm.s32 $0x108;
	_ =	swait.ge @!p0 [sflag:s8], $0x0  }
0x24: {  	s3 =	sadd.s32 $0x88, s3;
	s6 =	simm.s32 @!p1 $0x1082;
	[sflag:s4] =	ssyncset.s32 $0xFFFFF086  }
0x25: {  	[simem:s6], [sflag:s4] =	dma.local [hbm:s3], $0xF7A  }
0x26: {  	[smem:$0x3F9E] =	sst s1;
	(tag) =	ssettag s2;
	_ =	strace s9  }
0x27: {  	s1 =	sld [smem:$0x3FAE]  }
0x28: {  	s2 =	sld [smem:$0x3FAF]  }
0x29: {  	s4 =	sld [smem:$0x3FB1]  }
0x2a: {  	p0 =	seq.s32 s5, $0x0;
	s5 =	sld [smem:$0x3FB2]  }
0x2b: {  	s6 =	sld [smem:$0x3FB3]  }
0x2c: {  	s7 =	sld [smem:$0x3FB4]  }
0x2d: {  	s3 =	simm.s32 $0x108;
	s8 =	sld [smem:$0x3FB5]  }
0x2e: {  	s3 =	simm.s32 @!p0 $0x1082;
	s9 =	sld [smem:$0x3FB6]  }
0x2f: {  	lr =	sadd.s32 s0, s3;
	s0 =	sld [smem:$0x3FAD]  }
0x30: {  	s3 =	sld [smem:$0x3FB0]  }
0x31: {  	[smem:$0x3FB9] =	sst s10  }
0x32: {  	s10 =	sld [smem:$0x3FB7];
	_ =	sdelay $0x3  }
0x33: {  	p0 =	seq.s32 s10, $0x1;
	s10 =	sld [smem:$0x3FB9];
	_ =	sdelay $0x3  }
0x34: {  	[smem:$0x3FB9] =	sst s10  }
0x35: {  	s10 =	sld [smem:$0x3FB8];
	_ =	sdelay $0x3  }
0x36: {  	p1 =	seq.s32 s10, $0x1;
	s10 =	sld [smem:$0x3FB9];
	_ =	sdelay $0x3  }
0x37: {  	[smem:$0x3FB9] =	sst s10  }
0x38: {  	s10 =	sld [smem:$0x3FBA]  }
0x39: {  	_ = 	snop;
	(pc) =	sbr.ind lr, $3  }
0x3a: {  	_ = 	snop  }
0x3b: {  	_ = 	snop  }
0x3c: {  	p2 =	seq.s32 s10, $0x1;
	s10 =	sld [smem:$0x3FB9]  }
0x3d: {  	_ =	shalt  }
0x3e: {  	_ =	shalt  }
0x3f: {  	_ =	shalt  }
0x40: {  	_ =	shalt  }
0x41: {  	_ =	shalt  }
0x42: {  	_ =	shalt  }
0x43: {  	_ =	shalt  }
0x44: {  	_ =	shalt  }
0x45: {  	_ =	shalt  }
0x46: {  	_ =	shalt  }
0x47: {  	_ =	shalt  }
0x48: {  	_ =	shalt  }
0x49: {  	_ =	shalt  }
0x4a: {  	_ =	shalt  }
0x4b: {  	_ =	shalt  }
0x4c: {  	_ =	shalt  }
0x4d: {  	_ =	shalt  }
0x4e: {  	_ =	shalt  }
0x4f: {  	_ =	shalt  }
0x50: {  	_ =	shalt  }
0x51: {  	_ =	shalt  }
0x52: {  	_ =	shalt  }
0x53: {  	_ =	shalt  }
0x54: {  	_ =	shalt  }
0x55: {  	_ =	shalt  }
0x56: {  	_ =	shalt  }
0x57: {  	_ =	shalt  }
0x58: {  	_ =	shalt  }
0x59: {  	_ =	shalt  }
0x5a: {  	_ =	shalt  }
0x5b: {  	_ =	shalt  }
0x5c: {  	_ =	shalt  }
0x5d: {  	_ =	shalt  }
0x5e: {  	_ =	shalt  }
0x5f: {  	_ =	shalt  }
0x60: {  	_ =	shalt  }
0x61: {  	_ =	shalt  }
0x62: {  	_ =	shalt  }
0x63: {  	_ =	shalt  }
0x64: {  	_ =	shalt  }
0x65: {  	_ =	shalt  }
0x66: {  	_ =	shalt  }
0x67: {  	_ =	shalt  }
0x68: {  	_ =	shalt  }
0x69: {  	_ =	shalt  }
0x6a: {  	_ =	shalt  }
0x6b: {  	_ =	shalt  }
0x6c: {  	_ =	shalt  }
0x6d: {  	_ =	shalt  }
0x6e: {  	_ =	shalt  }
0x6f: {  	_ =	shalt  }
0x70: {  	_ =	shalt  }
0x71: {  	_ =	shalt  }
0x72: {  	_ =	shalt  }
0x73: {  	_ =	shalt  }
0x74: {  	_ =	shalt  }
0x75: {  	_ =	shalt  }
0x76: {  	_ =	shalt  }
0x77: {  	_ =	shalt  }
0x78: {  	_ =	shalt  }
0x79: {  	_ =	shalt  }
0x7a: {  	_ =	shalt  }
0x7b: {  	_ =	shalt  }
0x7c: {  	_ =	shalt  }
0x7d: {  	_ =	shalt  }
0x7e: {  	_ =	shalt  }
0x7f: {  	_ =	shalt  }
0x80: {  	_ =	shalt  }
0x81: {  	_ =	shalt  }
0x82: {  	_ =	shalt  }
0x83: {  	_ =	shalt  }
0x84: {  	_ =	shalt  }
0x85: {  	_ =	shalt  }
0x86: {  	_ =	shalt  }
0x87: {  	_ =	shalt  }
.Lfunc_end0:
.L_simem_size_0:
called_computation_lowered:
.L_overlay_start_0:
0x88: {  	s2 =	sld [smem:$0x3FD9]  }
0x89: {  	s3 =	sld [smem:$0x3FFE];
	_ =	sdelay $0x1  }
0x8a: {  	s1 =	srdreg.scid  }
0x8b: {  	s0 =	sand.u32 $0x1, s1  }
0x8c: {  	s17 =	sshll.u32 s0, $0xA;
	s2 =	sadd.s32 s3, s2  }
0x8d: {  	s2 =	sadd.s32 s2, s17  }
0x8e: {  	[smem:$0x3FC5] =	sst s2  }
0x8f: {  	_ = 	snop  }
0x90: {  	s2 =	sld [smem:$0x3FC9];
	(tm) =	ssettm $0x1  }
0x91: {  	s18 =	sld [smem:$0x3FFB];
	_ =	sdelay $0x3  }
0x92: {  	_ =	strace s18  }
0x93: {  	s3 =	sld [smem:$0x3FFC];
	_ =	sdelay $0x3  }
0x94: {  	_ =	strace s3  }
0x95: {  	s3 =	sld [smem:$0x3FFD];
	_ =	sdelay $0x3  }
0x96: {  	_ =	strace s3  }
0x97: {  	_ =	strace $0x8FFFFFFF  }
0x98: {  	s19 =	sld [smem:$0x3FDB];
	_ =	sdelay $0x1  }
0x99: {  	s4 =	simm.s32 $_scs_section_size  }
0x9a: {  	s5 =	simm.s32 $_size__tile_overlayer_lowered;
	s6 =	simm.s32 $_tile_overlayer_lowered  }
0x9b: {  	s22 =	simm.s32 $0x1BFF;
	s21 =	sshll.u32 s6, $0x1;
	s3 =	sadd.s32 s4, s19  }
0x9c: {  	s7 =	simm.s32 $0x0;
	s20 =	sshll.u32 s5, $0x1;
	s5 =	sadd.s32 s21, s3  }
0x9d: {  	[timem:s7], [sflag:s22] =	dma.local [hbm:s5], s20  }
0x9e: {  	_ =	swait.ge [sflag:s22], s20  }
0x9f: {  	s4 =	ssub.s32 $0x0, s20;
	[sflag:s22] =	ssyncset.done $0x0  }
0xa0: {  	[sflag:s22] =	ssyncadd.s32 s4;
	_ =	sdelay $0x1  }
0xa1: {  	s23 =	simm.s32 $0x1B8B  }
0xa2: {  	_ =	swait.ge [sflag:s23], $0x1  }
0xa3: {  	[sflag:s23] =	ssyncset.done $0x0  }
0xa4: {  	s25 =	simm.s32 $0x1B8E;
	s24 =	sld [smem:$0x3FFE];
	[sflag:s23] =	ssyncadd.s32 $0xFFFFFFFF  }
0xa5: {  	s26 =	simm.s32 $execute0_lowered;
	[smem:$0x3FD2] =	sst s25  }
0xa6: {  	s5 =	sshll.u32 s26, $0x1;
	_ =	strace $0x80000046;
	[dreg:$0x1] =	wrdreg $0xFFFFFFFF  }
0xa7: {  	s28 =	simm.s32 $_size_execute0_lowered;
	s3 =	sadd.s32 s3, s5;
	[dreg:$0x0] =	wrdreg $0x0  }
0xa8: {  	s5 =	sshll.u32 s28, $0x1;
	[dreg:$0x2] =	wrdreg s3  }
0xa9: {  	[dreg:$0x3] =	wrdreg s5  }
0xaa: {  	[dreg:$0x4] =	wrdreg $0xC0  }
0xab: {  	_ =	task [dreg:s7], $0x5FFFF  }
0xac: {  	[dreg:$0x1] =	wrdreg $0xFFFFFFFF  }
0xad: {  	[dreg:$0x0] =	wrdreg $0x60  }
0xae: {  	[dreg:$0x2] =	wrdreg s2  }
0xaf: {  	[dreg:$0x3] =	wrdreg s24  }
0xb0: {  	[dreg:$0x4] =	wrdreg $0x138000  }
0xb1: {  	[dreg:$0x5] =	wrdreg $0x9  }
0xb2: {  	_ =	task.clear_ibuf [dreg:s7], $0x6FFFF;
	_ =	strace $0x90000046  }
0xb3: {  	s29 =	simm.s32 $0x9;
	_ =	strace $0x80000048  }
0xb4: {  	_ =	swait.ge [sflag:s29], $0x1  }
0xb5: {  	[sflag:s29] =	ssyncadd.s32 $0xFFFFFFFF  }
0xb6: {  	_ =	strace $0x90000048  }
0xb7: {  	_ =	sfence  }
0xb8: {  	s30 =	sld [smem:$0x0];
	_ =	sdelay $0x2  }
0xb9: {  	s31 =	sshll.u32 s1, $0xD;
	s1 =	sshrl.u32 s1, $0x2  }
0xba: {  	s3 =	sand.u32 $0x4000, s31;
	s1 =	sadd.s32 s1, s30  }
0xbb: {  	s0 =	sor.u32 s3, s0;
	s1 =	sshll.u32 s1, $0x11  }
0xbc: {  	s0 =	sor.u32 s1, s0  }
0xbd: {  	s0 =	sadd.s32 $0x8F2B, s0  }
0xbe: {  	[sflag:s0] =	ssyncadd.remote.s32 $0x1  }
0xbf: {  	_ =	sfence.sel $0xFFFF  }
0xc0: {  	[dreg:$0x0] =	wrdreg $0xFFFFFFFF;
	(pc) =	sbr.abs _section_cstart, $3  }
0xc1: {  	[dreg:$0x1] =	wrdreg $0xFFFFFFFF  }
0xc2: {  	_ =	task.clear_ibuf [dreg:s7], $0x2FFFF;
	_ =	strace $0x9FFFFFFF  }
0xc3: {  	(tm) =	ssettm $0x7FFFFFFF  }
tec
execute0_lowered:
.L_overlay_start_1:
0x0: {  	(tag) =	ssettag $0x1  }
0x1: {  	s2 =	rddreg [dreg:$0x0]  }
0x2: {  	s1 =	srdreg.scid;
	s6 =	rddreg [dreg:$0x1]  }
0x3: {  	s0 =	stileid.u32;
	s3 =	rddreg [dreg:$0x2];
	s4 =	simm.s32 $0x0  }
0x4: {  	s13 =	simm.s32 $0x50;
	s17 =	simm.s32 $0x12800;
	s18 =	simm.s32 $0x5  }
0x5: {  	s19 =	simm.s32 $0x0;
	s11 =	sand.u32 $0x1, s1;
	s24 =	sshll.u32 s0, $0x1  }
0x6: {  	[smem:$0x7FF] =	sst s4;
	s25 =	sshll.u32 s0, $0x9;
	p0 =	slt.u32 s0, $0xC  }
0x7: {  	s29 =	smul.u32 $0x90, s0;
	s30 =	sshll.u32 s0, $0xC;
	s5 =	sor.u32 s11, s24  }
0x8: {  	_ =	strace $0x80000047;
	s9 =	ssub.s32 $0x2, s11;
	s14 =	sadd.s32 s25, s6  }
0x9: {  	s13 =	simm.s32 @!p0 $0x48;
	s16 =	smul.u32 $0x48, s11;
	s11 =	sshll.u32 s11, $0xD  }
0xa: {  	s7 =	smul.u32 $0x9, s5;
	s12 =	smin.u32 s5, $0x18;
	s26 =	sshrl.u32 s9, $0x1  }
0xb: {  	p0 =	seq.s32 s5, $0x1F;
	s11 =	sadd.s32 s11, s14;
	s15 =	ssub.s32 s9, s26  }
0xc: {  	s9 =	sadd.s32 s30, s3;
	s31 =	sshll.u32 s12, $0x3;
	s7 =	sadd.s32 s12, s7  }
0xd: {  	s11 =	sadd.s32 $0xA800, s11;
	s8 =	sshll.u32 s7, $0x7;
	s28 =	sshll.u32 s7, $0xE  }
0xe: {  	s10 =	sadd.s32 s8, s6;
	s8 =	simm.s32 $0x4;
	s5 =	sadd.s32 s2, s28  }
0xf: {  	s12 =	smax.u32 s15, $0x1;
	s8 =	simm.s32 @!p0 $0x0;
	s7 =	sadd.s32 $0x800, s5  }
0x10: {  	s10 =	sadd.s32 $0x600, s10;
	s6 =	sor.u32 s13, s8;
	s13 =	sadd.s32 s16, s29  }
0x11: {  	v0 =	vimm.f32 $0.0e+00;
	s8 =	sadd.s32 $0x1000, s5;
	s16 =	simm.s32 $0xA800;
	s13 =	sadd.s32 s31, s13  }
.LBB2_1:
0x12: {  	s1 =	simm.s32 $0x2800  }
0x13: {  	[tilespmem:s1], [sflag:$0x1] =	stream.linear.gather [hbm4b:s5+s4], $0x4000, $0x38;
	[tilespmem:$0x14800] =	vst v63  }
0x14: {  	s31 =	simm.s32 $0x6800  }
0x15: {  	[tilespmem:s31], [sflag:$0x2] =	stream.linear.gather [hbm4b:s7+s4], $0x4000, $0x38;
	[tilespmem:$0x14800] =	vst v63  }
0x16: {  	_ = 	snop  }
0x17: {  	[tilespmem:s16], [sflag:$0x3] =	stream.linear.gather [hbm4b:s8+s4], $0x4000, $0x38;
	[tilespmem:$0x14800] =	vst v63  }
0x18: {  	[tilespmem:$0x12800] =	vst v0  }
0x19: {  	[tilespmem:$0x12810] =	vst v0  }
0x1a: {  	[tilespmem:$0x12820] =	vst v0  }
0x1b: {  	[tilespmem:$0x12830] =	vst v0  }
0x1c: {  	[tilespmem:$0x12840] =	vst v0  }
0x1d: {  	[tilespmem:$0x12850] =	vst v0  }
0x1e: {  	[tilespmem:$0x12860] =	vst v0  }
0x1f: {  	[tilespmem:$0x12870] =	vst v0  }
0x20: {  	[tilespmem:$0x12880] =	vst v0  }
0x21: {  	[tilespmem:$0x12890] =	vst v0  }
0x22: {  	[tilespmem:$0x128A0] =	vst v0  }
0x23: {  	[tilespmem:$0x128B0] =	vst v0  }
0x24: {  	[tilespmem:$0x128C0] =	vst v0  }
0x25: {  	[tilespmem:$0x128D0] =	vst v0  }
0x26: {  	[tilespmem:$0x128E0] =	vst v0  }
0x27: {  	[tilespmem:$0x128F0] =	vst v0  }
0x28: {  	[tilespmem:$0x12900] =	vst v0  }
0x29: {  	[tilespmem:$0x12910] =	vst v0  }
0x2a: {  	[tilespmem:$0x12920] =	vst v0  }
0x2b: {  	[tilespmem:$0x12930] =	vst v0  }
0x2c: {  	[tilespmem:$0x12940] =	vst v0  }
0x2d: {  	[tilespmem:$0x12950] =	vst v0  }
0x2e: {  	[tilespmem:$0x12960] =	vst v0  }
0x2f: {  	[tilespmem:$0x12970] =	vst v0  }
0x30: {  	[tilespmem:$0x12980] =	vst v0  }
0x31: {  	[tilespmem:$0x12990] =	vst v0  }
0x32: {  	[tilespmem:$0x129A0] =	vst v0  }
0x33: {  	[tilespmem:$0x129B0] =	vst v0  }
0x34: {  	[tilespmem:$0x129C0] =	vst v0  }
0x35: {  	[tilespmem:$0x129D0] =	vst v0  }
0x36: {  	[tilespmem:$0x129E0] =	vst v0  }
0x37: {  	[tilespmem:$0x129F0] =	vst v0  }
0x38: {  	[tilespmem:$0x12A00] =	vst v0  }
0x39: {  	[tilespmem:$0x12A10] =	vst v0  }
0x3a: {  	[tilespmem:$0x12A20] =	vst v0  }
0x3b: {  	[tilespmem:$0x12A30] =	vst v0  }
0x3c: {  	[tilespmem:$0x12A40] =	vst v0  }
0x3d: {  	[tilespmem:$0x12A50] =	vst v0  }
0x3e: {  	[tilespmem:$0x12A60] =	vst v0  }
0x3f: {  	[tilespmem:$0x12A70] =	vst v0  }
0x40: {  	[tilespmem:$0x12A80] =	vst v0  }
0x41: {  	[tilespmem:$0x12A90] =	vst v0  }
0x42: {  	[tilespmem:$0x12AA0] =	vst v0  }
0x43: {  	[tilespmem:$0x12AB0] =	vst v0  }
0x44: {  	[tilespmem:$0x12AC0] =	vst v0  }
0x45: {  	[tilespmem:$0x12AD0] =	vst v0  }
0x46: {  	[tilespmem:$0x12AE0] =	vst v0  }
0x47: {  	[tilespmem:$0x12AF0] =	vst v0  }
0x48: {  	[tilespmem:$0x12B00] =	vst v0  }
0x49: {  	[tilespmem:$0x12B10] =	vst v0  }
0x4a: {  	[tilespmem:$0x12B20] =	vst v0  }
0x4b: {  	[tilespmem:$0x12B30] =	vst v0  }
0x4c: {  	[tilespmem:$0x12B40] =	vst v0  }
0x4d: {  	[tilespmem:$0x12B50] =	vst v0  }
0x4e: {  	[tilespmem:$0x12B60] =	vst v0  }
0x4f: {  	[tilespmem:$0x12B70] =	vst v0  }
0x50: {  	[tilespmem:$0x12B80] =	vst v0  }
0x51: {  	[tilespmem:$0x12B90] =	vst v0  }
0x52: {  	[tilespmem:$0x12BA0] =	vst v0  }
0x53: {  	[tilespmem:$0x12BB0] =	vst v0  }
0x54: {  	[tilespmem:$0x12BC0] =	vst v0  }
0x55: {  	[tilespmem:$0x12BD0] =	vst v0  }
0x56: {  	[tilespmem:$0x12BE0] =	vst v0  }
0x57: {  	[tilespmem:$0x12BF0] =	vst v0  }
0x58: {  	[tilespmem:$0x12C00] =	vst v0  }
0x59: {  	[tilespmem:$0x12C10] =	vst v0  }
0x5a: {  	[tilespmem:$0x12C20] =	vst v0  }
0x5b: {  	[tilespmem:$0x12C30] =	vst v0  }
0x5c: {  	[tilespmem:$0x12C40] =	vst v0  }
0x5d: {  	[tilespmem:$0x12C50] =	vst v0  }
0x5e: {  	[tilespmem:$0x12C60] =	vst v0  }
0x5f: {  	[tilespmem:$0x12C70] =	vst v0  }
0x60: {  	[tilespmem:$0x12C80] =	vst v0  }
0x61: {  	[tilespmem:$0x12C90] =	vst v0  }
0x62: {  	[tilespmem:$0x12CA0] =	vst v0  }
0x63: {  	[tilespmem:$0x12CB0] =	vst v0  }
0x64: {  	[tilespmem:$0x12CC0] =	vst v0  }
0x65: {  	[tilespmem:$0x12CD0] =	vst v0  }
0x66: {  	[tilespmem:$0x12CE0] =	vst v0  }
0x67: {  	[tilespmem:$0x12CF0] =	vst v0  }
0x68: {  	[tilespmem:$0x12D00] =	vst v0  }
0x69: {  	[tilespmem:$0x12D10] =	vst v0  }
0x6a: {  	[tilespmem:$0x12D20] =	vst v0  }
0x6b: {  	[tilespmem:$0x12D30] =	vst v0  }
0x6c: {  	[tilespmem:$0x12D40] =	vst v0  }
0x6d: {  	[tilespmem:$0x12D50] =	vst v0  }
0x6e: {  	[tilespmem:$0x12D60] =	vst v0  }
0x6f: {  	[tilespmem:$0x12D70] =	vst v0  }
0x70: {  	[tilespmem:$0x12D80] =	vst v0  }
0x71: {  	[tilespmem:$0x12D90] =	vst v0  }
0x72: {  	[tilespmem:$0x12DA0] =	vst v0  }
0x73: {  	[tilespmem:$0x12DB0] =	vst v0  }
0x74: {  	[tilespmem:$0x12DC0] =	vst v0  }
0x75: {  	[tilespmem:$0x12DD0] =	vst v0  }
0x76: {  	[tilespmem:$0x12DE0] =	vst v0  }
0x77: {  	[tilespmem:$0x12DF0] =	vst v0  }
0x78: {  	[tilespmem:$0x12E00] =	vst v0  }
0x79: {  	[tilespmem:$0x12E10] =	vst v0  }
0x7a: {  	[tilespmem:$0x12E20] =	vst v0  }
0x7b: {  	[tilespmem:$0x12E30] =	vst v0  }
0x7c: {  	[tilespmem:$0x12E40] =	vst v0  }
0x7d: {  	[tilespmem:$0x12E50] =	vst v0  }
0x7e: {  	[tilespmem:$0x12E60] =	vst v0  }
0x7f: {  	[tilespmem:$0x12E70] =	vst v0  }
0x80: {  	[tilespmem:$0x12E80] =	vst v0  }
0x81: {  	[tilespmem:$0x12E90] =	vst v0  }
0x82: {  	[tilespmem:$0x12EA0] =	vst v0  }
0x83: {  	[tilespmem:$0x12EB0] =	vst v0  }
0x84: {  	[tilespmem:$0x12EC0] =	vst v0  }
0x85: {  	[tilespmem:$0x12ED0] =	vst v0  }
0x86: {  	[tilespmem:$0x12EE0] =	vst v0  }
0x87: {  	[tilespmem:$0x12EF0] =	vst v0  }
0x88: {  	[tilespmem:$0x12F00] =	vst v0  }
0x89: {  	[tilespmem:$0x12F10] =	vst v0  }
0x8a: {  	[tilespmem:$0x12F20] =	vst v0  }
0x8b: {  	[tilespmem:$0x12F30] =	vst v0  }
0x8c: {  	[tilespmem:$0x12F40] =	vst v0  }
0x8d: {  	[tilespmem:$0x12F50] =	vst v0  }
0x8e: {  	[tilespmem:$0x12F60] =	vst v0  }
0x8f: {  	[tilespmem:$0x12F70] =	vst v0  }
0x90: {  	[tilespmem:$0x12F80] =	vst v0  }
0x91: {  	[tilespmem:$0x12F90] =	vst v0  }
0x92: {  	[tilespmem:$0x12FA0] =	vst v0  }
0x93: {  	[tilespmem:$0x12FB0] =	vst v0  }
0x94: {  	[tilespmem:$0x12FC0] =	vst v0  }
0x95: {  	[tilespmem:$0x12FD0] =	vst v0  }
0x96: {  	[tilespmem:$0x12FE0] =	vst v0  }
0x97: {  	[tilespmem:$0x12FF0] =	vst v0  }
0x98: {  	[tilespmem:$0x13000] =	vst v0  }
0x99: {  	[tilespmem:$0x13010] =	vst v0  }
0x9a: {  	[tilespmem:$0x13020] =	vst v0  }
0x9b: {  	[tilespmem:$0x13030] =	vst v0  }
0x9c: {  	[tilespmem:$0x13040] =	vst v0  }
0x9d: {  	[tilespmem:$0x13050] =	vst v0  }
0x9e: {  	[tilespmem:$0x13060] =	vst v0  }
0x9f: {  	[tilespmem:$0x13070] =	vst v0  }
0xa0: {  	[tilespmem:$0x13080] =	vst v0  }
0xa1: {  	[tilespmem:$0x13090] =	vst v0  }
0xa2: {  	[tilespmem:$0x130A0] =	vst v0  }
0xa3: {  	[tilespmem:$0x130B0] =	vst v0  }
0xa4: {  	[tilespmem:$0x130C0] =	vst v0  }
0xa5: {  	[tilespmem:$0x130D0] =	vst v0  }
0xa6: {  	[tilespmem:$0x130E0] =	vst v0  }
0xa7: {  	[tilespmem:$0x130F0] =	vst v0  }
0xa8: {  	[tilespmem:$0x13100] =	vst v0  }
0xa9: {  	[tilespmem:$0x13110] =	vst v0  }
0xaa: {  	[tilespmem:$0x13120] =	vst v0  }
0xab: {  	[tilespmem:$0x13130] =	vst v0  }
0xac: {  	[tilespmem:$0x13140] =	vst v0  }
0xad: {  	[tilespmem:$0x13150] =	vst v0  }
0xae: {  	[tilespmem:$0x13160] =	vst v0  }
0xaf: {  	[tilespmem:$0x13170] =	vst v0  }
0xb0: {  	[tilespmem:$0x13180] =	vst v0  }
0xb1: {  	[tilespmem:$0x13190] =	vst v0  }
0xb2: {  	[tilespmem:$0x131A0] =	vst v0  }
0xb3: {  	[tilespmem:$0x131B0] =	vst v0  }
0xb4: {  	[tilespmem:$0x131C0] =	vst v0  }
0xb5: {  	[tilespmem:$0x131D0] =	vst v0  }
0xb6: {  	[tilespmem:$0x131E0] =	vst v0  }
0xb7: {  	[tilespmem:$0x131F0] =	vst v0  }
0xb8: {  	[tilespmem:$0x13200] =	vst v0  }
0xb9: {  	[tilespmem:$0x13210] =	vst v0  }
0xba: {  	[tilespmem:$0x13220] =	vst v0  }
0xbb: {  	[tilespmem:$0x13230] =	vst v0  }
0xbc: {  	[tilespmem:$0x13240] =	vst v0  }
0xbd: {  	[tilespmem:$0x13250] =	vst v0  }
0xbe: {  	[tilespmem:$0x13260] =	vst v0  }
0xbf: {  	[tilespmem:$0x13270] =	vst v0  }
0xc0: {  	[tilespmem:$0x13280] =	vst v0  }
0xc1: {  	[tilespmem:$0x13290] =	vst v0  }
0xc2: {  	[tilespmem:$0x132A0] =	vst v0  }
0xc3: {  	[tilespmem:$0x132B0] =	vst v0  }
0xc4: {  	[tilespmem:$0x132C0] =	vst v0  }
0xc5: {  	[tilespmem:$0x132D0] =	vst v0  }
0xc6: {  	[tilespmem:$0x132E0] =	vst v0  }
0xc7: {  	[tilespmem:$0x132F0] =	vst v0  }
0xc8: {  	[tilespmem:$0x13300] =	vst v0  }
0xc9: {  	[tilespmem:$0x13310] =	vst v0  }
0xca: {  	[tilespmem:$0x13320] =	vst v0  }
0xcb: {  	[tilespmem:$0x13330] =	vst v0  }
0xcc: {  	[tilespmem:$0x13340] =	vst v0  }
0xcd: {  	[tilespmem:$0x13350] =	vst v0  }
0xce: {  	[tilespmem:$0x13360] =	vst v0  }
0xcf: {  	[tilespmem:$0x13370] =	vst v0  }
0xd0: {  	[tilespmem:$0x13380] =	vst v0  }
0xd1: {  	[tilespmem:$0x13390] =	vst v0  }
0xd2: {  	[tilespmem:$0x133A0] =	vst v0  }
0xd3: {  	[tilespmem:$0x133B0] =	vst v0  }
0xd4: {  	[tilespmem:$0x133C0] =	vst v0  }
0xd5: {  	[tilespmem:$0x133D0] =	vst v0  }
0xd6: {  	[tilespmem:$0x133E0] =	vst v0  }
0xd7: {  	[tilespmem:$0x133F0] =	vst v0  }
0xd8: {  	[tilespmem:$0x13400] =	vst v0  }
0xd9: {  	[tilespmem:$0x13410] =	vst v0  }
0xda: {  	[tilespmem:$0x13420] =	vst v0  }
0xdb: {  	[tilespmem:$0x13430] =	vst v0  }
0xdc: {  	[tilespmem:$0x13440] =	vst v0  }
0xdd: {  	[tilespmem:$0x13450] =	vst v0  }
0xde: {  	[tilespmem:$0x13460] =	vst v0  }
0xdf: {  	[tilespmem:$0x13470] =	vst v0  }
0xe0: {  	[tilespmem:$0x13480] =	vst v0  }
0xe1: {  	[tilespmem:$0x13490] =	vst v0  }
0xe2: {  	[tilespmem:$0x134A0] =	vst v0  }
0xe3: {  	[tilespmem:$0x134B0] =	vst v0  }
0xe4: {  	[tilespmem:$0x134C0] =	vst v0  }
0xe5: {  	[tilespmem:$0x134D0] =	vst v0  }
0xe6: {  	[tilespmem:$0x134E0] =	vst v0  }
0xe7: {  	[tilespmem:$0x134F0] =	vst v0  }
0xe8: {  	[tilespmem:$0x13500] =	vst v0  }
0xe9: {  	[tilespmem:$0x13510] =	vst v0  }
0xea: {  	[tilespmem:$0x13520] =	vst v0  }
0xeb: {  	[tilespmem:$0x13530] =	vst v0  }
0xec: {  	[tilespmem:$0x13540] =	vst v0  }
0xed: {  	[tilespmem:$0x13550] =	vst v0  }
0xee: {  	[tilespmem:$0x13560] =	vst v0  }
0xef: {  	[tilespmem:$0x13570] =	vst v0  }
0xf0: {  	[tilespmem:$0x13580] =	vst v0  }
0xf1: {  	[tilespmem:$0x13590] =	vst v0  }
0xf2: {  	[tilespmem:$0x135A0] =	vst v0  }
0xf3: {  	[tilespmem:$0x135B0] =	vst v0  }
0xf4: {  	[tilespmem:$0x135C0] =	vst v0  }
0xf5: {  	[tilespmem:$0x135D0] =	vst v0  }
0xf6: {  	[tilespmem:$0x135E0] =	vst v0  }
0xf7: {  	[tilespmem:$0x135F0] =	vst v0  }
0xf8: {  	[tilespmem:$0x13600] =	vst v0  }
0xf9: {  	[tilespmem:$0x13610] =	vst v0  }
0xfa: {  	[tilespmem:$0x13620] =	vst v0  }
0xfb: {  	[tilespmem:$0x13630] =	vst v0  }
0xfc: {  	[tilespmem:$0x13640] =	vst v0  }
0xfd: {  	[tilespmem:$0x13650] =	vst v0  }
0xfe: {  	[tilespmem:$0x13660] =	vst v0  }
0xff: {  	[tilespmem:$0x13670] =	vst v0  }
0x100: {  	[tilespmem:$0x13680] =	vst v0  }
0x101: {  	[tilespmem:$0x13690] =	vst v0  }
0x102: {  	[tilespmem:$0x136A0] =	vst v0  }
0x103: {  	[tilespmem:$0x136B0] =	vst v0  }
0x104: {  	[tilespmem:$0x136C0] =	vst v0  }
0x105: {  	[tilespmem:$0x136D0] =	vst v0  }
0x106: {  	[tilespmem:$0x136E0] =	vst v0  }
0x107: {  	[tilespmem:$0x136F0] =	vst v0  }
0x108: {  	[tilespmem:$0x13700] =	vst v0  }
0x109: {  	[tilespmem:$0x13710] =	vst v0  }
0x10a: {  	[tilespmem:$0x13720] =	vst v0  }
0x10b: {  	[tilespmem:$0x13730] =	vst v0  }
0x10c: {  	[tilespmem:$0x13740] =	vst v0  }
0x10d: {  	[tilespmem:$0x13750] =	vst v0  }
0x10e: {  	[tilespmem:$0x13760] =	vst v0  }
0x10f: {  	[tilespmem:$0x13770] =	vst v0  }
0x110: {  	[tilespmem:$0x13780] =	vst v0  }
0x111: {  	[tilespmem:$0x13790] =	vst v0  }
0x112: {  	p0 =	sle.u32 s6, $0x0;
	[tilespmem:$0x137A0] =	vst v0  }
0x113: {  	p2 =	sle.u32 @!p0 s6, $0x3;
	[tilespmem:$0x137B0] =	vst v0  }
0x114: {  	p1 =	por p2, p0;
	[tilespmem:$0x137C0] =	vst v0  }
0x115: {  	s20 =	sadd.s32 @!p1 $0x0, s13;
	[tilespmem:$0x137D0] =	vst v0  }
0x116: {  	s20 =	sadd.s32 @!p1 $0x3, s20;
	[tilespmem:$0x137E0] =	vst v0  }
0x117: {  	s24 =	simm.s32 @!p0 $0x6;
	s23 =	simm.s32 @!p0 $0x2800;
	p3 =	slt.s32 @!p1 s20, $0x9C3;
	[tilespmem:$0x137F0] =	vst v0  }
0x118: {  	[spmem:s9] =	stream.linear.scatter [tilespmem:s17], [sflag:$0x5], $0x1000, $0x38;
	[tilespmem:$0x14800] =	vst v63  }
0x119: {  	s26 =	simm.s32 @!p0 $0x1;
	p2 =	por @!p0 !p3, p2;
	_ =	swait.ge [sflag:s18], $0x1000  }
0x11a: {  	p3 =	por !p2, p0;
	p2 =	sle.u32 s6, $0x1;
	[sflag:s18] =	ssyncset.done $0x0  }
0x11b: {  	s29 =	simm.s32 @!p1 $0x0;
	p4 =	sle.u32 @!p2 s6, $0x4;
	[sflag:s18] =	ssyncadd.s32 $0xFFFFF000  }
0x11c: {  	[tilespmem:s4], [sflag:$0x5] =	stream.linear.gather [hbm4b:s10+s4], $0x2800, $0x38;
	[tilespmem:$0x14800] =	vst v63  }
0x11d: {  	s20 =	simm.s32 @!p3 $0x9C3;
	p3 =	por p4, p2;
	_ =	swait.ge [sflag:s18], $0x2800  }
0x11e: {  	s30 =	simm.s32 @!p1 $0xE800;
	s22 =	sadd.s32 @!p3 $0x0, s13;
	[sflag:s18] =	ssyncset.done $0x0  }
0x11f: {  	s25 =	simm.s32 @!p2 $0x6;
	s22 =	sadd.s32 @!p3 $0x4, s22;
	[sflag:s18] =	ssyncadd.s32 $0xFFFFD800  }
0x120: {  	s28 =	simm.s32 @!p2 $0x2;
	p5 =	slt.s32 @!p3 s22, $0x9C3;
	[bflag:$0x0] =	sbarrier.arrive $0xFFFF  }
0x121: {  	s21 =	sshll.u32 @!p1 s20, $0xB;
	p4 =	por @!p2 !p5, p4;
	_ =	swait.ge @!p0 [sflag:s26], $0x4000  }
0x122: {  	s20 =	simm.s32 $0x4;
	p4 =	por !p4, p2;
	[sflag:s26] =	ssyncset.done @!p0 $0x0  }
0x123: {  	s21 =	sadd.s32 @!p1 s2, s21;
	s22 =	simm.s32 @!p4 $0x9C3;
	[sflag:s26] =	ssyncadd.s32 @!p0 $0xFFFFC000  }
0x124: {  	[tilespmem:s30], [sflag:$0x4] =	stream.linear.gather @!p1 [hbm4b:s21+s29], $0x4000, $0x38;
	[tilespmem:$0x14800] =	vst v63  }
0x125: {  	p1 =	sle.u32 s6, $0x2;
	s21 =	sshll.u32 @!p3 s22, $0xB;
	s22 =	simm.s32 @!p0 $0x80  }
0x126: {  	[spmem:s3] =	stream.indirect.scatter.add.f32 @!p0 [tilespmem:s23], [sflag:$0x6], $0x80, s4, s22, $0xb8;
	[tilespmem:$0x14800] =	vst v63  }
0x127: {  	s29 =	simm.s32 @!p3 $0x2800;
	p5 =	sle.u32 @!p1 s6, $0x5;
	_ =	swait.ge @!p0 [sflag:s24], $0x4000  }
0x128: {  	s21 =	sadd.s32 @!p3 s2, s21;
	p4 =	por p5, p1;
	[sflag:s24] =	ssyncset.done @!p0 $0x0  }
0x129: {  	s22 =	simm.s32 @!p2 $0x80;
	s26 =	sadd.s32 @!p4 $0x0, s13;
	[sflag:s24] =	ssyncadd.s32 @!p0 $0xFFFFC000  }
0x12a: {  	s23 =	simm.s32 @!p1 $0x6;
	s26 =	sadd.s32 @!p4 $0x5, s26;
	_ =	swait.ge @!p2 [sflag:s28], $0x4000  }
0x12b: {  	s24 =	simm.s32 @!p3 $0x0;
	p6 =	slt.s32 @!p4 s26, $0x9C3;
	[sflag:s28] =	ssyncset.done @!p2 $0x0  }
0x12c: {  	p0 =	sle.u32 s6, $0x3;
	p5 =	por @!p1 !p6, p5;
	[sflag:s28] =	ssyncadd.s32 @!p2 $0xFFFFC000  }
0x12d: {  	[tilespmem:s29], [sflag:$0x1] =	stream.linear.gather @!p3 [hbm4b:s21+s24], $0x4000, $0x38;
	[tilespmem:$0x14800] =	vst v63  }
0x12e: {  	p3 =	por !p5, p1;
	p5 =	sle.u32 @!p0 s6, $0x6;
	s21 =	simm.s32 @!p2 $0x6800  }
0x12f: {  	s24 =	simm.s32 @!p2 $0x80;
	s26 =	simm.s32 @!p3 $0x9C3;
	p3 =	por p5, p0  }
0x130: {  	[spmem:s3] =	stream.indirect.scatter.add.f32 @!p2 [tilespmem:s21], [sflag:$0x6], $0x80, s22, s24, $0xb8;
	[tilespmem:$0x14800] =	vst v63  }
0x131: {  	s28 =	simm.s32 @!p1 $0x80;
	s22 =	sadd.s32 @!p3 $0x0, s13;
	_ =	swait.ge @!p2 [sflag:s25], $0x4000  }
0x132: {  	s21 =	sshll.u32 @!p4 s26, $0xB;
	s22 =	sadd.s32 @!p3 $0x6, s22;
	[sflag:s25] =	ssyncset.done @!p2 $0x0  }
0x133: {  	p6 =	slt.s32 @!p3 s22, $0x9C3;
	[sflag:s25] =	ssyncadd.s32 @!p2 $0xFFFFC000;
	s25 =	simm.s32 @!p1 $0x3  }
0x134: {  	s26 =	simm.s32 @!p4 $0x6800;
	p2 =	por @!p0 !p6, p5;
	_ =	swait.ge @!p1 [sflag:s25], $0x4000  }
0x135: {  	s24 =	sadd.s32 @!p4 s2, s21;
	p2 =	por !p2, p0;
	[sflag:s25] =	ssyncset.done @!p1 $0x0  }
0x136: {  	s22 =	simm.s32 @!p2 $0x9C3;
	[sflag:s25] =	ssyncadd.s32 @!p1 $0xFFFFC000;
	s25 =	simm.s32 @!p4 $0x0  }
0x137: {  	[tilespmem:s26], [sflag:$0x2] =	stream.linear.gather @!p4 [hbm4b:s24+s25], $0x4000, $0x38;
	[tilespmem:$0x14800] =	vst v63  }
0x138: {  	s21 =	simm.s32 $0x200;
	s22 =	sshll.u32 @!p3 s22, $0xB;
	s24 =	simm.s32 @!p1 $0xA800  }
0x139: {  	s26 =	simm.s32 @!p1 $0x100;
	s25 =	sadd.s32 @!p3 s2, s22;
	s22 =	simm.s32 $0x0  }
.LBB2_2:
0x13a: {  	[spmem:s3] =	stream.indirect.scatter.add.f32 @!p1 [tilespmem:s24], [sflag:$0x6], $0x80, s26, s28, $0xb8;
	[tilespmem:$0x14800] =	vst v63  }
0x13b: {  	s24 =	smov.u32 s20;
	s20 =	sadd.s32 $0x4, s20  }
0x13c: {  	s28 =	simm.s32 @!p0 $0x5;
	s29 =	simm.s32 @!p3 $0xA800;
	_ =	swait.ge @!p1 [sflag:s23], $0x4000  }
0x13d: {  	s22 =	sadd.s32 @!p0 $0x180, s22;
	p5 =	sge.u32 s24, s6;
	[sflag:s23] =	ssyncset.done @!p1 $0x0  }
0x13e: {  	s26 =	sadd.s32 @!p5 $0x3, s24;
	[sflag:s23] =	ssyncadd.s32 @!p1 $0xFFFFC000;
	p1 =	sne.s32 s20, $0x50  }
0x13f: {  	s30 =	sadd.s32 $0x1, s24;
	p2 =	sge.u32 @!p5 s26, s6;
	s1 =	simm.s32 @!p1 $0x0  }
0x140: {  	s15 =	sadd.s32 $0x2, s24;
	p6 =	por p2, p5;
	s1 =	simm.s32 @p1 $0x1  }
0x141: {  	s23 =	simm.s32 @!p0 $0x4;
	s26 =	sadd.s32 @!p6 s24, s13;
	[smem:$0x7FD] =	sst s1  }
0x142: {  	p4 =	sge.u32 s30, s6;
	s26 =	sadd.s32 @!p6 $0x3, s26;
	_ =	swait.ge @!p0 [sflag:s23], $0x4000  }
0x143: {  	s14 =	simm.s32 @!p5 $0x1;
	p1 =	slt.s32 @!p6 s26, $0x9C3;
	[sflag:s23] =	ssyncset.done @!p0 $0x0  }
0x144: {  	p1 =	por @!p5 !p1, p2;
	[sflag:s23] =	ssyncadd.s32 @!p0 $0xFFFFC000;
	s23 =	simm.s32 @!p3 $0x0  }
0x145: {  	[tilespmem:s29], [sflag:$0x3] =	stream.linear.gather @!p3 [hbm4b:s25+s23], $0x4000, $0x38;
	[tilespmem:$0x14800] =	vst v63  }
0x146: {  	p1 =	por !p1, p5;
	s23 =	simm.s32 @!p0 $0xE800;
	s25 =	sadd.s32 @!p4 $0x4, s24  }
0x147: {  	s26 =	simm.s32 @!p1 $0x9C3;
	s29 =	simm.s32 @!p0 $0x80;
	p1 =	sge.u32 @!p4 s25, s6  }
0x148: {  	[spmem:s3] =	stream.indirect.scatter.add.f32 @!p0 [tilespmem:s23], [sflag:$0x5], $0x80, s22, s29, $0xb8;
	[tilespmem:$0x14800] =	vst v63  }
0x149: {  	s30 =	simm.s32 @!p4 $0x2;
	p3 =	por p1, p4;
	_ =	swait.ge @!p0 [sflag:s28], $0x4000  }
0x14a: {  	s31 =	simm.s32 @!p6 $0x0;
	s25 =	sadd.s32 @!p3 s24, s13;
	[sflag:s28] =	ssyncset.done @!p0 $0x0  }
0x14b: {  	s26 =	sshll.u32 @!p6 s26, $0xB;
	[sflag:s28] =	ssyncadd.s32 @!p0 $0xFFFFC000;
	s28 =	sadd.s32 @!p3 $0x4, s25  }
0x14c: {  	s1 =	simm.s32 @!p6 $0xE800;
	s23 =	sadd.s32 @!p6 s2, s26;
	p0 =	slt.s32 @!p3 s28, $0x9C3  }
0x14d: {  	s26 =	simm.s32 @!p5 $0x6;
	_ =	swait.ge @!p5 [sflag:s14], $0x4000;
	p0 =	por @!p4 !p0, p1  }
0x14e: {  	s29 =	simm.s32 @!p5 $0x2800;
	[sflag:s14] =	ssyncset.done @!p5 $0x0;
	p0 =	por !p0, p4  }
0x14f: {  	p1 =	sge.u32 s15, s6;
	[sflag:s14] =	ssyncadd.s32 @!p5 $0xFFFFC000;
	s28 =	simm.s32 @!p0 $0x9C3  }
0x150: {  	[tilespmem:s1], [sflag:$0x4] =	stream.linear.gather @!p6 [hbm4b:s23+s31], $0x4000, $0x38;
	[tilespmem:$0x14800] =	vst v63  }
0x151: {  	s25 =	simm.s32 @!p4 $0x6;
	s15 =	sshll.u32 @!p3 s28, $0xB;
	s28 =	sadd.s32 @!p1 $0x5, s24  }
0x152: {  	s14 =	sadd.s32 @!p4 $0x80, s21;
	s1 =	simm.s32 @!p5 $0x80;
	p2 =	sge.u32 @!p1 s28, s6  }
0x153: {  	[spmem:s3] =	stream.indirect.scatter.add.f32 @!p5 [tilespmem:s29], [sflag:$0x6], $0x80, s21, s1, $0xb8;
	[tilespmem:$0x14800] =	vst v63  }
0x154: {  	s31 =	sadd.s32 $0x3, s24;
	p6 =	por p2, p1;
	_ =	swait.ge @!p5 [sflag:s26], $0x4000  }
0x155: {  	p0 =	sge.u32 s31, s6;
	s1 =	sadd.s32 @!p6 s24, s13;
	[sflag:s26] =	ssyncset.done @!p5 $0x0  }
0x156: {  	s15 =	sadd.s32 @!p3 s2, s15;
	[sflag:s26] =	ssyncadd.s32 @!p5 $0xFFFFC000;
	s1 =	sadd.s32 @!p6 $0x5, s1  }
0x157: {  	s28 =	simm.s32 @!p3 $0x0;
	_ =	swait.ge @!p4 [sflag:s30], $0x4000;
	p5 =	slt.s32 @!p6 s1, $0x9C3  }
0x158: {  	s29 =	simm.s32 @!p3 $0x2800;
	[sflag:s30] =	ssyncset.done @!p4 $0x0;
	p2 =	por @!p1 !p5, p2  }
0x159: {  	s26 =	sadd.s32 @!p0 $0x6, s24;
	[sflag:s30] =	ssyncadd.s32 @!p4 $0xFFFFC000;
	p5 =	por !p2, p1  }
0x15a: {  	[tilespmem:s29], [sflag:$0x1] =	stream.linear.gather @!p3 [hbm4b:s15+s28], $0x4000, $0x38;
	[tilespmem:$0x14800] =	vst v63  }
0x15b: {  	p2 =	sge.u32 @!p0 s26, s6;
	s26 =	simm.s32 @!p4 $0x80;
	s15 =	simm.s32 @!p4 $0x6800  }
0x15c: {  	[spmem:s3] =	stream.indirect.scatter.add.f32 @!p4 [tilespmem:s15], [sflag:$0x6], $0x80, s14, s26, $0xb8;
	[tilespmem:$0x14800] =	vst v63  }
0x15d: {  	_ =	swait.ge @!p4 [sflag:s25], $0x4000  }
0x15e: {  	p3 =	por p2, p0;
	[sflag:s25] =	ssyncset.done @!p4 $0x0  }
0x15f: {  	s24 =	sadd.s32 @!p3 s24, s13;
	s15 =	simm.s32 @!p1 $0x3;
	[sflag:s25] =	ssyncadd.s32 @!p4 $0xFFFFC000  }
0x160: {  	s14 =	sadd.s32 @!p3 $0x6, s24;
	_ =	swait.ge @!p1 [sflag:s15], $0x4000  }
0x161: {  	s1 =	simm.s32 @!p5 $0x9C3;
	p5 =	slt.s32 @!p3 s14, $0x9C3;
	s31 =	sld [smem:$0x7FD]  }
0x162: {  	p2 =	por @!p0 !p5, p2  }
0x163: {  	s22 =	smov.u32 s21;
	s23 =	simm.s32 @!p1 $0x6;
	p2 =	por !p2, p0  }
0x164: {  	s21 =	sadd.s32 $0x200, s21;
	s14 =	simm.s32 @!p2 $0x9C3;
	p2 =	seq.s32 s31, $0x1  }
.Ltmp0:
0x165: {  	s28 =	simm.s32 @!p1 $0x80;
	s1 =	sshll.u32 @!p6 s1, $0xB;
	(pc) =	sbr.rel @p2 .LBB2_2-.Ltmp0, $4  }
0x166: {  	s1 =	sadd.s32 @!p6 s2, s1;
	s25 =	simm.s32 @!p6 $0x6800;
	[sflag:s15] =	ssyncset.done @!p1 $0x0  }
0x167: {  	s14 =	sshll.u32 @!p3 s14, $0xB;
	[sflag:s15] =	ssyncadd.s32 @!p1 $0xFFFFC000;
	s15 =	simm.s32 @!p6 $0x0  }
0x168: {  	[tilespmem:s25], [sflag:$0x2] =	stream.linear.gather @!p6 [hbm4b:s1+s15], $0x4000, $0x38;
	[tilespmem:$0x14800] =	vst v63  }
0x169: {  	s24 =	simm.s32 @!p1 $0xA800;
	s26 =	sadd.s32 @!p1 $0x100, s22;
	s25 =	sadd.s32 @!p3 s2, s14  }
0x16a: {  	[spmem:s3] =	stream.indirect.scatter.add.f32 @!p1 [tilespmem:s24], [sflag:$0x6], $0x80, s26, s28, $0xb8;
	[tilespmem:$0x14800] =	vst v63  }
0x16b: {  	_ =	swait.ge @!p1 [sflag:s23], $0x4000  }
0x16c: {  	[sflag:s23] =	ssyncset.done @!p1 $0x0  }
0x16d: {  	s1 =	simm.s32 @!p0 $0x4;
	[sflag:s23] =	ssyncadd.s32 @!p1 $0xFFFFC000  }
0x16e: {  	_ =	swait.ge @!p0 [sflag:s1], $0x4000  }
0x16f: {  	s14 =	simm.s32 @!p0 $0x5;
	[sflag:s1] =	ssyncset.done @!p0 $0x0  }
0x170: {  	s15 =	simm.s32 @!p3 $0xA800;
	[sflag:s1] =	ssyncadd.s32 @!p0 $0xFFFFC000;
	s1 =	simm.s32 @!p3 $0x0  }
0x171: {  	[tilespmem:s15], [sflag:$0x3] =	stream.linear.gather @!p3 [hbm4b:s25+s1], $0x4000, $0x38;
	[tilespmem:$0x14800] =	vst v63  }
0x172: {  	s20 =	sadd.s32 @!p0 $0x180, s22;
	s1 =	simm.s32 @!p0 $0xE800;
	s15 =	simm.s32 @!p0 $0x80  }
0x173: {  	[spmem:s3] =	stream.indirect.scatter.add.f32 @!p0 [tilespmem:s1], [sflag:$0x5], $0x80, s20, s15, $0xb8;
	[tilespmem:$0x14800] =	vst v63  }
0x174: {  	_ =	swait.ge @!p0 [sflag:s14], $0x4000  }
0x175: {  	s30 =	sshll.u32 s0, $0x6;
	s19 =	sadd.s32 $0x1, s19;
	[sflag:s14] =	ssyncset.done @!p0 $0x0  }
0x176: {  	s31 =	sshrl.u32 s9, $0x3;
	[sflag:s14] =	ssyncadd.s32 @!p0 $0xFFFFC000;
	p0 =	sne.s32 s19, s12  }
.Ltmp1:
0x177: {  	s1 =	sor.u32 $0x1C05, s30;
	[bflag:$0x0] =	sbarrier.arrive $0xFFFF;
	(pc) =	sbr.rel @p0 .LBB2_1-.Ltmp1, $4  }
0x178: {  	[hbm:s11], [sflag:s1] =	dma.local [spmem:s31], $0x200  }
0x179: {  	_ =	swait.ge [sflag:s18], $0x200  }
0x17a: {  	[sflag:s18] =	ssyncset.done $0x0  }
0x17b: {  	[sflag:s18] =	ssyncadd.s32 $0xFFFFFE00  }
0x17c: {  	_ =	sfence.sel $0x180000  }
0x17d: {  	[bflag:$0x0] =	sbarrier.arrive $0xFFFF  }
0x17e: {  	_ =	strace $0x90000047  }
0x17f: {  	[bflag:$0x2] =	sbarrier.arrive $0xFFFF  }
0x180: {  	p0 =	sne.s32 s0, $0x0;
	s0 =	rddreg [dreg:$0x3]  }
0x181: {  	s0 =	sadd.s32 @!p0 $0x100000, s0  }
0x182: {  	[sflag:s0] =	ssyncadd.tile.s32 @!p0 $0x1;
	_ =	shalt  }
.Lfunc_end2:
_tile_overlayer_lowered:
.L_overlay_start_2:
0x183: {  	(tag) =	ssettag $0x2  }
0x184: {  	s0 =	rddreg [dreg:$0x0];
	s2 =	stileid.u32  }
0x185: {  	s1 =	rddreg [dreg:$0x1];
	p0 =	sne.s32 s2, $0x0  }
0x186: {  	s3 =	rddreg [dreg:$0x2];
	[bflag:$0x3] =	sbarrier.arrive $0xFFFF;
	s2 =	simm.s32 @!p0 $0x1C05  }
0x187: {  	[timem:s3], [sflag:s2] =	dma.local @!p0 [hbm:s0], s1  }
0x188: {  	s0 =	simm.s32 @!p0 $0x5  }
0x189: {  	_ =	swait.ge @!p0 [sflag:s0], s1  }
0x18a: {  	s1 =	ssub.s32 @!p0 $0x0, s1;
	[sflag:s0] =	ssyncset.done @!p0 $0x0  }
0x18b: {  	[sflag:s0] =	ssyncadd.s32 @!p0 s1  }
0x18c: {  	[bflag:$0x3] =	sbarrier.arrive $0xFFFF  }
0x18d: {  	_ =	shalt  }

</sc_bundles>
